<compile_context>
chip_gen: v7x
topology: tpu7x:2x2x1
jax: 0.10.2.dev20260603
libtpu: 0.0.44.dev20260713+nightly
codegen_flags: <defaults>
</compile_context>

<pallas_src>
import functools

import jax
import jax.numpy as jnp
from jax import lax
from jax.experimental import pallas as pl
from jax.experimental.pallas import tpu as pltpu
from jax.experimental.pallas import tpu_sc as plsc

_D = 256
_NP = 8192
_M = 64 * 576
_COMMIT = 0.25

_NCHUNK = 4
_MC = _M // _NCHUNK

_BM = 512
_CG = _MC // _BM


def _pnorm_body(p_ref, pn_ref):
    p = p_ref[...]
    pn_ref[...] = jnp.sum(p * p, axis=1)[None, :]


_pnorm = pl.pallas_call(
    _pnorm_body,
    in_specs=[pl.BlockSpec((_NP, _D), lambda: (0, 0))],
    out_specs=pl.BlockSpec((1, _NP), lambda: (0, 0)),
    out_shape=jax.ShapeDtypeStruct((1, _NP), jnp.float32),
)


def _dist_argmin_body(x_ref, p_ref, pn_ref, idx_ref):
    x = x_ref[...]
    xn = jnp.sum(x * x, axis=1, keepdims=True)
    mm = lax.dot_general(x * -2.0, p_ref[...], (((1,), (1,)), ((), ())),
                         preferred_element_type=jnp.float32)
    dist = (xn + pn_ref[...]) + mm
    idx = jnp.argmin(dist, axis=1).astype(jnp.int32)
    idx_ref[...] = idx[None, None, :]


def _build_dist_argmin(c):
    return pl.pallas_call(
        _dist_argmin_body,
        grid=(_CG,),
        in_specs=[
            pl.BlockSpec((_BM, _D), lambda i, c=c: (c * _CG + i, 0)),
            pl.BlockSpec((_NP, _D), lambda i: (0, 0)),
            pl.BlockSpec((1, _NP), lambda i: (0, 0)),
        ],
        out_specs=pl.BlockSpec((1, 1, _BM), lambda i: (i, 0, 0)),
        out_shape=jax.ShapeDtypeStruct((_CG, 1, _BM), jnp.int32),
    )


_dist_calls = [_build_dist_argmin(c) for c in range(_NCHUNK)]

_NC, _NS = 2, 16
_NW = _NC * _NS
_RPW = _MC // _NW
_CH = 96
_NCH = _RPW // _CH


@functools.cache
def _build_gather_sc():
    mesh = plsc.VectorSubcoreMesh(core_axis_name="c", subcore_axis_name="s")

    @functools.partial(
        pl.kernel,
        out_type=jax.ShapeDtypeStruct((_MC, _D), jnp.float32),
        mesh=mesh,
        scratch_types=[
            pltpu.VMEM((_CH,), jnp.int32),
            pltpu.VMEM((_CH, _D), jnp.float32),
            pltpu.SemaphoreType.DMA,
        ],
    )
    def gather_sc(idx_hbm, table_hbm, out_hbm, idx_v, rows_v, sem):
        wid = lax.axis_index("s") * _NC + lax.axis_index("c")
        base = wid * _RPW
        for j in range(_NCH):
            off = base + j * _CH
            pltpu.sync_copy(idx_hbm.at[pl.ds(off, _CH)], idx_v)
            pltpu.async_copy(table_hbm.at[idx_v], rows_v, sem).wait()
            pltpu.sync_copy(rows_v, out_hbm.at[pl.ds(off, _CH)])

    return gather_sc


_BR = 2304
_CGR = _MC // _BR


def _finish_body(c, is_last, x_ref, p_ref, *refs):
    first = len(refs) == 3
    ss_in = None if first else refs[2]
    pst_ref, res_ref, ss_ref = refs[-3:]
    i = pl.program_id(0)
    x = x_ref[...]
    p = p_ref[...]
    t = p - x
    pst = x + t
    pst_ref[...] = pst
    res_ref[...] = x - pst
    part = jnp.sum(t * t).reshape(1, 1)

    @pl.when(i == 0)
    def _():
        ss_ref[...] = part if first else ss_in[...] + part

    @pl.when(i > 0)
    def _():
        ss_ref[...] += part

    if is_last:
        @pl.when(i == _CGR - 1)
        def _():
            ss_ref[...] *= (1.0 + _COMMIT) / (_M * _D)


def _build_finish(c):
    first = c == 0
    is_last = c == _NCHUNK - 1
    win = lambda i, c=c: (c * _CGR + i, 0)
    in_specs = [
        pl.BlockSpec((_BR, _D), win),
        pl.BlockSpec((_BR, _D), lambda i: (i, 0)),
    ]
    if not first:
        in_specs += [
            pl.BlockSpec((8, 128), lambda i: (0, 0)),
            pl.BlockSpec((8, 128), lambda i: (0, 0)),
            pl.BlockSpec((1, 1), lambda i: (0, 0)),
        ]
    return pl.pallas_call(
        functools.partial(_finish_body, c, is_last),
        grid=(_CGR,),
        in_specs=in_specs,
        out_specs=[
            pl.BlockSpec((_BR, _D), win),
            pl.BlockSpec((_BR, _D), win),
            pl.BlockSpec((1, 1), lambda i: (0, 0)),
        ],
        out_shape=[
            jax.ShapeDtypeStruct((_M, _D), jnp.float32),
            jax.ShapeDtypeStruct((_M, _D), jnp.float32),
            jax.ShapeDtypeStruct((1, 1), jnp.float32),
        ],
        input_output_aliases={} if first else {2: 0, 3: 1, 4: 2},
    )


_finish_calls = [_build_finish(c) for c in range(_NCHUNK)]


def kernel(x, prototypes):
    x_shape = x.shape
    xf = x.reshape(_M, _D)
    gather = _build_gather_sc()
    pn = _pnorm(prototypes)
    proto_chunks = []
    for c in range(_NCHUNK):
        idx_c = _dist_calls[c](xf, prototypes, pn).reshape(_MC)
        proto_chunks.append(gather(idx_c, prototypes))
    pst, res, ss = _finish_calls[0](xf, proto_chunks[0])
    for c in range(1, _NCHUNK):
        pst, res, ss = _finish_calls[c](xf, proto_chunks[c], pst, res, ss)
    return (pst.reshape(x_shape), res.reshape(x_shape), ss.reshape(()))

# --- scband reference (transcript-rebuilt; emitter-appended) ---
"""Pipeline reference for scband-nn-71451075936307 (READ-ONLY COPY).

The authoritative reference and input builder live on the scoring server;
editing this copy changes nothing except your own understanding.
"""

import jax, jax.numpy as jnp
import numpy as np

OUTPUT_SIZE = 256
N_PROTOTYPES = 8192
COMMITMENT_COST = 0.25


def setup_inputs(seed: int = 0) -> dict:
    key = jax.random.key(seed)
    k1, k2 = jax.random.split(key)
    x = jax.random.normal(k1, (64, 576, OUTPUT_SIZE), dtype=jnp.float32)
    # learned parameter: prototype embedding table (nn.Embedding weight)
    prototypes = jax.random.normal(k2, (N_PROTOTYPES, OUTPUT_SIZE), dtype=jnp.float32)
    return {"x": x, "prototypes": prototypes}


def reference(x, prototypes):
    x_shape = x.shape
    xf = x.reshape(-1, OUTPUT_SIZE)
    # squared L2 distance between each vector and each prototype
    dist = (
        jnp.sum(xf ** 2, axis=1, keepdims=True)
        + jnp.sum(prototypes ** 2, axis=1)
        - 2.0 * jnp.matmul(xf, prototypes.T)
    )
    proto_indexes = jnp.argmin(dist, axis=1)
    M = xf.shape[0]
    # one-hot via scatter-overwrite (torch scatter_)
    prototype_OHE = jnp.zeros((M, N_PROTOTYPES), dtype=xf.dtype).at[
        jnp.arange(M), proto_indexes
    ].set(1.0)
    proto = jnp.matmul(prototype_OHE, prototypes).reshape(x_shape)
    xr = xf.reshape(x_shape)
    e_latent_loss = jnp.mean((jax.lax.stop_gradient(proto) - xr) ** 2)
    q_latent_loss = jnp.mean((proto - jax.lax.stop_gradient(xr)) ** 2)
    loss = q_latent_loss + COMMITMENT_COST * e_latent_loss
    # straight-through estimator
    proto_st = xr + jax.lax.stop_gradient(proto - xr)
    residuals = xr - proto_st
    return (proto_st, residuals, loss)

if __name__ == "__main__":
    import jax
    _d = setup_inputs()
    print(jax.jit(kernel)(*tuple(_d.values())))

</pallas_src>

<mosaic_0001>
#map = affine_map<(d0, d1) -> (0)>
#map1 = affine_map<(d0, d1) -> (0, 0)>
module attributes {stable_mosaic.version = 14 : i64} {
  func.func @gather_sc(%arg0: i32, %arg1: i32, %arg2: memref<9216xi32, #tpu.memory_space<hbm>>, %arg3: memref<8192x256xf32, #tpu.memory_space<hbm>>, %arg4: memref<9216x256xf32, #tpu.memory_space<hbm>>, %arg5: memref<96xi32, #tpu.memory_space<vmem>>, %arg6: memref<96x256xf32, #tpu.memory_space<vmem>>, %arg7: memref<!tpu.dma_semaphore, #tpu.memory_space<semaphore_mem>>) attributes {dimension_semantics = [#tpu.dimension_semantics<core_parallel>, #tpu.dimension_semantics<subcore_parallel>], iteration_bounds = array<i64: 2, 16>, scalar_prefetch = 0 : i64, scratch_operands = 3 : i64, tpu.core_type = #tpu.core_type<sc_vector_subcore>, window_params = [{transform_indices = #map}, {transform_indices = #map1}, {transform_indices = #map1}]} {
    %mul3A = arith.constant 2 : i32
    %mul3A_0 = arith.muli %arg1, %mul3A : i32
    %add3A = arith.addi %mul3A_0, %arg0 : i32
    %mul3A_1 = arith.constant 288 : i32
    %mul3A_2 = arith.muli %add3A, %mul3A_1 : i32
    %add3A_3 = arith.constant 0 : i32
    %add3A_4 = arith.addi %mul3A_2, %add3A_3 : i32
    "tpu.region"() ({
      %run_scoped3A = tpu.sem_alloc : memref<!tpu.dma_semaphore, #tpu.memory_space<semaphore_mem>>
      %dma_start3A_25 = tpu.memref_slice %arg2[%add3A_4] : memref<9216xi32, #tpu.memory_space<hbm>> -> memref<96xi32, #tpu.memory_space<hbm>>
      %dma_start3A_26 = tpu.memref_slice %arg2[%add3A_4] : memref<9216xi32, #tpu.memory_space<hbm>> -> memref<96xi32, #tpu.memory_space<hbm>>
      tpu.enqueue_dma source(%dma_start3A_26 : memref<96xi32, #tpu.memory_space<hbm>>) target(%arg5 : memref<96xi32, #tpu.memory_space<vmem>>) target_semaphore(%run_scoped3A : memref<!tpu.dma_semaphore, #tpu.memory_space<semaphore_mem>>)
      %dma_wait3A_27 = tpu.memref_slice %arg2[%add3A_4] : memref<9216xi32, #tpu.memory_space<hbm>> -> memref<96xi32, #tpu.memory_space<hbm>>
      %dma_wait3A_28 = tpu.memref_slice %arg2[%add3A_4] : memref<9216xi32, #tpu.memory_space<hbm>> -> memref<96xi32, #tpu.memory_space<hbm>>
      tpu.wait_dma2 semaphore(%run_scoped3A : memref<!tpu.dma_semaphore, #tpu.memory_space<semaphore_mem>>) src(%dma_wait3A_28 : memref<96xi32, #tpu.memory_space<hbm>>) dst(%arg5 : memref<96xi32, #tpu.memory_space<vmem>>)
      tpu.yield
    }) : () -> ()
    %dma_start3A = arith.constant 0 : i32
    %dma_start3A_5 = arith.constant 0 : i32
    %dma_start3A_6 = tpu.memref_slice %arg3[%dma_start3A, %dma_start3A_5] : memref<8192x256xf32, #tpu.memory_space<hbm>> -> memref<8192x256xf32, #tpu.memory_space<hbm>>
    tpu.enqueue_indirect_dma source(%dma_start3A_6 : memref<8192x256xf32, #tpu.memory_space<hbm>>) target(%arg6 : memref<96x256xf32, #tpu.memory_space<vmem>>) offsets(%arg5 : memref<96xi32, #tpu.memory_space<vmem>>) semaphore(%arg7 : memref<!tpu.dma_semaphore, #tpu.memory_space<semaphore_mem>>)
    %dma_wait3A = arith.constant 0 : i32
    %dma_wait3A_7 = arith.constant 0 : i32
    %dma_wait3A_8 = tpu.memref_slice %arg3[%dma_wait3A, %dma_wait3A_7] : memref<8192x256xf32, #tpu.memory_space<hbm>> -> memref<8192x256xf32, #tpu.memory_space<hbm>>
    tpu.wait_indirect_dma semaphore(%arg7 : memref<!tpu.dma_semaphore, #tpu.memory_space<semaphore_mem>>) src(%dma_wait3A_8 : memref<8192x256xf32, #tpu.memory_space<hbm>>) dst(%arg6 : memref<96x256xf32, #tpu.memory_space<vmem>>)
    "tpu.region"() ({
      %run_scoped3A = tpu.sem_alloc : memref<!tpu.dma_semaphore, #tpu.memory_space<semaphore_mem>>
      %dma_start3A_25 = arith.constant 0 : i32
      %dma_start3A_26 = tpu.memref_slice %arg4[%add3A_4, %dma_start3A_25] : memref<9216x256xf32, #tpu.memory_space<hbm>> -> memref<96x256xf32, #tpu.memory_space<hbm>>
      %dma_start3A_27 = arith.constant 0 : i32
      %dma_start3A_28 = tpu.memref_slice %arg4[%add3A_4, %dma_start3A_27] : memref<9216x256xf32, #tpu.memory_space<hbm>> -> memref<96x256xf32, #tpu.memory_space<hbm>>
      tpu.enqueue_dma source(%arg6 : memref<96x256xf32, #tpu.memory_space<vmem>>) target(%dma_start3A_28 : memref<96x256xf32, #tpu.memory_space<hbm>>) target_semaphore(%run_scoped3A : memref<!tpu.dma_semaphore, #tpu.memory_space<semaphore_mem>>)
      %dma_wait3A_29 = arith.constant 0 : i32
      %dma_wait3A_30 = tpu.memref_slice %arg4[%add3A_4, %dma_wait3A_29] : memref<9216x256xf32, #tpu.memory_space<hbm>> -> memref<96x256xf32, #tpu.memory_space<hbm>>
      %dma_wait3A_31 = arith.constant 0 : i32
      %dma_wait3A_32 = tpu.memref_slice %arg4[%add3A_4, %dma_wait3A_31] : memref<9216x256xf32, #tpu.memory_space<hbm>> -> memref<96x256xf32, #tpu.memory_space<hbm>>
      tpu.wait_dma2 semaphore(%run_scoped3A : memref<!tpu.dma_semaphore, #tpu.memory_space<semaphore_mem>>) src(%arg6 : memref<96x256xf32, #tpu.memory_space<vmem>>) dst(%dma_wait3A_32 : memref<96x256xf32, #tpu.memory_space<hbm>>)
      tpu.yield
    }) : () -> ()
    %add3A_9 = arith.constant 96 : i32
    %add3A_10 = arith.addi %mul3A_2, %add3A_9 : i32
    "tpu.region"() ({
      %run_scoped3A = tpu.sem_alloc : memref<!tpu.dma_semaphore, #tpu.memory_space<semaphore_mem>>
      %dma_start3A_25 = tpu.memref_slice %arg2[%add3A_10] : memref<9216xi32, #tpu.memory_space<hbm>> -> memref<96xi32, #tpu.memory_space<hbm>>
      %dma_start3A_26 = tpu.memref_slice %arg2[%add3A_10] : memref<9216xi32, #tpu.memory_space<hbm>> -> memref<96xi32, #tpu.memory_space<hbm>>
      tpu.enqueue_dma source(%dma_start3A_26 : memref<96xi32, #tpu.memory_space<hbm>>) target(%arg5 : memref<96xi32, #tpu.memory_space<vmem>>) target_semaphore(%run_scoped3A : memref<!tpu.dma_semaphore, #tpu.memory_space<semaphore_mem>>)
      %dma_wait3A_27 = tpu.memref_slice %arg2[%add3A_10] : memref<9216xi32, #tpu.memory_space<hbm>> -> memref<96xi32, #tpu.memory_space<hbm>>
      %dma_wait3A_28 = tpu.memref_slice %arg2[%add3A_10] : memref<9216xi32, #tpu.memory_space<hbm>> -> memref<96xi32, #tpu.memory_space<hbm>>
      tpu.wait_dma2 semaphore(%run_scoped3A : memref<!tpu.dma_semaphore, #tpu.memory_space<semaphore_mem>>) src(%dma_wait3A_28 : memref<96xi32, #tpu.memory_space<hbm>>) dst(%arg5 : memref<96xi32, #tpu.memory_space<vmem>>)
      tpu.yield
    }) : () -> ()
    %dma_start3A_11 = arith.constant 0 : i32
    %dma_start3A_12 = arith.constant 0 : i32
    %dma_start3A_13 = tpu.memref_slice %arg3[%dma_start3A_11, %dma_start3A_12] : memref<8192x256xf32, #tpu.memory_space<hbm>> -> memref<8192x256xf32, #tpu.memory_space<hbm>>
    tpu.enqueue_indirect_dma source(%dma_start3A_13 : memref<8192x256xf32, #tpu.memory_space<hbm>>) target(%arg6 : memref<96x256xf32, #tpu.memory_space<vmem>>) offsets(%arg5 : memref<96xi32, #tpu.memory_space<vmem>>) semaphore(%arg7 : memref<!tpu.dma_semaphore, #tpu.memory_space<semaphore_mem>>)
    %dma_wait3A_14 = arith.constant 0 : i32
    %dma_wait3A_15 = arith.constant 0 : i32
    %dma_wait3A_16 = tpu.memref_slice %arg3[%dma_wait3A_14, %dma_wait3A_15] : memref<8192x256xf32, #tpu.memory_space<hbm>> -> memref<8192x256xf32, #tpu.memory_space<hbm>>
    tpu.wait_indirect_dma semaphore(%arg7 : memref<!tpu.dma_semaphore, #tpu.memory_space<semaphore_mem>>) src(%dma_wait3A_16 : memref<8192x256xf32, #tpu.memory_space<hbm>>) dst(%arg6 : memref<96x256xf32, #tpu.memory_space<vmem>>)
    "tpu.region"() ({
      %run_scoped3A = tpu.sem_alloc : memref<!tpu.dma_semaphore, #tpu.memory_space<semaphore_mem>>
      %dma_start3A_25 = arith.constant 0 : i32
      %dma_start3A_26 = tpu.memref_slice %arg4[%add3A_10, %dma_start3A_25] : memref<9216x256xf32, #tpu.memory_space<hbm>> -> memref<96x256xf32, #tpu.memory_space<hbm>>
      %dma_start3A_27 = arith.constant 0 : i32
      %dma_start3A_28 = tpu.memref_slice %arg4[%add3A_10, %dma_start3A_27] : memref<9216x256xf32, #tpu.memory_space<hbm>> -> memref<96x256xf32, #tpu.memory_space<hbm>>
      tpu.enqueue_dma source(%arg6 : memref<96x256xf32, #tpu.memory_space<vmem>>) target(%dma_start3A_28 : memref<96x256xf32, #tpu.memory_space<hbm>>) target_semaphore(%run_scoped3A : memref<!tpu.dma_semaphore, #tpu.memory_space<semaphore_mem>>)
      %dma_wait3A_29 = arith.constant 0 : i32
      %dma_wait3A_30 = tpu.memref_slice %arg4[%add3A_10, %dma_wait3A_29] : memref<9216x256xf32, #tpu.memory_space<hbm>> -> memref<96x256xf32, #tpu.memory_space<hbm>>
      %dma_wait3A_31 = arith.constant 0 : i32
      %dma_wait3A_32 = tpu.memref_slice %arg4[%add3A_10, %dma_wait3A_31] : memref<9216x256xf32, #tpu.memory_space<hbm>> -> memref<96x256xf32, #tpu.memory_space<hbm>>
      tpu.wait_dma2 semaphore(%run_scoped3A : memref<!tpu.dma_semaphore, #tpu.memory_space<semaphore_mem>>) src(%arg6 : memref<96x256xf32, #tpu.memory_space<vmem>>) dst(%dma_wait3A_32 : memref<96x256xf32, #tpu.memory_space<hbm>>)
      tpu.yield
    }) : () -> ()
    %add3A_17 = arith.constant 192 : i32
    %add3A_18 = arith.addi %mul3A_2, %add3A_17 : i32
    "tpu.region"() ({
      %run_scoped3A = tpu.sem_alloc : memref<!tpu.dma_semaphore, #tpu.memory_space<semaphore_mem>>
      %dma_start3A_25 = tpu.memref_slice %arg2[%add3A_18] : memref<9216xi32, #tpu.memory_space<hbm>> -> memref<96xi32, #tpu.memory_space<hbm>>
      %dma_start3A_26 = tpu.memref_slice %arg2[%add3A_18] : memref<9216xi32, #tpu.memory_space<hbm>> -> memref<96xi32, #tpu.memory_space<hbm>>
      tpu.enqueue_dma source(%dma_start3A_26 : memref<96xi32, #tpu.memory_space<hbm>>) target(%arg5 : memref<96xi32, #tpu.memory_space<vmem>>) target_semaphore(%run_scoped3A : memref<!tpu.dma_semaphore, #tpu.memory_space<semaphore_mem>>)
      %dma_wait3A_27 = tpu.memref_slice %arg2[%add3A_18] : memref<9216xi32, #tpu.memory_space<hbm>> -> memref<96xi32, #tpu.memory_space<hbm>>
      %dma_wait3A_28 = tpu.memref_slice %arg2[%add3A_18] : memref<9216xi32, #tpu.memory_space<hbm>> -> memref<96xi32, #tpu.memory_space<hbm>>
      tpu.wait_dma2 semaphore(%run_scoped3A : memref<!tpu.dma_semaphore, #tpu.memory_space<semaphore_mem>>) src(%dma_wait3A_28 : memref<96xi32, #tpu.memory_space<hbm>>) dst(%arg5 : memref<96xi32, #tpu.memory_space<vmem>>)
      tpu.yield
    }) : () -> ()
    %dma_start3A_19 = arith.constant 0 : i32
    %dma_start3A_20 = arith.constant 0 : i32
    %dma_start3A_21 = tpu.memref_slice %arg3[%dma_start3A_19, %dma_start3A_20] : memref<8192x256xf32, #tpu.memory_space<hbm>> -> memref<8192x256xf32, #tpu.memory_space<hbm>>
    tpu.enqueue_indirect_dma source(%dma_start3A_21 : memref<8192x256xf32, #tpu.memory_space<hbm>>) target(%arg6 : memref<96x256xf32, #tpu.memory_space<vmem>>) offsets(%arg5 : memref<96xi32, #tpu.memory_space<vmem>>) semaphore(%arg7 : memref<!tpu.dma_semaphore, #tpu.memory_space<semaphore_mem>>)
    %dma_wait3A_22 = arith.constant 0 : i32
    %dma_wait3A_23 = arith.constant 0 : i32
    %dma_wait3A_24 = tpu.memref_slice %arg3[%dma_wait3A_22, %dma_wait3A_23] : memref<8192x256xf32, #tpu.memory_space<hbm>> -> memref<8192x256xf32, #tpu.memory_space<hbm>>
    tpu.wait_indirect_dma semaphore(%arg7 : memref<!tpu.dma_semaphore, #tpu.memory_space<semaphore_mem>>) src(%dma_wait3A_24 : memref<8192x256xf32, #tpu.memory_space<hbm>>) dst(%arg6 : memref<96x256xf32, #tpu.memory_space<vmem>>)
    "tpu.region"() ({
      %run_scoped3A = tpu.sem_alloc : memref<!tpu.dma_semaphore, #tpu.memory_space<semaphore_mem>>
      %dma_start3A_25 = arith.constant 0 : i32
      %dma_start3A_26 = tpu.memref_slice %arg4[%add3A_18, %dma_start3A_25] : memref<9216x256xf32, #tpu.memory_space<hbm>> -> memref<96x256xf32, #tpu.memory_space<hbm>>
      %dma_start3A_27 = arith.constant 0 : i32
      %dma_start3A_28 = tpu.memref_slice %arg4[%add3A_18, %dma_start3A_27] : memref<9216x256xf32, #tpu.memory_space<hbm>> -> memref<96x256xf32, #tpu.memory_space<hbm>>
      tpu.enqueue_dma source(%arg6 : memref<96x256xf32, #tpu.memory_space<vmem>>) target(%dma_start3A_28 : memref<96x256xf32, #tpu.memory_space<hbm>>) target_semaphore(%run_scoped3A : memref<!tpu.dma_semaphore, #tpu.memory_space<semaphore_mem>>)
      %dma_wait3A_29 = arith.constant 0 : i32
      %dma_wait3A_30 = tpu.memref_slice %arg4[%add3A_18, %dma_wait3A_29] : memref<9216x256xf32, #tpu.memory_space<hbm>> -> memref<96x256xf32, #tpu.memory_space<hbm>>
      %dma_wait3A_31 = arith.constant 0 : i32
      %dma_wait3A_32 = tpu.memref_slice %arg4[%add3A_18, %dma_wait3A_31] : memref<9216x256xf32, #tpu.memory_space<hbm>> -> memref<96x256xf32, #tpu.memory_space<hbm>>
      tpu.wait_dma2 semaphore(%run_scoped3A : memref<!tpu.dma_semaphore, #tpu.memory_space<semaphore_mem>>) src(%arg6 : memref<96x256xf32, #tpu.memory_space<vmem>>) dst(%dma_wait3A_32 : memref<96x256xf32, #tpu.memory_space<hbm>>)
      tpu.yield
    }) : () -> ()
    return
  }
}

#map = affine_map<(d0, d1) -> (0)>
#map1 = affine_map<(d0, d1) -> (0, 0)>
module attributes {stable_mosaic.version = 14 : i64} {
  func.func @gather_sc(%arg0: i32, %arg1: i32, %arg2: memref<9216xi32, #tpu.memory_space<hbm>>, %arg3: memref<8192x256xf32, #tpu.memory_space<hbm>>, %arg4: memref<9216x256xf32, #tpu.memory_space<hbm>>, %arg5: memref<96xi32, #tpu.memory_space<vmem>>, %arg6: memref<96x256xf32, #tpu.memory_space<vmem>>, %arg7: memref<!tpu.dma_semaphore, #tpu.memory_space<semaphore_mem>>) attributes {dimension_semantics = [#tpu.dimension_semantics<core_parallel>, #tpu.dimension_semantics<subcore_parallel>], iteration_bounds = array<i64: 2, 16>, scalar_prefetch = 0 : i64, scratch_operands = 3 : i64, tpu.core_type = #tpu.core_type<sc_vector_subcore>, window_params = [{transform_indices = #map}, {transform_indices = #map1}, {transform_indices = #map1}]} {
    %mul3A = arith.constant 2 : i32
    %mul3A_0 = arith.muli %arg1, %mul3A : i32
    %add3A = arith.addi %mul3A_0, %arg0 : i32
    %mul3A_1 = arith.constant 288 : i32
    %mul3A_2 = arith.muli %add3A, %mul3A_1 : i32
    %add3A_3 = arith.constant 0 : i32
    %add3A_4 = arith.addi %mul3A_2, %add3A_3 : i32
    "tpu.region"() ({
      %run_scoped3A = tpu.sem_alloc : memref<!tpu.dma_semaphore, #tpu.memory_space<semaphore_mem>>
      %dma_start3A_25 = tpu.memref_slice %arg2[%add3A_4] : memref<9216xi32, #tpu.memory_space<hbm>> -> memref<96xi32, #tpu.memory_space<hbm>>
      %dma_start3A_26 = tpu.memref_slice %arg2[%add3A_4] : memref<9216xi32, #tpu.memory_space<hbm>> -> memref<96xi32, #tpu.memory_space<hbm>>
      tpu.enqueue_dma source(%dma_start3A_26 : memref<96xi32, #tpu.memory_space<hbm>>) target(%arg5 : memref<96xi32, #tpu.memory_space<vmem>>) target_semaphore(%run_scoped3A : memref<!tpu.dma_semaphore, #tpu.memory_space<semaphore_mem>>)
      %dma_wait3A_27 = tpu.memref_slice %arg2[%add3A_4] : memref<9216xi32, #tpu.memory_space<hbm>> -> memref<96xi32, #tpu.memory_space<hbm>>
      %dma_wait3A_28 = tpu.memref_slice %arg2[%add3A_4] : memref<9216xi32, #tpu.memory_space<hbm>> -> memref<96xi32, #tpu.memory_space<hbm>>
      tpu.wait_dma2 semaphore(%run_scoped3A : memref<!tpu.dma_semaphore, #tpu.memory_space<semaphore_mem>>) src(%dma_wait3A_28 : memref<96xi32, #tpu.memory_space<hbm>>) dst(%arg5 : memref<96xi32, #tpu.memory_space<vmem>>)
      tpu.yield
    }) : () -> ()
    %dma_start3A = arith.constant 0 : i32
    %dma_start3A_5 = arith.constant 0 : i32
    %dma_start3A_6 = tpu.memref_slice %arg3[%dma_start3A, %dma_start3A_5] : memref<8192x256xf32, #tpu.memory_space<hbm>> -> memref<8192x256xf32, #tpu.memory_space<hbm>>
    tpu.enqueue_indirect_dma source(%dma_start3A_6 : memref<8192x256xf32, #tpu.memory_space<hbm>>) target(%arg6 : memref<96x256xf32, #tpu.memory_space<vmem>>) offsets(%arg5 : memref<96xi32, #tpu.memory_space<vmem>>) semaphore(%arg7 : memref<!tpu.dma_semaphore, #tpu.memory_space<semaphore_mem>>)
    %dma_wait3A = arith.constant 0 : i32
    %dma_wait3A_7 = arith.constant 0 : i32
    %dma_wait3A_8 = tpu.memref_slice %arg3[%dma_wait3A, %dma_wait3A_7] : memref<8192x256xf32, #tpu.memory_space<hbm>> -> memref<8192x256xf32, #tpu.memory_space<hbm>>
    tpu.wait_indirect_dma semaphore(%arg7 : memref<!tpu.dma_semaphore, #tpu.memory_space<semaphore_mem>>) src(%dma_wait3A_8 : memref<8192x256xf32, #tpu.memory_space<hbm>>) dst(%arg6 : memref<96x256xf32, #tpu.memory_space<vmem>>)
    "tpu.region"() ({
      %run_scoped3A = tpu.sem_alloc : memref<!tpu.dma_semaphore, #tpu.memory_space<semaphore_mem>>
      %dma_start3A_25 = arith.constant 0 : i32
      %dma_start3A_26 = tpu.memref_slice %arg4[%add3A_4, %dma_start3A_25] : memref<9216x256xf32, #tpu.memory_space<hbm>> -> memref<96x256xf32, #tpu.memory_space<hbm>>
      %dma_start3A_27 = arith.constant 0 : i32
      %dma_start3A_28 = tpu.memref_slice %arg4[%add3A_4, %dma_start3A_27] : memref<9216x256xf32, #tpu.memory_space<hbm>> -> memref<96x256xf32, #tpu.memory_space<hbm>>
      tpu.enqueue_dma source(%arg6 : memref<96x256xf32, #tpu.memory_space<vmem>>) target(%dma_start3A_28 : memref<96x256xf32, #tpu.memory_space<hbm>>) target_semaphore(%run_scoped3A : memref<!tpu.dma_semaphore, #tpu.memory_space<semaphore_mem>>)
      %dma_wait3A_29 = arith.constant 0 : i32
      %dma_wait3A_30 = tpu.memref_slice %arg4[%add3A_4, %dma_wait3A_29] : memref<9216x256xf32, #tpu.memory_space<hbm>> -> memref<96x256xf32, #tpu.memory_space<hbm>>
      %dma_wait3A_31 = arith.constant 0 : i32
      %dma_wait3A_32 = tpu.memref_slice %arg4[%add3A_4, %dma_wait3A_31] : memref<9216x256xf32, #tpu.memory_space<hbm>> -> memref<96x256xf32, #tpu.memory_space<hbm>>
      tpu.wait_dma2 semaphore(%run_scoped3A : memref<!tpu.dma_semaphore, #tpu.memory_space<semaphore_mem>>) src(%arg6 : memref<96x256xf32, #tpu.memory_space<vmem>>) dst(%dma_wait3A_32 : memref<96x256xf32, #tpu.memory_space<hbm>>)
      tpu.yield
    }) : () -> ()
    %add3A_9 = arith.constant 96 : i32
    %add3A_10 = arith.addi %mul3A_2, %add3A_9 : i32
    "tpu.region"() ({
      %run_scoped3A = tpu.sem_alloc : memref<!tpu.dma_semaphore, #tpu.memory_space<semaphore_mem>>
      %dma_start3A_25 = tpu.memref_slice %arg2[%add3A_10] : memref<9216xi32, #tpu.memory_space<hbm>> -> memref<96xi32, #tpu.memory_space<hbm>>
      %dma_start3A_26 = tpu.memref_slice %arg2[%add3A_10] : memref<9216xi32, #tpu.memory_space<hbm>> -> memref<96xi32, #tpu.memory_space<hbm>>
      tpu.enqueue_dma source(%dma_start3A_26 : memref<96xi32, #tpu.memory_space<hbm>>) target(%arg5 : memref<96xi32, #tpu.memory_space<vmem>>) target_semaphore(%run_scoped3A : memref<!tpu.dma_semaphore, #tpu.memory_space<semaphore_mem>>)
      %dma_wait3A_27 = tpu.memref_slice %arg2[%add3A_10] : memref<9216xi32, #tpu.memory_space<hbm>> -> memref<96xi32, #tpu.memory_space<hbm>>
      %dma_wait3A_28 = tpu.memref_slice %arg2[%add3A_10] : memref<9216xi32, #tpu.memory_space<hbm>> -> memref<96xi32, #tpu.memory_space<hbm>>
      tpu.wait_dma2 semaphore(%run_scoped3A : memref<!tpu.dma_semaphore, #tpu.memory_space<semaphore_mem>>) src(%dma_wait3A_28 : memref<96xi32, #tpu.memory_space<hbm>>) dst(%arg5 : memref<96xi32, #tpu.memory_space<vmem>>)
      tpu.yield
    }) : () -> ()
    %dma_start3A_11 = arith.constant 0 : i32
    %dma_start3A_12 = arith.constant 0 : i32
    %dma_start3A_13 = tpu.memref_slice %arg3[%dma_start3A_11, %dma_start3A_12] : memref<8192x256xf32, #tpu.memory_space<hbm>> -> memref<8192x256xf32, #tpu.memory_space<hbm>>
    tpu.enqueue_indirect_dma source(%dma_start3A_13 : memref<8192x256xf32, #tpu.memory_space<hbm>>) target(%arg6 : memref<96x256xf32, #tpu.memory_space<vmem>>) offsets(%arg5 : memref<96xi32, #tpu.memory_space<vmem>>) semaphore(%arg7 : memref<!tpu.dma_semaphore, #tpu.memory_space<semaphore_mem>>)
    %dma_wait3A_14 = arith.constant 0 : i32
    %dma_wait3A_15 = arith.constant 0 : i32
    %dma_wait3A_16 = tpu.memref_slice %arg3[%dma_wait3A_14, %dma_wait3A_15] : memref<8192x256xf32, #tpu.memory_space<hbm>> -> memref<8192x256xf32, #tpu.memory_space<hbm>>
    tpu.wait_indirect_dma semaphore(%arg7 : memref<!tpu.dma_semaphore, #tpu.memory_space<semaphore_mem>>) src(%dma_wait3A_16 : memref<8192x256xf32, #tpu.memory_space<hbm>>) dst(%arg6 : memref<96x256xf32, #tpu.memory_space<vmem>>)
    "tpu.region"() ({
      %run_scoped3A = tpu.sem_alloc : memref<!tpu.dma_semaphore, #tpu.memory_space<semaphore_mem>>
      %dma_start3A_25 = arith.constant 0 : i32
      %dma_start3A_26 = tpu.memref_slice %arg4[%add3A_10, %dma_start3A_25] : memref<9216x256xf32, #tpu.memory_space<hbm>> -> memref<96x256xf32, #tpu.memory_space<hbm>>
      %dma_start3A_27 = arith.constant 0 : i32
      %dma_start3A_28 = tpu.memref_slice %arg4[%add3A_10, %dma_start3A_27] : memref<9216x256xf32, #tpu.memory_space<hbm>> -> memref<96x256xf32, #tpu.memory_space<hbm>>
      tpu.enqueue_dma source(%arg6 : memref<96x256xf32, #tpu.memory_space<vmem>>) target(%dma_start3A_28 : memref<96x256xf32, #tpu.memory_space<hbm>>) target_semaphore(%run_scoped3A : memref<!tpu.dma_semaphore, #tpu.memory_space<semaphore_mem>>)
      %dma_wait3A_29 = arith.constant 0 : i32
      %dma_wait3A_30 = tpu.memref_slice %arg4[%add3A_10, %dma_wait3A_29] : memref<9216x256xf32, #tpu.memory_space<hbm>> -> memref<96x256xf32, #tpu.memory_space<hbm>>
      %dma_wait3A_31 = arith.constant 0 : i32
      %dma_wait3A_32 = tpu.memref_slice %arg4[%add3A_10, %dma_wait3A_31] : memref<9216x256xf32, #tpu.memory_space<hbm>> -> memref<96x256xf32, #tpu.memory_space<hbm>>
      tpu.wait_dma2 semaphore(%run_scoped3A : memref<!tpu.dma_semaphore, #tpu.memory_space<semaphore_mem>>) src(%arg6 : memref<96x256xf32, #tpu.memory_space<vmem>>) dst(%dma_wait3A_32 : memref<96x256xf32, #tpu.memory_space<hbm>>)
      tpu.yield
    }) : () -> ()
    %add3A_17 = arith.constant 192 : i32
    %add3A_18 = arith.addi %mul3A_2, %add3A_17 : i32
    "tpu.region"() ({
      %run_scoped3A = tpu.sem_alloc : memref<!tpu.dma_semaphore, #tpu.memory_space<semaphore_mem>>
      %dma_start3A_25 = tpu.memref_slice %arg2[%add3A_18] : memref<9216xi32, #tpu.memory_space<hbm>> -> memref<96xi32, #tpu.memory_space<hbm>>
      %dma_start3A_26 = tpu.memref_slice %arg2[%add3A_18] : memref<9216xi32, #tpu.memory_space<hbm>> -> memref<96xi32, #tpu.memory_space<hbm>>
      tpu.enqueue_dma source(%dma_start3A_26 : memref<96xi32, #tpu.memory_space<hbm>>) target(%arg5 : memref<96xi32, #tpu.memory_space<vmem>>) target_semaphore(%run_scoped3A : memref<!tpu.dma_semaphore, #tpu.memory_space<semaphore_mem>>)
      %dma_wait3A_27 = tpu.memref_slice %arg2[%add3A_18] : memref<9216xi32, #tpu.memory_space<hbm>> -> memref<96xi32, #tpu.memory_space<hbm>>
      %dma_wait3A_28 = tpu.memref_slice %arg2[%add3A_18] : memref<9216xi32, #tpu.memory_space<hbm>> -> memref<96xi32, #tpu.memory_space<hbm>>
      tpu.wait_dma2 semaphore(%run_scoped3A : memref<!tpu.dma_semaphore, #tpu.memory_space<semaphore_mem>>) src(%dma_wait3A_28 : memref<96xi32, #tpu.memory_space<hbm>>) dst(%arg5 : memref<96xi32, #tpu.memory_space<vmem>>)
      tpu.yield
    }) : () -> ()
    %dma_start3A_19 = arith.constant 0 : i32
    %dma_start3A_20 = arith.constant 0 : i32
    %dma_start3A_21 = tpu.memref_slice %arg3[%dma_start3A_19, %dma_start3A_20] : memref<8192x256xf32, #tpu.memory_space<hbm>> -> memref<8192x256xf32, #tpu.memory_space<hbm>>
    tpu.enqueue_indirect_dma source(%dma_start3A_21 : memref<8192x256xf32, #tpu.memory_space<hbm>>) target(%arg6 : memref<96x256xf32, #tpu.memory_space<vmem>>) offsets(%arg5 : memref<96xi32, #tpu.memory_space<vmem>>) semaphore(%arg7 : memref<!tpu.dma_semaphore, #tpu.memory_space<semaphore_mem>>)
    %dma_wait3A_22 = arith.constant 0 : i32
    %dma_wait3A_23 = arith.constant 0 : i32
    %dma_wait3A_24 = tpu.memref_slice %arg3[%dma_wait3A_22, %dma_wait3A_23] : memref<8192x256xf32, #tpu.memory_space<hbm>> -> memref<8192x256xf32, #tpu.memory_space<hbm>>
    tpu.wait_indirect_dma semaphore(%arg7 : memref<!tpu.dma_semaphore, #tpu.memory_space<semaphore_mem>>) src(%dma_wait3A_24 : memref<8192x256xf32, #tpu.memory_space<hbm>>) dst(%arg6 : memref<96x256xf32, #tpu.memory_space<vmem>>)
    "tpu.region"() ({
      %run_scoped3A = tpu.sem_alloc : memref<!tpu.dma_semaphore, #tpu.memory_space<semaphore_mem>>
      %dma_start3A_25 = arith.constant 0 : i32
      %dma_start3A_26 = tpu.memref_slice %arg4[%add3A_18, %dma_start3A_25] : memref<9216x256xf32, #tpu.memory_space<hbm>> -> memref<96x256xf32, #tpu.memory_space<hbm>>
      %dma_start3A_27 = arith.constant 0 : i32
      %dma_start3A_28 = tpu.memref_slice %arg4[%add3A_18, %dma_start3A_27] : memref<9216x256xf32, #tpu.memory_space<hbm>> -> memref<96x256xf32, #tpu.memory_space<hbm>>
      tpu.enqueue_dma source(%arg6 : memref<96x256xf32, #tpu.memory_space<vmem>>) target(%dma_start3A_28 : memref<96x256xf32, #tpu.memory_space<hbm>>) target_semaphore(%run_scoped3A : memref<!tpu.dma_semaphore, #tpu.memory_space<semaphore_mem>>)
      %dma_wait3A_29 = arith.constant 0 : i32
      %dma_wait3A_30 = tpu.memref_slice %arg4[%add3A_18, %dma_wait3A_29] : memref<9216x256xf32, #tpu.memory_space<hbm>> -> memref<96x256xf32, #tpu.memory_space<hbm>>
      %dma_wait3A_31 = arith.constant 0 : i32
      %dma_wait3A_32 = tpu.memref_slice %arg4[%add3A_18, %dma_wait3A_31] : memref<9216x256xf32, #tpu.memory_space<hbm>> -> memref<96x256xf32, #tpu.memory_space<hbm>>
      tpu.wait_dma2 semaphore(%run_scoped3A : memref<!tpu.dma_semaphore, #tpu.memory_space<semaphore_mem>>) src(%arg6 : memref<96x256xf32, #tpu.memory_space<vmem>>) dst(%dma_wait3A_32 : memref<96x256xf32, #tpu.memory_space<hbm>>)
      tpu.yield
    }) : () -> ()
    return
  }
}

#map = affine_map<(d0, d1) -> (0)>
#map1 = affine_map<(d0, d1) -> (0, 0)>
module attributes {stable_mosaic.version = 14 : i64} {
  func.func @gather_sc(%arg0: i32, %arg1: i32, %arg2: memref<9216xi32, #tpu.memory_space<hbm>>, %arg3: memref<8192x256xf32, #tpu.memory_space<hbm>>, %arg4: memref<9216x256xf32, #tpu.memory_space<hbm>>, %arg5: memref<96xi32, #tpu.memory_space<vmem>>, %arg6: memref<96x256xf32, #tpu.memory_space<vmem>>, %arg7: memref<!tpu.dma_semaphore, #tpu.memory_space<semaphore_mem>>) attributes {dimension_semantics = [#tpu.dimension_semantics<core_parallel>, #tpu.dimension_semantics<subcore_parallel>], iteration_bounds = array<i64: 2, 16>, scalar_prefetch = 0 : i64, scratch_operands = 3 : i64, tpu.core_type = #tpu.core_type<sc_vector_subcore>, window_params = [{transform_indices = #map}, {transform_indices = #map1}, {transform_indices = #map1}]} {
    %mul3A = arith.constant 2 : i32
    %mul3A_0 = arith.muli %arg1, %mul3A : i32
    %add3A = arith.addi %mul3A_0, %arg0 : i32
    %mul3A_1 = arith.constant 288 : i32
    %mul3A_2 = arith.muli %add3A, %mul3A_1 : i32
    %add3A_3 = arith.constant 0 : i32
    %add3A_4 = arith.addi %mul3A_2, %add3A_3 : i32
    "tpu.region"() ({
      %run_scoped3A = tpu.sem_alloc : memref<!tpu.dma_semaphore, #tpu.memory_space<semaphore_mem>>
      %dma_start3A_25 = tpu.memref_slice %arg2[%add3A_4] : memref<9216xi32, #tpu.memory_space<hbm>> -> memref<96xi32, #tpu.memory_space<hbm>>
      %dma_start3A_26 = tpu.memref_slice %arg2[%add3A_4] : memref<9216xi32, #tpu.memory_space<hbm>> -> memref<96xi32, #tpu.memory_space<hbm>>
      tpu.enqueue_dma source(%dma_start3A_26 : memref<96xi32, #tpu.memory_space<hbm>>) target(%arg5 : memref<96xi32, #tpu.memory_space<vmem>>) target_semaphore(%run_scoped3A : memref<!tpu.dma_semaphore, #tpu.memory_space<semaphore_mem>>)
      %dma_wait3A_27 = tpu.memref_slice %arg2[%add3A_4] : memref<9216xi32, #tpu.memory_space<hbm>> -> memref<96xi32, #tpu.memory_space<hbm>>
      %dma_wait3A_28 = tpu.memref_slice %arg2[%add3A_4] : memref<9216xi32, #tpu.memory_space<hbm>> -> memref<96xi32, #tpu.memory_space<hbm>>
      tpu.wait_dma2 semaphore(%run_scoped3A : memref<!tpu.dma_semaphore, #tpu.memory_space<semaphore_mem>>) src(%dma_wait3A_28 : memref<96xi32, #tpu.memory_space<hbm>>) dst(%arg5 : memref<96xi32, #tpu.memory_space<vmem>>)
      tpu.yield
    }) : () -> ()
    %dma_start3A = arith.constant 0 : i32
    %dma_start3A_5 = arith.constant 0 : i32
    %dma_start3A_6 = tpu.memref_slice %arg3[%dma_start3A, %dma_start3A_5] : memref<8192x256xf32, #tpu.memory_space<hbm>> -> memref<8192x256xf32, #tpu.memory_space<hbm>>
    tpu.enqueue_indirect_dma source(%dma_start3A_6 : memref<8192x256xf32, #tpu.memory_space<hbm>>) target(%arg6 : memref<96x256xf32, #tpu.memory_space<vmem>>) offsets(%arg5 : memref<96xi32, #tpu.memory_space<vmem>>) semaphore(%arg7 : memref<!tpu.dma_semaphore, #tpu.memory_space<semaphore_mem>>)
    %dma_wait3A = arith.constant 0 : i32
    %dma_wait3A_7 = arith.constant 0 : i32
    %dma_wait3A_8 = tpu.memref_slice %arg3[%dma_wait3A, %dma_wait3A_7] : memref<8192x256xf32, #tpu.memory_space<hbm>> -> memref<8192x256xf32, #tpu.memory_space<hbm>>
    tpu.wait_indirect_dma semaphore(%arg7 : memref<!tpu.dma_semaphore, #tpu.memory_space<semaphore_mem>>) src(%dma_wait3A_8 : memref<8192x256xf32, #tpu.memory_space<hbm>>) dst(%arg6 : memref<96x256xf32, #tpu.memory_space<vmem>>)
    "tpu.region"() ({
      %run_scoped3A = tpu.sem_alloc : memref<!tpu.dma_semaphore, #tpu.memory_space<semaphore_mem>>
      %dma_start3A_25 = arith.constant 0 : i32
      %dma_start3A_26 = tpu.memref_slice %arg4[%add3A_4, %dma_start3A_25] : memref<9216x256xf32, #tpu.memory_space<hbm>> -> memref<96x256xf32, #tpu.memory_space<hbm>>
      %dma_start3A_27 = arith.constant 0 : i32
      %dma_start3A_28 = tpu.memref_slice %arg4[%add3A_4, %dma_start3A_27] : memref<9216x256xf32, #tpu.memory_space<hbm>> -> memref<96x256xf32, #tpu.memory_space<hbm>>
      tpu.enqueue_dma source(%arg6 : memref<96x256xf32, #tpu.memory_space<vmem>>) target(%dma_start3A_28 : memref<96x256xf32, #tpu.memory_space<hbm>>) target_semaphore(%run_scoped3A : memref<!tpu.dma_semaphore, #tpu.memory_space<semaphore_mem>>)
      %dma_wait3A_29 = arith.constant 0 : i32
      %dma_wait3A_30 = tpu.memref_slice %arg4[%add3A_4, %dma_wait3A_29] : memref<9216x256xf32, #tpu.memory_space<hbm>> -> memref<96x256xf32, #tpu.memory_space<hbm>>
      %dma_wait3A_31 = arith.constant 0 : i32
      %dma_wait3A_32 = tpu.memref_slice %arg4[%add3A_4, %dma_wait3A_31] : memref<9216x256xf32, #tpu.memory_space<hbm>> -> memref<96x256xf32, #tpu.memory_space<hbm>>
      tpu.wait_dma2 semaphore(%run_scoped3A : memref<!tpu.dma_semaphore, #tpu.memory_space<semaphore_mem>>) src(%arg6 : memref<96x256xf32, #tpu.memory_space<vmem>>) dst(%dma_wait3A_32 : memref<96x256xf32, #tpu.memory_space<hbm>>)
      tpu.yield
    }) : () -> ()
    %add3A_9 = arith.constant 96 : i32
    %add3A_10 = arith.addi %mul3A_2, %add3A_9 : i32
    "tpu.region"() ({
      %run_scoped3A = tpu.sem_alloc : memref<!tpu.dma_semaphore, #tpu.memory_space<semaphore_mem>>
      %dma_start3A_25 = tpu.memref_slice %arg2[%add3A_10] : memref<9216xi32, #tpu.memory_space<hbm>> -> memref<96xi32, #tpu.memory_space<hbm>>
      %dma_start3A_26 = tpu.memref_slice %arg2[%add3A_10] : memref<9216xi32, #tpu.memory_space<hbm>> -> memref<96xi32, #tpu.memory_space<hbm>>
      tpu.enqueue_dma source(%dma_start3A_26 : memref<96xi32, #tpu.memory_space<hbm>>) target(%arg5 : memref<96xi32, #tpu.memory_space<vmem>>) target_semaphore(%run_scoped3A : memref<!tpu.dma_semaphore, #tpu.memory_space<semaphore_mem>>)
      %dma_wait3A_27 = tpu.memref_slice %arg2[%add3A_10] : memref<9216xi32, #tpu.memory_space<hbm>> -> memref<96xi32, #tpu.memory_space<hbm>>
      %dma_wait3A_28 = tpu.memref_slice %arg2[%add3A_10] : memref<9216xi32, #tpu.memory_space<hbm>> -> memref<96xi32, #tpu.memory_space<hbm>>
      tpu.wait_dma2 semaphore(%run_scoped3A : memref<!tpu.dma_semaphore, #tpu.memory_space<semaphore_mem>>) src(%dma_wait3A_28 : memref<96xi32, #tpu.memory_space<hbm>>) dst(%arg5 : memref<96xi32, #tpu.memory_space<vmem>>)
      tpu.yield
    }) : () -> ()
    %dma_start3A_11 = arith.constant 0 : i32
    %dma_start3A_12 = arith.constant 0 : i32
    %dma_start3A_13 = tpu.memref_slice %arg3[%dma_start3A_11, %dma_start3A_12] : memref<8192x256xf32, #tpu.memory_space<hbm>> -> memref<8192x256xf32, #tpu.memory_space<hbm>>
    tpu.enqueue_indirect_dma source(%dma_start3A_13 : memref<8192x256xf32, #tpu.memory_space<hbm>>) target(%arg6 : memref<96x256xf32, #tpu.memory_space<vmem>>) offsets(%arg5 : memref<96xi32, #tpu.memory_space<vmem>>) semaphore(%arg7 : memref<!tpu.dma_semaphore, #tpu.memory_space<semaphore_mem>>)
    %dma_wait3A_14 = arith.constant 0 : i32
    %dma_wait3A_15 = arith.constant 0 : i32
    %dma_wait3A_16 = tpu.memref_slice %arg3[%dma_wait3A_14, %dma_wait3A_15] : memref<8192x256xf32, #tpu.memory_space<hbm>> -> memref<8192x256xf32, #tpu.memory_space<hbm>>
    tpu.wait_indirect_dma semaphore(%arg7 : memref<!tpu.dma_semaphore, #tpu.memory_space<semaphore_mem>>) src(%dma_wait3A_16 : memref<8192x256xf32, #tpu.memory_space<hbm>>) dst(%arg6 : memref<96x256xf32, #tpu.memory_space<vmem>>)
    "tpu.region"() ({
      %run_scoped3A = tpu.sem_alloc : memref<!tpu.dma_semaphore, #tpu.memory_space<semaphore_mem>>
      %dma_start3A_25 = arith.constant 0 : i32
      %dma_start3A_26 = tpu.memref_slice %arg4[%add3A_10, %dma_start3A_25] : memref<9216x256xf32, #tpu.memory_space<hbm>> -> memref<96x256xf32, #tpu.memory_space<hbm>>
      %dma_start3A_27 = arith.constant 0 : i32
      %dma_start3A_28 = tpu.memref_slice %arg4[%add3A_10, %dma_start3A_27] : memref<9216x256xf32, #tpu.memory_space<hbm>> -> memref<96x256xf32, #tpu.memory_space<hbm>>
      tpu.enqueue_dma source(%arg6 : memref<96x256xf32, #tpu.memory_space<vmem>>) target(%dma_start3A_28 : memref<96x256xf32, #tpu.memory_space<hbm>>) target_semaphore(%run_scoped3A : memref<!tpu.dma_semaphore, #tpu.memory_space<semaphore_mem>>)
      %dma_wait3A_29 = arith.constant 0 : i32
      %dma_wait3A_30 = tpu.memref_slice %arg4[%add3A_10, %dma_wait3A_29] : memref<9216x256xf32, #tpu.memory_space<hbm>> -> memref<96x256xf32, #tpu.memory_space<hbm>>
      %dma_wait3A_31 = arith.constant 0 : i32
      %dma_wait3A_32 = tpu.memref_slice %arg4[%add3A_10, %dma_wait3A_31] : memref<9216x256xf32, #tpu.memory_space<hbm>> -> memref<96x256xf32, #tpu.memory_space<hbm>>
      tpu.wait_dma2 semaphore(%run_scoped3A : memref<!tpu.dma_semaphore, #tpu.memory_space<semaphore_mem>>) src(%arg6 : memref<96x256xf32, #tpu.memory_space<vmem>>) dst(%dma_wait3A_32 : memref<96x256xf32, #tpu.memory_space<hbm>>)
      tpu.yield
    }) : () -> ()
    %add3A_17 = arith.constant 192 : i32
    %add3A_18 = arith.addi %mul3A_2, %add3A_17 : i32
    "tpu.region"() ({
      %run_scoped3A = tpu.sem_alloc : memref<!tpu.dma_semaphore, #tpu.memory_space<semaphore_mem>>
      %dma_start3A_25 = tpu.memref_slice %arg2[%add3A_18] : memref<9216xi32, #tpu.memory_space<hbm>> -> memref<96xi32, #tpu.memory_space<hbm>>
      %dma_start3A_26 = tpu.memref_slice %arg2[%add3A_18] : memref<9216xi32, #tpu.memory_space<hbm>> -> memref<96xi32, #tpu.memory_space<hbm>>
      tpu.enqueue_dma source(%dma_start3A_26 : memref<96xi32, #tpu.memory_space<hbm>>) target(%arg5 : memref<96xi32, #tpu.memory_space<vmem>>) target_semaphore(%run_scoped3A : memref<!tpu.dma_semaphore, #tpu.memory_space<semaphore_mem>>)
      %dma_wait3A_27 = tpu.memref_slice %arg2[%add3A_18] : memref<9216xi32, #tpu.memory_space<hbm>> -> memref<96xi32, #tpu.memory_space<hbm>>
      %dma_wait3A_28 = tpu.memref_slice %arg2[%add3A_18] : memref<9216xi32, #tpu.memory_space<hbm>> -> memref<96xi32, #tpu.memory_space<hbm>>
      tpu.wait_dma2 semaphore(%run_scoped3A : memref<!tpu.dma_semaphore, #tpu.memory_space<semaphore_mem>>) src(%dma_wait3A_28 : memref<96xi32, #tpu.memory_space<hbm>>) dst(%arg5 : memref<96xi32, #tpu.memory_space<vmem>>)
      tpu.yield
    }) : () -> ()
    %dma_start3A_19 = arith.constant 0 : i32
    %dma_start3A_20 = arith.constant 0 : i32
    %dma_start3A_21 = tpu.memref_slice %arg3[%dma_start3A_19, %dma_start3A_20] : memref<8192x256xf32, #tpu.memory_space<hbm>> -> memref<8192x256xf32, #tpu.memory_space<hbm>>
    tpu.enqueue_indirect_dma source(%dma_start3A_21 : memref<8192x256xf32, #tpu.memory_space<hbm>>) target(%arg6 : memref<96x256xf32, #tpu.memory_space<vmem>>) offsets(%arg5 : memref<96xi32, #tpu.memory_space<vmem>>) semaphore(%arg7 : memref<!tpu.dma_semaphore, #tpu.memory_space<semaphore_mem>>)
    %dma_wait3A_22 = arith.constant 0 : i32
    %dma_wait3A_23 = arith.constant 0 : i32
    %dma_wait3A_24 = tpu.memref_slice %arg3[%dma_wait3A_22, %dma_wait3A_23] : memref<8192x256xf32, #tpu.memory_space<hbm>> -> memref<8192x256xf32, #tpu.memory_space<hbm>>
    tpu.wait_indirect_dma semaphore(%arg7 : memref<!tpu.dma_semaphore, #tpu.memory_space<semaphore_mem>>) src(%dma_wait3A_24 : memref<8192x256xf32, #tpu.memory_space<hbm>>) dst(%arg6 : memref<96x256xf32, #tpu.memory_space<vmem>>)
    "tpu.region"() ({
      %run_scoped3A = tpu.sem_alloc : memref<!tpu.dma_semaphore, #tpu.memory_space<semaphore_mem>>
      %dma_start3A_25 = arith.constant 0 : i32
      %dma_start3A_26 = tpu.memref_slice %arg4[%add3A_18, %dma_start3A_25] : memref<9216x256xf32, #tpu.memory_space<hbm>> -> memref<96x256xf32, #tpu.memory_space<hbm>>
      %dma_start3A_27 = arith.constant 0 : i32
      %dma_start3A_28 = tpu.memref_slice %arg4[%add3A_18, %dma_start3A_27] : memref<9216x256xf32, #tpu.memory_space<hbm>> -> memref<96x256xf32, #tpu.memory_space<hbm>>
      tpu.enqueue_dma source(%arg6 : memref<96x256xf32, #tpu.memory_space<vmem>>) target(%dma_start3A_28 : memref<96x256xf32, #tpu.memory_space<hbm>>) target_semaphore(%run_scoped3A : memref<!tpu.dma_semaphore, #tpu.memory_space<semaphore_mem>>)
      %dma_wait3A_29 = arith.constant 0 : i32
      %dma_wait3A_30 = tpu.memref_slice %arg4[%add3A_18, %dma_wait3A_29] : memref<9216x256xf32, #tpu.memory_space<hbm>> -> memref<96x256xf32, #tpu.memory_space<hbm>>
      %dma_wait3A_31 = arith.constant 0 : i32
      %dma_wait3A_32 = tpu.memref_slice %arg4[%add3A_18, %dma_wait3A_31] : memref<9216x256xf32, #tpu.memory_space<hbm>> -> memref<96x256xf32, #tpu.memory_space<hbm>>
      tpu.wait_dma2 semaphore(%run_scoped3A : memref<!tpu.dma_semaphore, #tpu.memory_space<semaphore_mem>>) src(%arg6 : memref<96x256xf32, #tpu.memory_space<vmem>>) dst(%dma_wait3A_32 : memref<96x256xf32, #tpu.memory_space<hbm>>)
      tpu.yield
    }) : () -> ()
    return
  }
}

#map = affine_map<(d0, d1) -> (0)>
#map1 = affine_map<(d0, d1) -> (0, 0)>
module attributes {stable_mosaic.version = 14 : i64} {
  func.func @gather_sc(%arg0: i32, %arg1: i32, %arg2: memref<9216xi32, #tpu.memory_space<hbm>>, %arg3: memref<8192x256xf32, #tpu.memory_space<hbm>>, %arg4: memref<9216x256xf32, #tpu.memory_space<hbm>>, %arg5: memref<96xi32, #tpu.memory_space<vmem>>, %arg6: memref<96x256xf32, #tpu.memory_space<vmem>>, %arg7: memref<!tpu.dma_semaphore, #tpu.memory_space<semaphore_mem>>) attributes {dimension_semantics = [#tpu.dimension_semantics<core_parallel>, #tpu.dimension_semantics<subcore_parallel>], iteration_bounds = array<i64: 2, 16>, scalar_prefetch = 0 : i64, scratch_operands = 3 : i64, tpu.core_type = #tpu.core_type<sc_vector_subcore>, window_params = [{transform_indices = #map}, {transform_indices = #map1}, {transform_indices = #map1}]} {
    %mul3A = arith.constant 2 : i32
    %mul3A_0 = arith.muli %arg1, %mul3A : i32
    %add3A = arith.addi %mul3A_0, %arg0 : i32
    %mul3A_1 = arith.constant 288 : i32
    %mul3A_2 = arith.muli %add3A, %mul3A_1 : i32
    %add3A_3 = arith.constant 0 : i32
    %add3A_4 = arith.addi %mul3A_2, %add3A_3 : i32
    "tpu.region"() ({
      %run_scoped3A = tpu.sem_alloc : memref<!tpu.dma_semaphore, #tpu.memory_space<semaphore_mem>>
      %dma_start3A_25 = tpu.memref_slice %arg2[%add3A_4] : memref<9216xi32, #tpu.memory_space<hbm>> -> memref<96xi32, #tpu.memory_space<hbm>>
      %dma_start3A_26 = tpu.memref_slice %arg2[%add3A_4] : memref<9216xi32, #tpu.memory_space<hbm>> -> memref<96xi32, #tpu.memory_space<hbm>>
      tpu.enqueue_dma source(%dma_start3A_26 : memref<96xi32, #tpu.memory_space<hbm>>) target(%arg5 : memref<96xi32, #tpu.memory_space<vmem>>) target_semaphore(%run_scoped3A : memref<!tpu.dma_semaphore, #tpu.memory_space<semaphore_mem>>)
      %dma_wait3A_27 = tpu.memref_slice %arg2[%add3A_4] : memref<9216xi32, #tpu.memory_space<hbm>> -> memref<96xi32, #tpu.memory_space<hbm>>
      %dma_wait3A_28 = tpu.memref_slice %arg2[%add3A_4] : memref<9216xi32, #tpu.memory_space<hbm>> -> memref<96xi32, #tpu.memory_space<hbm>>
      tpu.wait_dma2 semaphore(%run_scoped3A : memref<!tpu.dma_semaphore, #tpu.memory_space<semaphore_mem>>) src(%dma_wait3A_28 : memref<96xi32, #tpu.memory_space<hbm>>) dst(%arg5 : memref<96xi32, #tpu.memory_space<vmem>>)
      tpu.yield
    }) : () -> ()
    %dma_start3A = arith.constant 0 : i32
    %dma_start3A_5 = arith.constant 0 : i32
    %dma_start3A_6 = tpu.memref_slice %arg3[%dma_start3A, %dma_start3A_5] : memref<8192x256xf32, #tpu.memory_space<hbm>> -> memref<8192x256xf32, #tpu.memory_space<hbm>>
    tpu.enqueue_indirect_dma source(%dma_start3A_6 : memref<8192x256xf32, #tpu.memory_space<hbm>>) target(%arg6 : memref<96x256xf32, #tpu.memory_space<vmem>>) offsets(%arg5 : memref<96xi32, #tpu.memory_space<vmem>>) semaphore(%arg7 : memref<!tpu.dma_semaphore, #tpu.memory_space<semaphore_mem>>)
    %dma_wait3A = arith.constant 0 : i32
    %dma_wait3A_7 = arith.constant 0 : i32
    %dma_wait3A_8 = tpu.memref_slice %arg3[%dma_wait3A, %dma_wait3A_7] : memref<8192x256xf32, #tpu.memory_space<hbm>> -> memref<8192x256xf32, #tpu.memory_space<hbm>>
    tpu.wait_indirect_dma semaphore(%arg7 : memref<!tpu.dma_semaphore, #tpu.memory_space<semaphore_mem>>) src(%dma_wait3A_8 : memref<8192x256xf32, #tpu.memory_space<hbm>>) dst(%arg6 : memref<96x256xf32, #tpu.memory_space<vmem>>)
    "tpu.region"() ({
      %run_scoped3A = tpu.sem_alloc : memref<!tpu.dma_semaphore, #tpu.memory_space<semaphore_mem>>
      %dma_start3A_25 = arith.constant 0 : i32
      %dma_start3A_26 = tpu.memref_slice %arg4[%add3A_4, %dma_start3A_25] : memref<9216x256xf32, #tpu.memory_space<hbm>> -> memref<96x256xf32, #tpu.memory_space<hbm>>
      %dma_start3A_27 = arith.constant 0 : i32
      %dma_start3A_28 = tpu.memref_slice %arg4[%add3A_4, %dma_start3A_27] : memref<9216x256xf32, #tpu.memory_space<hbm>> -> memref<96x256xf32, #tpu.memory_space<hbm>>
      tpu.enqueue_dma source(%arg6 : memref<96x256xf32, #tpu.memory_space<vmem>>) target(%dma_start3A_28 : memref<96x256xf32, #tpu.memory_space<hbm>>) target_semaphore(%run_scoped3A : memref<!tpu.dma_semaphore, #tpu.memory_space<semaphore_mem>>)
      %dma_wait3A_29 = arith.constant 0 : i32
      %dma_wait3A_30 = tpu.memref_slice %arg4[%add3A_4, %dma_wait3A_29] : memref<9216x256xf32, #tpu.memory_space<hbm>> -> memref<96x256xf32, #tpu.memory_space<hbm>>
      %dma_wait3A_31 = arith.constant 0 : i32
      %dma_wait3A_32 = tpu.memref_slice %arg4[%add3A_4, %dma_wait3A_31] : memref<9216x256xf32, #tpu.memory_space<hbm>> -> memref<96x256xf32, #tpu.memory_space<hbm>>
      tpu.wait_dma2 semaphore(%run_scoped3A : memref<!tpu.dma_semaphore, #tpu.memory_space<semaphore_mem>>) src(%arg6 : memref<96x256xf32, #tpu.memory_space<vmem>>) dst(%dma_wait3A_32 : memref<96x256xf32, #tpu.memory_space<hbm>>)
      tpu.yield
    }) : () -> ()
    %add3A_9 = arith.constant 96 : i32
    %add3A_10 = arith.addi %mul3A_2, %add3A_9 : i32
    "tpu.region"() ({
      %run_scoped3A = tpu.sem_alloc : memref<!tpu.dma_semaphore, #tpu.memory_space<semaphore_mem>>
      %dma_start3A_25 = tpu.memref_slice %arg2[%add3A_10] : memref<9216xi32, #tpu.memory_space<hbm>> -> memref<96xi32, #tpu.memory_space<hbm>>
      %dma_start3A_26 = tpu.memref_slice %arg2[%add3A_10] : memref<9216xi32, #tpu.memory_space<hbm>> -> memref<96xi32, #tpu.memory_space<hbm>>
      tpu.enqueue_dma source(%dma_start3A_26 : memref<96xi32, #tpu.memory_space<hbm>>) target(%arg5 : memref<96xi32, #tpu.memory_space<vmem>>) target_semaphore(%run_scoped3A : memref<!tpu.dma_semaphore, #tpu.memory_space<semaphore_mem>>)
      %dma_wait3A_27 = tpu.memref_slice %arg2[%add3A_10] : memref<9216xi32, #tpu.memory_space<hbm>> -> memref<96xi32, #tpu.memory_space<hbm>>
      %dma_wait3A_28 = tpu.memref_slice %arg2[%add3A_10] : memref<9216xi32, #tpu.memory_space<hbm>> -> memref<96xi32, #tpu.memory_space<hbm>>
      tpu.wait_dma2 semaphore(%run_scoped3A : memref<!tpu.dma_semaphore, #tpu.memory_space<semaphore_mem>>) src(%dma_wait3A_28 : memref<96xi32, #tpu.memory_space<hbm>>) dst(%arg5 : memref<96xi32, #tpu.memory_space<vmem>>)
      tpu.yield
    }) : () -> ()
    %dma_start3A_11 = arith.constant 0 : i32
    %dma_start3A_12 = arith.constant 0 : i32
    %dma_start3A_13 = tpu.memref_slice %arg3[%dma_start3A_11, %dma_start3A_12] : memref<8192x256xf32, #tpu.memory_space<hbm>> -> memref<8192x256xf32, #tpu.memory_space<hbm>>
    tpu.enqueue_indirect_dma source(%dma_start3A_13 : memref<8192x256xf32, #tpu.memory_space<hbm>>) target(%arg6 : memref<96x256xf32, #tpu.memory_space<vmem>>) offsets(%arg5 : memref<96xi32, #tpu.memory_space<vmem>>) semaphore(%arg7 : memref<!tpu.dma_semaphore, #tpu.memory_space<semaphore_mem>>)
    %dma_wait3A_14 = arith.constant 0 : i32
    %dma_wait3A_15 = arith.constant 0 : i32
    %dma_wait3A_16 = tpu.memref_slice %arg3[%dma_wait3A_14, %dma_wait3A_15] : memref<8192x256xf32, #tpu.memory_space<hbm>> -> memref<8192x256xf32, #tpu.memory_space<hbm>>
    tpu.wait_indirect_dma semaphore(%arg7 : memref<!tpu.dma_semaphore, #tpu.memory_space<semaphore_mem>>) src(%dma_wait3A_16 : memref<8192x256xf32, #tpu.memory_space<hbm>>) dst(%arg6 : memref<96x256xf32, #tpu.memory_space<vmem>>)
    "tpu.region"() ({
      %run_scoped3A = tpu.sem_alloc : memref<!tpu.dma_semaphore, #tpu.memory_space<semaphore_mem>>
      %dma_start3A_25 = arith.constant 0 : i32
      %dma_start3A_26 = tpu.memref_slice %arg4[%add3A_10, %dma_start3A_25] : memref<9216x256xf32, #tpu.memory_space<hbm>> -> memref<96x256xf32, #tpu.memory_space<hbm>>
      %dma_start3A_27 = arith.constant 0 : i32
      %dma_start3A_28 = tpu.memref_slice %arg4[%add3A_10, %dma_start3A_27] : memref<9216x256xf32, #tpu.memory_space<hbm>> -> memref<96x256xf32, #tpu.memory_space<hbm>>
      tpu.enqueue_dma source(%arg6 : memref<96x256xf32, #tpu.memory_space<vmem>>) target(%dma_start3A_28 : memref<96x256xf32, #tpu.memory_space<hbm>>) target_semaphore(%run_scoped3A : memref<!tpu.dma_semaphore, #tpu.memory_space<semaphore_mem>>)
      %dma_wait3A_29 = arith.constant 0 : i32
      %dma_wait3A_30 = tpu.memref_slice %arg4[%add3A_10, %dma_wait3A_29] : memref<9216x256xf32, #tpu.memory_space<hbm>> -> memref<96x256xf32, #tpu.memory_space<hbm>>
      %dma_wait3A_31 = arith.constant 0 : i32
      %dma_wait3A_32 = tpu.memref_slice %arg4[%add3A_10, %dma_wait3A_31] : memref<9216x256xf32, #tpu.memory_space<hbm>> -> memref<96x256xf32, #tpu.memory_space<hbm>>
      tpu.wait_dma2 semaphore(%run_scoped3A : memref<!tpu.dma_semaphore, #tpu.memory_space<semaphore_mem>>) src(%arg6 : memref<96x256xf32, #tpu.memory_space<vmem>>) dst(%dma_wait3A_32 : memref<96x256xf32, #tpu.memory_space<hbm>>)
      tpu.yield
    }) : () -> ()
    %add3A_17 = arith.constant 192 : i32
    %add3A_18 = arith.addi %mul3A_2, %add3A_17 : i32
    "tpu.region"() ({
      %run_scoped3A = tpu.sem_alloc : memref<!tpu.dma_semaphore, #tpu.memory_space<semaphore_mem>>
      %dma_start3A_25 = tpu.memref_slice %arg2[%add3A_18] : memref<9216xi32, #tpu.memory_space<hbm>> -> memref<96xi32, #tpu.memory_space<hbm>>
      %dma_start3A_26 = tpu.memref_slice %arg2[%add3A_18] : memref<9216xi32, #tpu.memory_space<hbm>> -> memref<96xi32, #tpu.memory_space<hbm>>
      tpu.enqueue_dma source(%dma_start3A_26 : memref<96xi32, #tpu.memory_space<hbm>>) target(%arg5 : memref<96xi32, #tpu.memory_space<vmem>>) target_semaphore(%run_scoped3A : memref<!tpu.dma_semaphore, #tpu.memory_space<semaphore_mem>>)
      %dma_wait3A_27 = tpu.memref_slice %arg2[%add3A_18] : memref<9216xi32, #tpu.memory_space<hbm>> -> memref<96xi32, #tpu.memory_space<hbm>>
      %dma_wait3A_28 = tpu.memref_slice %arg2[%add3A_18] : memref<9216xi32, #tpu.memory_space<hbm>> -> memref<96xi32, #tpu.memory_space<hbm>>
      tpu.wait_dma2 semaphore(%run_scoped3A : memref<!tpu.dma_semaphore, #tpu.memory_space<semaphore_mem>>) src(%dma_wait3A_28 : memref<96xi32, #tpu.memory_space<hbm>>) dst(%arg5 : memref<96xi32, #tpu.memory_space<vmem>>)
      tpu.yield
    }) : () -> ()
    %dma_start3A_19 = arith.constant 0 : i32
    %dma_start3A_20 = arith.constant 0 : i32
    %dma_start3A_21 = tpu.memref_slice %arg3[%dma_start3A_19, %dma_start3A_20] : memref<8192x256xf32, #tpu.memory_space<hbm>> -> memref<8192x256xf32, #tpu.memory_space<hbm>>
    tpu.enqueue_indirect_dma source(%dma_start3A_21 : memref<8192x256xf32, #tpu.memory_space<hbm>>) target(%arg6 : memref<96x256xf32, #tpu.memory_space<vmem>>) offsets(%arg5 : memref<96xi32, #tpu.memory_space<vmem>>) semaphore(%arg7 : memref<!tpu.dma_semaphore, #tpu.memory_space<semaphore_mem>>)
    %dma_wait3A_22 = arith.constant 0 : i32
    %dma_wait3A_23 = arith.constant 0 : i32
    %dma_wait3A_24 = tpu.memref_slice %arg3[%dma_wait3A_22, %dma_wait3A_23] : memref<8192x256xf32, #tpu.memory_space<hbm>> -> memref<8192x256xf32, #tpu.memory_space<hbm>>
    tpu.wait_indirect_dma semaphore(%arg7 : memref<!tpu.dma_semaphore, #tpu.memory_space<semaphore_mem>>) src(%dma_wait3A_24 : memref<8192x256xf32, #tpu.memory_space<hbm>>) dst(%arg6 : memref<96x256xf32, #tpu.memory_space<vmem>>)
    "tpu.region"() ({
      %run_scoped3A = tpu.sem_alloc : memref<!tpu.dma_semaphore, #tpu.memory_space<semaphore_mem>>
      %dma_start3A_25 = arith.constant 0 : i32
      %dma_start3A_26 = tpu.memref_slice %arg4[%add3A_18, %dma_start3A_25] : memref<9216x256xf32, #tpu.memory_space<hbm>> -> memref<96x256xf32, #tpu.memory_space<hbm>>
      %dma_start3A_27 = arith.constant 0 : i32
      %dma_start3A_28 = tpu.memref_slice %arg4[%add3A_18, %dma_start3A_27] : memref<9216x256xf32, #tpu.memory_space<hbm>> -> memref<96x256xf32, #tpu.memory_space<hbm>>
      tpu.enqueue_dma source(%arg6 : memref<96x256xf32, #tpu.memory_space<vmem>>) target(%dma_start3A_28 : memref<96x256xf32, #tpu.memory_space<hbm>>) target_semaphore(%run_scoped3A : memref<!tpu.dma_semaphore, #tpu.memory_space<semaphore_mem>>)
      %dma_wait3A_29 = arith.constant 0 : i32
      %dma_wait3A_30 = tpu.memref_slice %arg4[%add3A_18, %dma_wait3A_29] : memref<9216x256xf32, #tpu.memory_space<hbm>> -> memref<96x256xf32, #tpu.memory_space<hbm>>
      %dma_wait3A_31 = arith.constant 0 : i32
      %dma_wait3A_32 = tpu.memref_slice %arg4[%add3A_18, %dma_wait3A_31] : memref<9216x256xf32, #tpu.memory_space<hbm>> -> memref<96x256xf32, #tpu.memory_space<hbm>>
      tpu.wait_dma2 semaphore(%run_scoped3A : memref<!tpu.dma_semaphore, #tpu.memory_space<semaphore_mem>>) src(%arg6 : memref<96x256xf32, #tpu.memory_space<vmem>>) dst(%dma_wait3A_32 : memref<96x256xf32, #tpu.memory_space<hbm>>)
      tpu.yield
    }) : () -> ()
    return
  }
}

module attributes {stable_mosaic.version = 14 : i64} {
  func.func @_dist_argmin_body(%arg0: i32, %arg1: memref<512x256xf32, #tpu.memory_space<vmem>>, %arg2: memref<8192x256xf32, #tpu.memory_space<vmem>>, %arg3: memref<1x8192xf32, #tpu.memory_space<vmem>>, %arg4: memref<1x1x512xi32, #tpu.memory_space<vmem>>) attributes {dimension_semantics = [#tpu.dimension_semantics<arbitrary>], iteration_bounds = array<i64: 18>, scalar_prefetch = 0 : i64, scratch_operands = 0 : i64, tpu.core_type = #tpu.core_type<tc>, window_params = [{transform_indices = @transform_0, window_bounds = array<i64: 512, 256>}, {pipeline_mode = #tpu.pipeline_mode<synchronous>, transform_indices = @transform_1, window_bounds = array<i64: 8192, 256>}, {pipeline_mode = #tpu.pipeline_mode<synchronous>, transform_indices = @transform_2, window_bounds = array<i64: 1, 8192>}, {transform_indices = @transform_3, window_bounds = array<i64: 1, 1, 512>}]} {
    %get3A = arith.constant 0 : index
    %get3A_0 = arith.constant 0 : index
    %get3A_1 = vector.load %arg1[%get3A, %get3A_0] : memref<512x256xf32, #tpu.memory_space<vmem>>, vector<512x256xf32>
    %mul3A = arith.mulf %get3A_1, %get3A_1 : vector<512x256xf32>
    %reduce_sum3A = arith.constant dense<0.000000e+00> : vector<512xf32>
    %reduce_sum3A_2 = vector.multi_reduction <add>, %mul3A, %reduce_sum3A [1] : vector<512x256xf32> to vector<512xf32>
    %broadcast_in_dim3A = vector.shape_cast %reduce_sum3A_2 : vector<512xf32> to vector<512x1xf32>
    %mul3A_3 = arith.constant -2.000000e+00 : f32
    %mul3A_4 = vector.broadcast %mul3A_3 : f32 to vector<512x256xf32>
    %mul3A_5 = arith.mulf %get3A_1, %mul3A_4 : vector<512x256xf32>
    %get3A_6 = arith.constant 0 : index
    %get3A_7 = arith.constant 0 : index
    %get3A_8 = vector.load %arg2[%get3A_6, %get3A_7] : memref<8192x256xf32, #tpu.memory_space<vmem>>, vector<8192x256xf32>
    %dot_general3A = arith.constant dense<0.000000e+00> : vector<512x8192xf32>
    %dot_general3A_9 = tpu.matmul %mul3A_5, %get3A_8, %dot_general3A {dimension_numbers = #tpu.dot_dimension_numbers<[1], [1], [0], [0], [0, 0, 1, 0], [], []>, transpose_lhs_hint = false} : vector<512x256xf32>, vector<8192x256xf32>, vector<512x8192xf32> -> vector<512x8192xf32>
    %get3A_10 = arith.constant 0 : index
    %get3A_11 = arith.constant 0 : index
    %get3A_12 = vector.load %arg3[%get3A_10, %get3A_11] : memref<1x8192xf32, #tpu.memory_space<vmem>>, vector<1x8192xf32>
    %add3A = vector.broadcast %broadcast_in_dim3A : vector<512x1xf32> to vector<512x8192xf32>
    %add3A_13 = vector.broadcast %get3A_12 : vector<1x8192xf32> to vector<512x8192xf32>
    %add3A_14 = arith.addf %add3A, %add3A_13 : vector<512x8192xf32>
    %add3A_15 = arith.addf %add3A_14, %dot_general3A_9 : vector<512x8192xf32>
    %argmin3A = tpu.reduce_index %add3A_15 {axis = 1 : i32, kind = #tpu.reduction_kind<arg_min>} : vector<512x8192xf32> -> vector<512xi32>
    %broadcast_in_dim3A_16 = vector.shape_cast %argmin3A : vector<512xi32> to vector<1x1x512xi32>
    %swap3A = arith.constant 0 : index
    %swap3A_17 = arith.constant 0 : index
    %swap3A_18 = arith.constant 0 : index
    %swap3A_19 = vector.load %arg4[%swap3A, %swap3A_17, %swap3A_18] : memref<1x1x512xi32, #tpu.memory_space<vmem>>, vector<1x1x512xi32>
    tpu.vector_store %arg4[%swap3A, %swap3A_17, %swap3A_18], %broadcast_in_dim3A_16 {strides = array<i32>} : memref<1x1x512xi32, #tpu.memory_space<vmem>>, vector<1x1x512xi32>,
    return
  }
  func.func @transform_0(%arg0: i32) -> (i32, i32) {
    %add3A = arith.constant 36 : i32
    %add3A_0 = arith.addi %add3A, %arg0 : i32
    %c0_i32 = arith.constant 0 : i32
    %c0_i32_1 = arith.constant 0 : i32
    return %add3A_0, %c0_i32 : i32, i32
  }
  func.func @transform_1(%arg0: i32) -> (i32, i32) {
    %c0_i32 = arith.constant 0 : i32
    %c0_i32_0 = arith.constant 0 : i32
    %c0_i32_1 = arith.constant 0 : i32
    return %c0_i32, %c0_i32_0 : i32, i32
  }
  func.func @transform_2(%arg0: i32) -> (i32, i32) {
    %c0_i32 = arith.constant 0 : i32
    %c0_i32_0 = arith.constant 0 : i32
    %c0_i32_1 = arith.constant 0 : i32
    return %c0_i32, %c0_i32_0 : i32, i32
  }
  func.func @transform_3(%arg0: i32) -> (i32, i32, i32) {
    %c0_i32 = arith.constant 0 : i32
    %c0_i32_0 = arith.constant 0 : i32
    %c0_i32_1 = arith.constant 0 : i32
    return %arg0, %c0_i32, %c0_i32_0 : i32, i32, i32
  }
}

module attributes {stable_mosaic.version = 14 : i64} {
  func.func @_pnorm_body(%arg0: memref<8192x256xf32, #tpu.memory_space<vmem>>, %arg1: memref<1x8192xf32, #tpu.memory_space<vmem>>) attributes {dimension_semantics = [], scalar_prefetch = 0 : i64, scratch_operands = 0 : i64, tpu.core_type = #tpu.core_type<tc>} {
    %get3A = arith.constant 0 : index
    %get3A_0 = arith.constant 0 : index
    %get3A_1 = vector.load %arg0[%get3A, %get3A_0] : memref<8192x256xf32, #tpu.memory_space<vmem>>, vector<8192x256xf32>
    %mul3A = arith.mulf %get3A_1, %get3A_1 : vector<8192x256xf32>
    %reduce_sum3A = arith.constant dense<0.000000e+00> : vector<8192xf32>
    %reduce_sum3A_2 = vector.multi_reduction <add>, %mul3A, %reduce_sum3A [1] : vector<8192x256xf32> to vector<8192xf32>
    %broadcast_in_dim3A = vector.shape_cast %reduce_sum3A_2 : vector<8192xf32> to vector<1x8192xf32>
    %swap3A = arith.constant 0 : index
    %swap3A_3 = arith.constant 0 : index
    %swap3A_4 = vector.load %arg1[%swap3A, %swap3A_3] : memref<1x8192xf32, #tpu.memory_space<vmem>>, vector<1x8192xf32>
    tpu.vector_store %arg1[%swap3A, %swap3A_3], %broadcast_in_dim3A {strides = array<i32>} : memref<1x8192xf32, #tpu.memory_space<vmem>>, vector<1x8192xf32>,
    return
  }
}

module attributes {stable_mosaic.version = 14 : i64} {
  func.func @_dist_argmin_body(%arg0: i32, %arg1: memref<512x256xf32, #tpu.memory_space<vmem>>, %arg2: memref<8192x256xf32, #tpu.memory_space<vmem>>, %arg3: memref<1x8192xf32, #tpu.memory_space<vmem>>, %arg4: memref<1x1x512xi32, #tpu.memory_space<vmem>>) attributes {dimension_semantics = [#tpu.dimension_semantics<arbitrary>], iteration_bounds = array<i64: 18>, scalar_prefetch = 0 : i64, scratch_operands = 0 : i64, tpu.core_type = #tpu.core_type<tc>, window_params = [{transform_indices = @transform_0, window_bounds = array<i64: 512, 256>}, {pipeline_mode = #tpu.pipeline_mode<synchronous>, transform_indices = @transform_1, window_bounds = array<i64: 8192, 256>}, {pipeline_mode = #tpu.pipeline_mode<synchronous>, transform_indices = @transform_2, window_bounds = array<i64: 1, 8192>}, {transform_indices = @transform_3, window_bounds = array<i64: 1, 1, 512>}]} {
    %get3A = arith.constant 0 : index
    %get3A_0 = arith.constant 0 : index
    %get3A_1 = vector.load %arg1[%get3A, %get3A_0] : memref<512x256xf32, #tpu.memory_space<vmem>>, vector<512x256xf32>
    %mul3A = arith.mulf %get3A_1, %get3A_1 : vector<512x256xf32>
    %reduce_sum3A = arith.constant dense<0.000000e+00> : vector<512xf32>
    %reduce_sum3A_2 = vector.multi_reduction <add>, %mul3A, %reduce_sum3A [1] : vector<512x256xf32> to vector<512xf32>
    %broadcast_in_dim3A = vector.shape_cast %reduce_sum3A_2 : vector<512xf32> to vector<512x1xf32>
    %mul3A_3 = arith.constant -2.000000e+00 : f32
    %mul3A_4 = vector.broadcast %mul3A_3 : f32 to vector<512x256xf32>
    %mul3A_5 = arith.mulf %get3A_1, %mul3A_4 : vector<512x256xf32>
    %get3A_6 = arith.constant 0 : index
    %get3A_7 = arith.constant 0 : index
    %get3A_8 = vector.load %arg2[%get3A_6, %get3A_7] : memref<8192x256xf32, #tpu.memory_space<vmem>>, vector<8192x256xf32>
    %dot_general3A = arith.constant dense<0.000000e+00> : vector<512x8192xf32>
    %dot_general3A_9 = tpu.matmul %mul3A_5, %get3A_8, %dot_general3A {dimension_numbers = #tpu.dot_dimension_numbers<[1], [1], [0], [0], [0, 0, 1, 0], [], []>, transpose_lhs_hint = false} : vector<512x256xf32>, vector<8192x256xf32>, vector<512x8192xf32> -> vector<512x8192xf32>
    %get3A_10 = arith.constant 0 : index
    %get3A_11 = arith.constant 0 : index
    %get3A_12 = vector.load %arg3[%get3A_10, %get3A_11] : memref<1x8192xf32, #tpu.memory_space<vmem>>, vector<1x8192xf32>
    %add3A = vector.broadcast %broadcast_in_dim3A : vector<512x1xf32> to vector<512x8192xf32>
    %add3A_13 = vector.broadcast %get3A_12 : vector<1x8192xf32> to vector<512x8192xf32>
    %add3A_14 = arith.addf %add3A, %add3A_13 : vector<512x8192xf32>
    %add3A_15 = arith.addf %add3A_14, %dot_general3A_9 : vector<512x8192xf32>
    %argmin3A = tpu.reduce_index %add3A_15 {axis = 1 : i32, kind = #tpu.reduction_kind<arg_min>} : vector<512x8192xf32> -> vector<512xi32>
    %broadcast_in_dim3A_16 = vector.shape_cast %argmin3A : vector<512xi32> to vector<1x1x512xi32>
    %swap3A = arith.constant 0 : index
    %swap3A_17 = arith.constant 0 : index
    %swap3A_18 = arith.constant 0 : index
    %swap3A_19 = vector.load %arg4[%swap3A, %swap3A_17, %swap3A_18] : memref<1x1x512xi32, #tpu.memory_space<vmem>>, vector<1x1x512xi32>
    tpu.vector_store %arg4[%swap3A, %swap3A_17, %swap3A_18], %broadcast_in_dim3A_16 {strides = array<i32>} : memref<1x1x512xi32, #tpu.memory_space<vmem>>, vector<1x1x512xi32>,
    return
  }
  func.func @transform_0(%arg0: i32) -> (i32, i32) {
    %add3A = arith.constant 18 : i32
    %add3A_0 = arith.addi %add3A, %arg0 : i32
    %c0_i32 = arith.constant 0 : i32
    %c0_i32_1 = arith.constant 0 : i32
    return %add3A_0, %c0_i32 : i32, i32
  }
  func.func @transform_1(%arg0: i32) -> (i32, i32) {
    %c0_i32 = arith.constant 0 : i32
    %c0_i32_0 = arith.constant 0 : i32
    %c0_i32_1 = arith.constant 0 : i32
    return %c0_i32, %c0_i32_0 : i32, i32
  }
  func.func @transform_2(%arg0: i32) -> (i32, i32) {
    %c0_i32 = arith.constant 0 : i32
    %c0_i32_0 = arith.constant 0 : i32
    %c0_i32_1 = arith.constant 0 : i32
    return %c0_i32, %c0_i32_0 : i32, i32
  }
  func.func @transform_3(%arg0: i32) -> (i32, i32, i32) {
    %c0_i32 = arith.constant 0 : i32
    %c0_i32_0 = arith.constant 0 : i32
    %c0_i32_1 = arith.constant 0 : i32
    return %arg0, %c0_i32, %c0_i32_0 : i32, i32, i32
  }
}

module attributes {stable_mosaic.version = 14 : i64} {
  func.func @_dist_argmin_body(%arg0: i32, %arg1: memref<512x256xf32, #tpu.memory_space<vmem>>, %arg2: memref<8192x256xf32, #tpu.memory_space<vmem>>, %arg3: memref<1x8192xf32, #tpu.memory_space<vmem>>, %arg4: memref<1x1x512xi32, #tpu.memory_space<vmem>>) attributes {dimension_semantics = [#tpu.dimension_semantics<arbitrary>], iteration_bounds = array<i64: 18>, scalar_prefetch = 0 : i64, scratch_operands = 0 : i64, tpu.core_type = #tpu.core_type<tc>, window_params = [{transform_indices = @transform_0, window_bounds = array<i64: 512, 256>}, {pipeline_mode = #tpu.pipeline_mode<synchronous>, transform_indices = @transform_1, window_bounds = array<i64: 8192, 256>}, {pipeline_mode = #tpu.pipeline_mode<synchronous>, transform_indices = @transform_2, window_bounds = array<i64: 1, 8192>}, {transform_indices = @transform_3, window_bounds = array<i64: 1, 1, 512>}]} {
    %get3A = arith.constant 0 : index
    %get3A_0 = arith.constant 0 : index
    %get3A_1 = vector.load %arg1[%get3A, %get3A_0] : memref<512x256xf32, #tpu.memory_space<vmem>>, vector<512x256xf32>
    %mul3A = arith.mulf %get3A_1, %get3A_1 : vector<512x256xf32>
    %reduce_sum3A = arith.constant dense<0.000000e+00> : vector<512xf32>
    %reduce_sum3A_2 = vector.multi_reduction <add>, %mul3A, %reduce_sum3A [1] : vector<512x256xf32> to vector<512xf32>
    %broadcast_in_dim3A = vector.shape_cast %reduce_sum3A_2 : vector<512xf32> to vector<512x1xf32>
    %mul3A_3 = arith.constant -2.000000e+00 : f32
    %mul3A_4 = vector.broadcast %mul3A_3 : f32 to vector<512x256xf32>
    %mul3A_5 = arith.mulf %get3A_1, %mul3A_4 : vector<512x256xf32>
    %get3A_6 = arith.constant 0 : index
    %get3A_7 = arith.constant 0 : index
    %get3A_8 = vector.load %arg2[%get3A_6, %get3A_7] : memref<8192x256xf32, #tpu.memory_space<vmem>>, vector<8192x256xf32>
    %dot_general3A = arith.constant dense<0.000000e+00> : vector<512x8192xf32>
    %dot_general3A_9 = tpu.matmul %mul3A_5, %get3A_8, %dot_general3A {dimension_numbers = #tpu.dot_dimension_numbers<[1], [1], [0], [0], [0, 0, 1, 0], [], []>, transpose_lhs_hint = false} : vector<512x256xf32>, vector<8192x256xf32>, vector<512x8192xf32> -> vector<512x8192xf32>
    %get3A_10 = arith.constant 0 : index
    %get3A_11 = arith.constant 0 : index
    %get3A_12 = vector.load %arg3[%get3A_10, %get3A_11] : memref<1x8192xf32, #tpu.memory_space<vmem>>, vector<1x8192xf32>
    %add3A = vector.broadcast %broadcast_in_dim3A : vector<512x1xf32> to vector<512x8192xf32>
    %add3A_13 = vector.broadcast %get3A_12 : vector<1x8192xf32> to vector<512x8192xf32>
    %add3A_14 = arith.addf %add3A, %add3A_13 : vector<512x8192xf32>
    %add3A_15 = arith.addf %add3A_14, %dot_general3A_9 : vector<512x8192xf32>
    %argmin3A = tpu.reduce_index %add3A_15 {axis = 1 : i32, kind = #tpu.reduction_kind<arg_min>} : vector<512x8192xf32> -> vector<512xi32>
    %broadcast_in_dim3A_16 = vector.shape_cast %argmin3A : vector<512xi32> to vector<1x1x512xi32>
    %swap3A = arith.constant 0 : index
    %swap3A_17 = arith.constant 0 : index
    %swap3A_18 = arith.constant 0 : index
    %swap3A_19 = vector.load %arg4[%swap3A, %swap3A_17, %swap3A_18] : memref<1x1x512xi32, #tpu.memory_space<vmem>>, vector<1x1x512xi32>
    tpu.vector_store %arg4[%swap3A, %swap3A_17, %swap3A_18], %broadcast_in_dim3A_16 {strides = array<i32>} : memref<1x1x512xi32, #tpu.memory_space<vmem>>, vector<1x1x512xi32>,
    return
  }
  func.func @transform_0(%arg0: i32) -> (i32, i32) {
    %add3A = arith.constant 0 : i32
    %add3A_0 = arith.addi %add3A, %arg0 : i32
    %c0_i32 = arith.constant 0 : i32
    %c0_i32_1 = arith.constant 0 : i32
    return %add3A_0, %c0_i32 : i32, i32
  }
  func.func @transform_1(%arg0: i32) -> (i32, i32) {
    %c0_i32 = arith.constant 0 : i32
    %c0_i32_0 = arith.constant 0 : i32
    %c0_i32_1 = arith.constant 0 : i32
    return %c0_i32, %c0_i32_0 : i32, i32
  }
  func.func @transform_2(%arg0: i32) -> (i32, i32) {
    %c0_i32 = arith.constant 0 : i32
    %c0_i32_0 = arith.constant 0 : i32
    %c0_i32_1 = arith.constant 0 : i32
    return %c0_i32, %c0_i32_0 : i32, i32
  }
  func.func @transform_3(%arg0: i32) -> (i32, i32, i32) {
    %c0_i32 = arith.constant 0 : i32
    %c0_i32_0 = arith.constant 0 : i32
    %c0_i32_1 = arith.constant 0 : i32
    return %arg0, %c0_i32, %c0_i32_0 : i32, i32, i32
  }
}

module attributes {stable_mosaic.version = 14 : i64} {
  func.func @_dist_argmin_body(%arg0: i32, %arg1: memref<512x256xf32, #tpu.memory_space<vmem>>, %arg2: memref<8192x256xf32, #tpu.memory_space<vmem>>, %arg3: memref<1x8192xf32, #tpu.memory_space<vmem>>, %arg4: memref<1x1x512xi32, #tpu.memory_space<vmem>>) attributes {dimension_semantics = [#tpu.dimension_semantics<arbitrary>], iteration_bounds = array<i64: 18>, scalar_prefetch = 0 : i64, scratch_operands = 0 : i64, tpu.core_type = #tpu.core_type<tc>, window_params = [{transform_indices = @transform_0, window_bounds = array<i64: 512, 256>}, {pipeline_mode = #tpu.pipeline_mode<synchronous>, transform_indices = @transform_1, window_bounds = array<i64: 8192, 256>}, {pipeline_mode = #tpu.pipeline_mode<synchronous>, transform_indices = @transform_2, window_bounds = array<i64: 1, 8192>}, {transform_indices = @transform_3, window_bounds = array<i64: 1, 1, 512>}]} {
    %get3A = arith.constant 0 : index
    %get3A_0 = arith.constant 0 : index
    %get3A_1 = vector.load %arg1[%get3A, %get3A_0] : memref<512x256xf32, #tpu.memory_space<vmem>>, vector<512x256xf32>
    %mul3A = arith.mulf %get3A_1, %get3A_1 : vector<512x256xf32>
    %reduce_sum3A = arith.constant dense<0.000000e+00> : vector<512xf32>
    %reduce_sum3A_2 = vector.multi_reduction <add>, %mul3A, %reduce_sum3A [1] : vector<512x256xf32> to vector<512xf32>
    %broadcast_in_dim3A = vector.shape_cast %reduce_sum3A_2 : vector<512xf32> to vector<512x1xf32>
    %mul3A_3 = arith.constant -2.000000e+00 : f32
    %mul3A_4 = vector.broadcast %mul3A_3 : f32 to vector<512x256xf32>
    %mul3A_5 = arith.mulf %get3A_1, %mul3A_4 : vector<512x256xf32>
    %get3A_6 = arith.constant 0 : index
    %get3A_7 = arith.constant 0 : index
    %get3A_8 = vector.load %arg2[%get3A_6, %get3A_7] : memref<8192x256xf32, #tpu.memory_space<vmem>>, vector<8192x256xf32>
    %dot_general3A = arith.constant dense<0.000000e+00> : vector<512x8192xf32>
    %dot_general3A_9 = tpu.matmul %mul3A_5, %get3A_8, %dot_general3A {dimension_numbers = #tpu.dot_dimension_numbers<[1], [1], [0], [0], [0, 0, 1, 0], [], []>, transpose_lhs_hint = false} : vector<512x256xf32>, vector<8192x256xf32>, vector<512x8192xf32> -> vector<512x8192xf32>
    %get3A_10 = arith.constant 0 : index
    %get3A_11 = arith.constant 0 : index
    %get3A_12 = vector.load %arg3[%get3A_10, %get3A_11] : memref<1x8192xf32, #tpu.memory_space<vmem>>, vector<1x8192xf32>
    %add3A = vector.broadcast %broadcast_in_dim3A : vector<512x1xf32> to vector<512x8192xf32>
    %add3A_13 = vector.broadcast %get3A_12 : vector<1x8192xf32> to vector<512x8192xf32>
    %add3A_14 = arith.addf %add3A, %add3A_13 : vector<512x8192xf32>
    %add3A_15 = arith.addf %add3A_14, %dot_general3A_9 : vector<512x8192xf32>
    %argmin3A = tpu.reduce_index %add3A_15 {axis = 1 : i32, kind = #tpu.reduction_kind<arg_min>} : vector<512x8192xf32> -> vector<512xi32>
    %broadcast_in_dim3A_16 = vector.shape_cast %argmin3A : vector<512xi32> to vector<1x1x512xi32>
    %swap3A = arith.constant 0 : index
    %swap3A_17 = arith.constant 0 : index
    %swap3A_18 = arith.constant 0 : index
    %swap3A_19 = vector.load %arg4[%swap3A, %swap3A_17, %swap3A_18] : memref<1x1x512xi32, #tpu.memory_space<vmem>>, vector<1x1x512xi32>
    tpu.vector_store %arg4[%swap3A, %swap3A_17, %swap3A_18], %broadcast_in_dim3A_16 {strides = array<i32>} : memref<1x1x512xi32, #tpu.memory_space<vmem>>, vector<1x1x512xi32>,
    return
  }
  func.func @transform_0(%arg0: i32) -> (i32, i32) {
    %add3A = arith.constant 54 : i32
    %add3A_0 = arith.addi %add3A, %arg0 : i32
    %c0_i32 = arith.constant 0 : i32
    %c0_i32_1 = arith.constant 0 : i32
    return %add3A_0, %c0_i32 : i32, i32
  }
  func.func @transform_1(%arg0: i32) -> (i32, i32) {
    %c0_i32 = arith.constant 0 : i32
    %c0_i32_0 = arith.constant 0 : i32
    %c0_i32_1 = arith.constant 0 : i32
    return %c0_i32, %c0_i32_0 : i32, i32
  }
  func.func @transform_2(%arg0: i32) -> (i32, i32) {
    %c0_i32 = arith.constant 0 : i32
    %c0_i32_0 = arith.constant 0 : i32
    %c0_i32_1 = arith.constant 0 : i32
    return %c0_i32, %c0_i32_0 : i32, i32
  }
  func.func @transform_3(%arg0: i32) -> (i32, i32, i32) {
    %c0_i32 = arith.constant 0 : i32
    %c0_i32_0 = arith.constant 0 : i32
    %c0_i32_1 = arith.constant 0 : i32
    return %arg0, %c0_i32, %c0_i32_0 : i32, i32, i32
  }
}

module attributes {stable_mosaic.version = 14 : i64} {
  func.func @_finish_body(%arg0: i32, %arg1: memref<2304x256xf32, #tpu.memory_space<vmem>>, %arg2: memref<2304x256xf32, #tpu.memory_space<vmem>>, %arg3: memref<2304x256xf32, #tpu.memory_space<vmem>>, %arg4: memref<2304x256xf32, #tpu.memory_space<vmem>>, %arg5: memref<1x1xf32, #tpu.memory_space<vmem>>) attributes {dimension_semantics = [#tpu.dimension_semantics<arbitrary>], iteration_bounds = array<i64: 4>, scalar_prefetch = 0 : i64, scratch_operands = 0 : i64, tpu.core_type = #tpu.core_type<tc>, window_params = [{transform_indices = @transform_0, window_bounds = array<i64: 2304, 256>}, {transform_indices = @transform_1, window_bounds = array<i64: 2304, 256>}, {transform_indices = @transform_2, window_bounds = array<i64: 2304, 256>}, {transform_indices = @transform_3, window_bounds = array<i64: 2304, 256>}, {pipeline_mode = #tpu.pipeline_mode<synchronous>, transform_indices = @transform_4, window_bounds = array<i64: 1, 1>}]} {
    %get3A = arith.constant 0 : index
    %get3A_0 = arith.constant 0 : index
    %get3A_1 = vector.load %arg1[%get3A, %get3A_0] : memref<2304x256xf32, #tpu.memory_space<vmem>>, vector<2304x256xf32>
    %get3A_2 = arith.constant 0 : index
    %get3A_3 = arith.constant 0 : index
    %get3A_4 = vector.load %arg2[%get3A_2, %get3A_3] : memref<2304x256xf32, #tpu.memory_space<vmem>>, vector<2304x256xf32>
    %sub3A = arith.subf %get3A_4, %get3A_1 : vector<2304x256xf32>
    %add3A = arith.addf %get3A_1, %sub3A : vector<2304x256xf32>
    %swap3A = arith.constant 0 : index
    %swap3A_5 = arith.constant 0 : index
    %swap3A_6 = vector.load %arg3[%swap3A, %swap3A_5] : memref<2304x256xf32, #tpu.memory_space<vmem>>, vector<2304x256xf32>
    tpu.vector_store %arg3[%swap3A, %swap3A_5], %add3A {strides = array<i32>} : memref<2304x256xf32, #tpu.memory_space<vmem>>, vector<2304x256xf32>,
    %sub3A_7 = arith.subf %get3A_1, %add3A : vector<2304x256xf32>
    %swap3A_8 = arith.constant 0 : index
    %swap3A_9 = arith.constant 0 : index
    %swap3A_10 = vector.load %arg4[%swap3A_8, %swap3A_9] : memref<2304x256xf32, #tpu.memory_space<vmem>>, vector<2304x256xf32>
    tpu.vector_store %arg4[%swap3A_8, %swap3A_9], %sub3A_7 {strides = array<i32>} : memref<2304x256xf32, #tpu.memory_space<vmem>>, vector<2304x256xf32>,
    %mul3A = arith.mulf %sub3A, %sub3A : vector<2304x256xf32>
    %reduce_sum3A = vector.shape_cast %mul3A : vector<2304x256xf32> to vector<1x2304x256xf32>
    %reduce_sum3A_11 = arith.constant dense<0.000000e+00> : vector<1xf32>
    %reduce_sum3A_12 = vector.multi_reduction <add>, %reduce_sum3A, %reduce_sum3A_11 [1, 2] : vector<1x2304x256xf32> to vector<1xf32>
    %reduce_sum3A_13 = vector.shape_cast %reduce_sum3A_12 : vector<1xf32> to vector<1x1x1xf32>
    %reduce_sum3A_14 = vector.extract %reduce_sum3A_13[0, 0, 0] : f32 from vector<1x1x1xf32>
    %reshape3A = vector.broadcast %reduce_sum3A_14 : f32 to vector<1x1xf32>
    %eq3A = arith.constant 0 : i32
    %eq3A_15 = arith.cmpi eq, %arg0, %eq3A : i32
    %convert_element_type3A = arith.extui %eq3A_15 : i1 to i32
    %cond3A = arith.constant 0 : i32
    %cond3A_16 = arith.cmpi ne, %convert_element_type3A, %cond3A : i32
    scf.if %cond3A_16 {
      %swap3A_21 = arith.constant 0 : index
      %swap3A_22 = arith.constant 0 : index
      %swap3A_23 = vector.load %arg5[%swap3A_21, %swap3A_22] : memref<1x1xf32, #tpu.memory_space<vmem>>, vector<1x1xf32>
      tpu.vector_store %arg5[%swap3A_21, %swap3A_22], %reshape3A {strides = array<i32>} : memref<1x1xf32, #tpu.memory_space<vmem>>, vector<1x1xf32>,
    } else {
    }
    %gt3A = arith.constant 0 : i32
    %gt3A_17 = arith.cmpi sgt, %arg0, %gt3A : i32
    %convert_element_type3A_18 = arith.extui %gt3A_17 : i1 to i32
    %cond3A_19 = arith.constant 0 : i32
    %cond3A_20 = arith.cmpi ne, %convert_element_type3A_18, %cond3A_19 : i32
    scf.if %cond3A_20 {
      %get3A_21 = arith.constant 0 : index
      %get3A_22 = arith.constant 0 : index
      %get3A_23 = vector.load %arg5[%get3A_21, %get3A_22] : memref<1x1xf32, #tpu.memory_space<vmem>>, vector<1x1xf32>
      %add3A_24 = arith.addf %get3A_23, %reshape3A : vector<1x1xf32>
      %swap3A_25 = arith.constant 0 : index
      %swap3A_26 = arith.constant 0 : index
      %swap3A_27 = vector.load %arg5[%swap3A_25, %swap3A_26] : memref<1x1xf32, #tpu.memory_space<vmem>>, vector<1x1xf32>
      tpu.vector_store %arg5[%swap3A_25, %swap3A_26], %add3A_24 {strides = array<i32>} : memref<1x1xf32, #tpu.memory_space<vmem>>, vector<1x1xf32>,
    } else {
    }
    return
  }
  func.func @transform_0(%arg0: i32) -> (i32, i32) {
    %add3A = arith.constant 0 : i32
    %add3A_0 = arith.addi %add3A, %arg0 : i32
    %c0_i32 = arith.constant 0 : i32
    %c0_i32_1 = arith.constant 0 : i32
    return %add3A_0, %c0_i32 : i32, i32
  }
  func.func @transform_1(%arg0: i32) -> (i32, i32) {
    %c0_i32 = arith.constant 0 : i32
    %c0_i32_0 = arith.constant 0 : i32
    return %arg0, %c0_i32 : i32, i32
  }
  func.func @transform_2(%arg0: i32) -> (i32, i32) {
    %add3A = arith.constant 0 : i32
    %add3A_0 = arith.addi %add3A, %arg0 : i32
    %c0_i32 = arith.constant 0 : i32
    %c0_i32_1 = arith.constant 0 : i32
    return %add3A_0, %c0_i32 : i32, i32
  }
  func.func @transform_3(%arg0: i32) -> (i32, i32) {
    %add3A = arith.constant 0 : i32
    %add3A_0 = arith.addi %add3A, %arg0 : i32
    %c0_i32 = arith.constant 0 : i32
    %c0_i32_1 = arith.constant 0 : i32
    return %add3A_0, %c0_i32 : i32, i32
  }
  func.func @transform_4(%arg0: i32) -> (i32, i32) {
    %c0_i32 = arith.constant 0 : i32
    %c0_i32_0 = arith.constant 0 : i32
    %c0_i32_1 = arith.constant 0 : i32
    return %c0_i32, %c0_i32_0 : i32, i32
  }
}

module attributes {stable_mosaic.version = 14 : i64} {
  func.func @_finish_body(%arg0: i32, %arg1: memref<2304x256xf32, #tpu.memory_space<vmem>>, %arg2: memref<2304x256xf32, #tpu.memory_space<vmem>>, %arg3: memref<8x128xf32, #tpu.memory_space<vmem>>, %arg4: memref<8x128xf32, #tpu.memory_space<vmem>>, %arg5: memref<1x1xf32, #tpu.memory_space<vmem>>, %arg6: memref<2304x256xf32, #tpu.memory_space<vmem>>, %arg7: memref<2304x256xf32, #tpu.memory_space<vmem>>, %arg8: memref<1x1xf32, #tpu.memory_space<vmem>>) attributes {dimension_semantics = [#tpu.dimension_semantics<arbitrary>], iteration_bounds = array<i64: 4>, scalar_prefetch = 0 : i64, scratch_operands = 0 : i64, tpu.core_type = #tpu.core_type<tc>, window_params = [{transform_indices = @transform_0, window_bounds = array<i64: 2304, 256>}, {transform_indices = @transform_1, window_bounds = array<i64: 2304, 256>}, {transform_indices = @transform_2, window_bounds = array<i64: 8, 128>}, {transform_indices = @transform_3, window_bounds = array<i64: 8, 128>}, {pipeline_mode = #tpu.pipeline_mode<synchronous>, transform_indices = @transform_4, window_bounds = array<i64: 1, 1>}, {transform_indices = @transform_5, window_bounds = array<i64: 2304, 256>}, {transform_indices = @transform_6, window_bounds = array<i64: 2304, 256>}, {pipeline_mode = #tpu.pipeline_mode<synchronous>, transform_indices = @transform_7, window_bounds = array<i64: 1, 1>}]} {
    %get3A = arith.constant 0 : index
    %get3A_0 = arith.constant 0 : index
    %get3A_1 = vector.load %arg1[%get3A, %get3A_0] : memref<2304x256xf32, #tpu.memory_space<vmem>>, vector<2304x256xf32>
    %get3A_2 = arith.constant 0 : index
    %get3A_3 = arith.constant 0 : index
    %get3A_4 = vector.load %arg2[%get3A_2, %get3A_3] : memref<2304x256xf32, #tpu.memory_space<vmem>>, vector<2304x256xf32>
    %sub3A = arith.subf %get3A_4, %get3A_1 : vector<2304x256xf32>
    %add3A = arith.addf %get3A_1, %sub3A : vector<2304x256xf32>
    %swap3A = arith.constant 0 : index
    %swap3A_5 = arith.constant 0 : index
    %swap3A_6 = vector.load %arg6[%swap3A, %swap3A_5] : memref<2304x256xf32, #tpu.memory_space<vmem>>, vector<2304x256xf32>
    tpu.vector_store %arg6[%swap3A, %swap3A_5], %add3A {strides = array<i32>} : memref<2304x256xf32, #tpu.memory_space<vmem>>, vector<2304x256xf32>,
    %sub3A_7 = arith.subf %get3A_1, %add3A : vector<2304x256xf32>
    %swap3A_8 = arith.constant 0 : index
    %swap3A_9 = arith.constant 0 : index
    %swap3A_10 = vector.load %arg7[%swap3A_8, %swap3A_9] : memref<2304x256xf32, #tpu.memory_space<vmem>>, vector<2304x256xf32>
    tpu.vector_store %arg7[%swap3A_8, %swap3A_9], %sub3A_7 {strides = array<i32>} : memref<2304x256xf32, #tpu.memory_space<vmem>>, vector<2304x256xf32>,
    %mul3A = arith.mulf %sub3A, %sub3A : vector<2304x256xf32>
    %reduce_sum3A = vector.shape_cast %mul3A : vector<2304x256xf32> to vector<1x2304x256xf32>
    %reduce_sum3A_11 = arith.constant dense<0.000000e+00> : vector<1xf32>
    %reduce_sum3A_12 = vector.multi_reduction <add>, %reduce_sum3A, %reduce_sum3A_11 [1, 2] : vector<1x2304x256xf32> to vector<1xf32>
    %reduce_sum3A_13 = vector.shape_cast %reduce_sum3A_12 : vector<1xf32> to vector<1x1x1xf32>
    %reduce_sum3A_14 = vector.extract %reduce_sum3A_13[0, 0, 0] : f32 from vector<1x1x1xf32>
    %reshape3A = vector.broadcast %reduce_sum3A_14 : f32 to vector<1x1xf32>
    %eq3A = arith.constant 0 : i32
    %eq3A_15 = arith.cmpi eq, %arg0, %eq3A : i32
    %convert_element_type3A = arith.extui %eq3A_15 : i1 to i32
    %cond3A = arith.constant 0 : i32
    %cond3A_16 = arith.cmpi ne, %convert_element_type3A, %cond3A : i32
    scf.if %cond3A_16 {
      %get3A_21 = arith.constant 0 : index
      %get3A_22 = arith.constant 0 : index
      %get3A_23 = vector.load %arg5[%get3A_21, %get3A_22] : memref<1x1xf32, #tpu.memory_space<vmem>>, vector<1x1xf32>
      %add3A_24 = arith.addf %get3A_23, %reshape3A : vector<1x1xf32>
      %swap3A_25 = arith.constant 0 : index
      %swap3A_26 = arith.constant 0 : index
      %swap3A_27 = vector.load %arg8[%swap3A_25, %swap3A_26] : memref<1x1xf32, #tpu.memory_space<vmem>>, vector<1x1xf32>
      tpu.vector_store %arg8[%swap3A_25, %swap3A_26], %add3A_24 {strides = array<i32>} : memref<1x1xf32, #tpu.memory_space<vmem>>, vector<1x1xf32>,
    } else {
    }
    %gt3A = arith.constant 0 : i32
    %gt3A_17 = arith.cmpi sgt, %arg0, %gt3A : i32
    %convert_element_type3A_18 = arith.extui %gt3A_17 : i1 to i32
    %cond3A_19 = arith.constant 0 : i32
    %cond3A_20 = arith.cmpi ne, %convert_element_type3A_18, %cond3A_19 : i32
    scf.if %cond3A_20 {
      %get3A_21 = arith.constant 0 : index
      %get3A_22 = arith.constant 0 : index
      %get3A_23 = vector.load %arg8[%get3A_21, %get3A_22] : memref<1x1xf32, #tpu.memory_space<vmem>>, vector<1x1xf32>
      %add3A_24 = arith.addf %get3A_23, %reshape3A : vector<1x1xf32>
      %swap3A_25 = arith.constant 0 : index
      %swap3A_26 = arith.constant 0 : index
      %swap3A_27 = vector.load %arg8[%swap3A_25, %swap3A_26] : memref<1x1xf32, #tpu.memory_space<vmem>>, vector<1x1xf32>
      tpu.vector_store %arg8[%swap3A_25, %swap3A_26], %add3A_24 {strides = array<i32>} : memref<1x1xf32, #tpu.memory_space<vmem>>, vector<1x1xf32>,
    } else {
    }
    return
  }
  func.func @transform_0(%arg0: i32) -> (i32, i32) {
    %add3A = arith.constant 4 : i32
    %add3A_0 = arith.addi %add3A, %arg0 : i32
    %c0_i32 = arith.constant 0 : i32
    %c0_i32_1 = arith.constant 0 : i32
    return %add3A_0, %c0_i32 : i32, i32
  }
  func.func @transform_1(%arg0: i32) -> (i32, i32) {
    %c0_i32 = arith.constant 0 : i32
    %c0_i32_0 = arith.constant 0 : i32
    return %arg0, %c0_i32 : i32, i32
  }
  func.func @transform_2(%arg0: i32) -> (i32, i32) {
    %c0_i32 = arith.constant 0 : i32
    %c0_i32_0 = arith.constant 0 : i32
    %c0_i32_1 = arith.constant 0 : i32
    return %c0_i32, %c0_i32_0 : i32, i32
  }
  func.func @transform_3(%arg0: i32) -> (i32, i32) {
    %c0_i32 = arith.constant 0 : i32
    %c0_i32_0 = arith.constant 0 : i32
    %c0_i32_1 = arith.constant 0 : i32
    return %c0_i32, %c0_i32_0 : i32, i32
  }
  func.func @transform_4(%arg0: i32) -> (i32, i32) {
    %c0_i32 = arith.constant 0 : i32
    %c0_i32_0 = arith.constant 0 : i32
    %c0_i32_1 = arith.constant 0 : i32
    return %c0_i32, %c0_i32_0 : i32, i32
  }
  func.func @transform_5(%arg0: i32) -> (i32, i32) {
    %add3A = arith.constant 4 : i32
    %add3A_0 = arith.addi %add3A, %arg0 : i32
    %c0_i32 = arith.constant 0 : i32
    %c0_i32_1 = arith.constant 0 : i32
    return %add3A_0, %c0_i32 : i32, i32
  }
  func.func @transform_6(%arg0: i32) -> (i32, i32) {
    %add3A = arith.constant 4 : i32
    %add3A_0 = arith.addi %add3A, %arg0 : i32
    %c0_i32 = arith.constant 0 : i32
    %c0_i32_1 = arith.constant 0 : i32
    return %add3A_0, %c0_i32 : i32, i32
  }
  func.func @transform_7(%arg0: i32) -> (i32, i32) {
    %c0_i32 = arith.constant 0 : i32
    %c0_i32_0 = arith.constant 0 : i32
    %c0_i32_1 = arith.constant 0 : i32
    return %c0_i32, %c0_i32_0 : i32, i32
  }
}

module attributes {stable_mosaic.version = 14 : i64} {
  func.func @_finish_body(%arg0: i32, %arg1: memref<2304x256xf32, #tpu.memory_space<vmem>>, %arg2: memref<2304x256xf32, #tpu.memory_space<vmem>>, %arg3: memref<8x128xf32, #tpu.memory_space<vmem>>, %arg4: memref<8x128xf32, #tpu.memory_space<vmem>>, %arg5: memref<1x1xf32, #tpu.memory_space<vmem>>, %arg6: memref<2304x256xf32, #tpu.memory_space<vmem>>, %arg7: memref<2304x256xf32, #tpu.memory_space<vmem>>, %arg8: memref<1x1xf32, #tpu.memory_space<vmem>>) attributes {dimension_semantics = [#tpu.dimension_semantics<arbitrary>], iteration_bounds = array<i64: 4>, scalar_prefetch = 0 : i64, scratch_operands = 0 : i64, tpu.core_type = #tpu.core_type<tc>, window_params = [{transform_indices = @transform_0, window_bounds = array<i64: 2304, 256>}, {transform_indices = @transform_1, window_bounds = array<i64: 2304, 256>}, {transform_indices = @transform_2, window_bounds = array<i64: 8, 128>}, {transform_indices = @transform_3, window_bounds = array<i64: 8, 128>}, {pipeline_mode = #tpu.pipeline_mode<synchronous>, transform_indices = @transform_4, window_bounds = array<i64: 1, 1>}, {transform_indices = @transform_5, window_bounds = array<i64: 2304, 256>}, {transform_indices = @transform_6, window_bounds = array<i64: 2304, 256>}, {pipeline_mode = #tpu.pipeline_mode<synchronous>, transform_indices = @transform_7, window_bounds = array<i64: 1, 1>}]} {
    %get3A = arith.constant 0 : index
    %get3A_0 = arith.constant 0 : index
    %get3A_1 = vector.load %arg1[%get3A, %get3A_0] : memref<2304x256xf32, #tpu.memory_space<vmem>>, vector<2304x256xf32>
    %get3A_2 = arith.constant 0 : index
    %get3A_3 = arith.constant 0 : index
    %get3A_4 = vector.load %arg2[%get3A_2, %get3A_3] : memref<2304x256xf32, #tpu.memory_space<vmem>>, vector<2304x256xf32>
    %sub3A = arith.subf %get3A_4, %get3A_1 : vector<2304x256xf32>
    %add3A = arith.addf %get3A_1, %sub3A : vector<2304x256xf32>
    %swap3A = arith.constant 0 : index
    %swap3A_5 = arith.constant 0 : index
    %swap3A_6 = vector.load %arg6[%swap3A, %swap3A_5] : memref<2304x256xf32, #tpu.memory_space<vmem>>, vector<2304x256xf32>
    tpu.vector_store %arg6[%swap3A, %swap3A_5], %add3A {strides = array<i32>} : memref<2304x256xf32, #tpu.memory_space<vmem>>, vector<2304x256xf32>,
    %sub3A_7 = arith.subf %get3A_1, %add3A : vector<2304x256xf32>
    %swap3A_8 = arith.constant 0 : index
    %swap3A_9 = arith.constant 0 : index
    %swap3A_10 = vector.load %arg7[%swap3A_8, %swap3A_9] : memref<2304x256xf32, #tpu.memory_space<vmem>>, vector<2304x256xf32>
    tpu.vector_store %arg7[%swap3A_8, %swap3A_9], %sub3A_7 {strides = array<i32>} : memref<2304x256xf32, #tpu.memory_space<vmem>>, vector<2304x256xf32>,
    %mul3A = arith.mulf %sub3A, %sub3A : vector<2304x256xf32>
    %reduce_sum3A = vector.shape_cast %mul3A : vector<2304x256xf32> to vector<1x2304x256xf32>
    %reduce_sum3A_11 = arith.constant dense<0.000000e+00> : vector<1xf32>
    %reduce_sum3A_12 = vector.multi_reduction <add>, %reduce_sum3A, %reduce_sum3A_11 [1, 2] : vector<1x2304x256xf32> to vector<1xf32>
    %reduce_sum3A_13 = vector.shape_cast %reduce_sum3A_12 : vector<1xf32> to vector<1x1x1xf32>
    %reduce_sum3A_14 = vector.extract %reduce_sum3A_13[0, 0, 0] : f32 from vector<1x1x1xf32>
    %reshape3A = vector.broadcast %reduce_sum3A_14 : f32 to vector<1x1xf32>
    %eq3A = arith.constant 0 : i32
    %eq3A_15 = arith.cmpi eq, %arg0, %eq3A : i32
    %convert_element_type3A = arith.extui %eq3A_15 : i1 to i32
    %cond3A = arith.constant 0 : i32
    %cond3A_16 = arith.cmpi ne, %convert_element_type3A, %cond3A : i32
    scf.if %cond3A_16 {
      %get3A_21 = arith.constant 0 : index
      %get3A_22 = arith.constant 0 : index
      %get3A_23 = vector.load %arg5[%get3A_21, %get3A_22] : memref<1x1xf32, #tpu.memory_space<vmem>>, vector<1x1xf32>
      %add3A_24 = arith.addf %get3A_23, %reshape3A : vector<1x1xf32>
      %swap3A_25 = arith.constant 0 : index
      %swap3A_26 = arith.constant 0 : index
      %swap3A_27 = vector.load %arg8[%swap3A_25, %swap3A_26] : memref<1x1xf32, #tpu.memory_space<vmem>>, vector<1x1xf32>
      tpu.vector_store %arg8[%swap3A_25, %swap3A_26], %add3A_24 {strides = array<i32>} : memref<1x1xf32, #tpu.memory_space<vmem>>, vector<1x1xf32>,
    } else {
    }
    %gt3A = arith.constant 0 : i32
    %gt3A_17 = arith.cmpi sgt, %arg0, %gt3A : i32
    %convert_element_type3A_18 = arith.extui %gt3A_17 : i1 to i32
    %cond3A_19 = arith.constant 0 : i32
    %cond3A_20 = arith.cmpi ne, %convert_element_type3A_18, %cond3A_19 : i32
    scf.if %cond3A_20 {
      %get3A_21 = arith.constant 0 : index
      %get3A_22 = arith.constant 0 : index
      %get3A_23 = vector.load %arg8[%get3A_21, %get3A_22] : memref<1x1xf32, #tpu.memory_space<vmem>>, vector<1x1xf32>
      %add3A_24 = arith.addf %get3A_23, %reshape3A : vector<1x1xf32>
      %swap3A_25 = arith.constant 0 : index
      %swap3A_26 = arith.constant 0 : index
      %swap3A_27 = vector.load %arg8[%swap3A_25, %swap3A_26] : memref<1x1xf32, #tpu.memory_space<vmem>>, vector<1x1xf32>
      tpu.vector_store %arg8[%swap3A_25, %swap3A_26], %add3A_24 {strides = array<i32>} : memref<1x1xf32, #tpu.memory_space<vmem>>, vector<1x1xf32>,
    } else {
    }
    return
  }
  func.func @transform_0(%arg0: i32) -> (i32, i32) {
    %add3A = arith.constant 8 : i32
    %add3A_0 = arith.addi %add3A, %arg0 : i32
    %c0_i32 = arith.constant 0 : i32
    %c0_i32_1 = arith.constant 0 : i32
    return %add3A_0, %c0_i32 : i32, i32
  }
  func.func @transform_1(%arg0: i32) -> (i32, i32) {
    %c0_i32 = arith.constant 0 : i32
    %c0_i32_0 = arith.constant 0 : i32
    return %arg0, %c0_i32 : i32, i32
  }
  func.func @transform_2(%arg0: i32) -> (i32, i32) {
    %c0_i32 = arith.constant 0 : i32
    %c0_i32_0 = arith.constant 0 : i32
    %c0_i32_1 = arith.constant 0 : i32
    return %c0_i32, %c0_i32_0 : i32, i32
  }
  func.func @transform_3(%arg0: i32) -> (i32, i32) {
    %c0_i32 = arith.constant 0 : i32
    %c0_i32_0 = arith.constant 0 : i32
    %c0_i32_1 = arith.constant 0 : i32
    return %c0_i32, %c0_i32_0 : i32, i32
  }
  func.func @transform_4(%arg0: i32) -> (i32, i32) {
    %c0_i32 = arith.constant 0 : i32
    %c0_i32_0 = arith.constant 0 : i32
    %c0_i32_1 = arith.constant 0 : i32
    return %c0_i32, %c0_i32_0 : i32, i32
  }
  func.func @transform_5(%arg0: i32) -> (i32, i32) {
    %add3A = arith.constant 8 : i32
    %add3A_0 = arith.addi %add3A, %arg0 : i32
    %c0_i32 = arith.constant 0 : i32
    %c0_i32_1 = arith.constant 0 : i32
    return %add3A_0, %c0_i32 : i32, i32
  }
  func.func @transform_6(%arg0: i32) -> (i32, i32) {
    %add3A = arith.constant 8 : i32
    %add3A_0 = arith.addi %add3A, %arg0 : i32
    %c0_i32 = arith.constant 0 : i32
    %c0_i32_1 = arith.constant 0 : i32
    return %add3A_0, %c0_i32 : i32, i32
  }
  func.func @transform_7(%arg0: i32) -> (i32, i32) {
    %c0_i32 = arith.constant 0 : i32
    %c0_i32_0 = arith.constant 0 : i32
    %c0_i32_1 = arith.constant 0 : i32
    return %c0_i32, %c0_i32_0 : i32, i32
  }
}

module attributes {stable_mosaic.version = 14 : i64} {
  func.func @_finish_body(%arg0: i32, %arg1: memref<2304x256xf32, #tpu.memory_space<vmem>>, %arg2: memref<2304x256xf32, #tpu.memory_space<vmem>>, %arg3: memref<8x128xf32, #tpu.memory_space<vmem>>, %arg4: memref<8x128xf32, #tpu.memory_space<vmem>>, %arg5: memref<1x1xf32, #tpu.memory_space<vmem>>, %arg6: memref<2304x256xf32, #tpu.memory_space<vmem>>, %arg7: memref<2304x256xf32, #tpu.memory_space<vmem>>, %arg8: memref<1x1xf32, #tpu.memory_space<vmem>>) attributes {dimension_semantics = [#tpu.dimension_semantics<arbitrary>], iteration_bounds = array<i64: 4>, scalar_prefetch = 0 : i64, scratch_operands = 0 : i64, tpu.core_type = #tpu.core_type<tc>, window_params = [{transform_indices = @transform_0, window_bounds = array<i64: 2304, 256>}, {transform_indices = @transform_1, window_bounds = array<i64: 2304, 256>}, {transform_indices = @transform_2, window_bounds = array<i64: 8, 128>}, {transform_indices = @transform_3, window_bounds = array<i64: 8, 128>}, {pipeline_mode = #tpu.pipeline_mode<synchronous>, transform_indices = @transform_4, window_bounds = array<i64: 1, 1>}, {transform_indices = @transform_5, window_bounds = array<i64: 2304, 256>}, {transform_indices = @transform_6, window_bounds = array<i64: 2304, 256>}, {pipeline_mode = #tpu.pipeline_mode<synchronous>, transform_indices = @transform_7, window_bounds = array<i64: 1, 1>}]} {
    %get3A = arith.constant 0 : index
    %get3A_0 = arith.constant 0 : index
    %get3A_1 = vector.load %arg1[%get3A, %get3A_0] : memref<2304x256xf32, #tpu.memory_space<vmem>>, vector<2304x256xf32>
    %get3A_2 = arith.constant 0 : index
    %get3A_3 = arith.constant 0 : index
    %get3A_4 = vector.load %arg2[%get3A_2, %get3A_3] : memref<2304x256xf32, #tpu.memory_space<vmem>>, vector<2304x256xf32>
    %sub3A = arith.subf %get3A_4, %get3A_1 : vector<2304x256xf32>
    %add3A = arith.addf %get3A_1, %sub3A : vector<2304x256xf32>
    %swap3A = arith.constant 0 : index
    %swap3A_5 = arith.constant 0 : index
    %swap3A_6 = vector.load %arg6[%swap3A, %swap3A_5] : memref<2304x256xf32, #tpu.memory_space<vmem>>, vector<2304x256xf32>
    tpu.vector_store %arg6[%swap3A, %swap3A_5], %add3A {strides = array<i32>} : memref<2304x256xf32, #tpu.memory_space<vmem>>, vector<2304x256xf32>,
    %sub3A_7 = arith.subf %get3A_1, %add3A : vector<2304x256xf32>
    %swap3A_8 = arith.constant 0 : index
    %swap3A_9 = arith.constant 0 : index
    %swap3A_10 = vector.load %arg7[%swap3A_8, %swap3A_9] : memref<2304x256xf32, #tpu.memory_space<vmem>>, vector<2304x256xf32>
    tpu.vector_store %arg7[%swap3A_8, %swap3A_9], %sub3A_7 {strides = array<i32>} : memref<2304x256xf32, #tpu.memory_space<vmem>>, vector<2304x256xf32>,
    %mul3A = arith.mulf %sub3A, %sub3A : vector<2304x256xf32>
    %reduce_sum3A = vector.shape_cast %mul3A : vector<2304x256xf32> to vector<1x2304x256xf32>
    %reduce_sum3A_11 = arith.constant dense<0.000000e+00> : vector<1xf32>
    %reduce_sum3A_12 = vector.multi_reduction <add>, %reduce_sum3A, %reduce_sum3A_11 [1, 2] : vector<1x2304x256xf32> to vector<1xf32>
    %reduce_sum3A_13 = vector.shape_cast %reduce_sum3A_12 : vector<1xf32> to vector<1x1x1xf32>
    %reduce_sum3A_14 = vector.extract %reduce_sum3A_13[0, 0, 0] : f32 from vector<1x1x1xf32>
    %reshape3A = vector.broadcast %reduce_sum3A_14 : f32 to vector<1x1xf32>
    %eq3A = arith.constant 0 : i32
    %eq3A_15 = arith.cmpi eq, %arg0, %eq3A : i32
    %convert_element_type3A = arith.extui %eq3A_15 : i1 to i32
    %cond3A = arith.constant 0 : i32
    %cond3A_16 = arith.cmpi ne, %convert_element_type3A, %cond3A : i32
    scf.if %cond3A_16 {
      %get3A_26 = arith.constant 0 : index
      %get3A_27 = arith.constant 0 : index
      %get3A_28 = vector.load %arg5[%get3A_26, %get3A_27] : memref<1x1xf32, #tpu.memory_space<vmem>>, vector<1x1xf32>
      %add3A_29 = arith.addf %get3A_28, %reshape3A : vector<1x1xf32>
      %swap3A_30 = arith.constant 0 : index
      %swap3A_31 = arith.constant 0 : index
      %swap3A_32 = vector.load %arg8[%swap3A_30, %swap3A_31] : memref<1x1xf32, #tpu.memory_space<vmem>>, vector<1x1xf32>
      tpu.vector_store %arg8[%swap3A_30, %swap3A_31], %add3A_29 {strides = array<i32>} : memref<1x1xf32, #tpu.memory_space<vmem>>, vector<1x1xf32>,
    } else {
    }
    %gt3A = arith.constant 0 : i32
    %gt3A_17 = arith.cmpi sgt, %arg0, %gt3A : i32
    %convert_element_type3A_18 = arith.extui %gt3A_17 : i1 to i32
    %cond3A_19 = arith.constant 0 : i32
    %cond3A_20 = arith.cmpi ne, %convert_element_type3A_18, %cond3A_19 : i32
    scf.if %cond3A_20 {
      %get3A_26 = arith.constant 0 : index
      %get3A_27 = arith.constant 0 : index
      %get3A_28 = vector.load %arg8[%get3A_26, %get3A_27] : memref<1x1xf32, #tpu.memory_space<vmem>>, vector<1x1xf32>
      %add3A_29 = arith.addf %get3A_28, %reshape3A : vector<1x1xf32>
      %swap3A_30 = arith.constant 0 : index
      %swap3A_31 = arith.constant 0 : index
      %swap3A_32 = vector.load %arg8[%swap3A_30, %swap3A_31] : memref<1x1xf32, #tpu.memory_space<vmem>>, vector<1x1xf32>
      tpu.vector_store %arg8[%swap3A_30, %swap3A_31], %add3A_29 {strides = array<i32>} : memref<1x1xf32, #tpu.memory_space<vmem>>, vector<1x1xf32>,
    } else {
    }
    %eq3A_21 = arith.constant 3 : i32
    %eq3A_22 = arith.cmpi eq, %arg0, %eq3A_21 : i32
    %convert_element_type3A_23 = arith.extui %eq3A_22 : i1 to i32
    %cond3A_24 = arith.constant 0 : i32
    %cond3A_25 = arith.cmpi ne, %convert_element_type3A_23, %cond3A_24 : i32
    scf.if %cond3A_25 {
      %get3A_26 = arith.constant 0 : index
      %get3A_27 = arith.constant 0 : index
      %get3A_28 = vector.load %arg8[%get3A_26, %get3A_27] : memref<1x1xf32, #tpu.memory_space<vmem>>, vector<1x1xf32>
      %mul3A_29 = arith.constant 1.32454772E-7 : f32
      %mul3A_30 = vector.broadcast %mul3A_29 : f32 to vector<1x1xf32>
      %mul3A_31 = arith.mulf %get3A_28, %mul3A_30 : vector<1x1xf32>
      %swap3A_32 = arith.constant 0 : index
      %swap3A_33 = arith.constant 0 : index
      %swap3A_34 = vector.load %arg8[%swap3A_32, %swap3A_33] : memref<1x1xf32, #tpu.memory_space<vmem>>, vector<1x1xf32>
      tpu.vector_store %arg8[%swap3A_32, %swap3A_33], %mul3A_31 {strides = array<i32>} : memref<1x1xf32, #tpu.memory_space<vmem>>, vector<1x1xf32>,
    } else {
    }
    return
  }
  func.func @transform_0(%arg0: i32) -> (i32, i32) {
    %add3A = arith.constant 12 : i32
    %add3A_0 = arith.addi %add3A, %arg0 : i32
    %c0_i32 = arith.constant 0 : i32
    %c0_i32_1 = arith.constant 0 : i32
    return %add3A_0, %c0_i32 : i32, i32
  }
  func.func @transform_1(%arg0: i32) -> (i32, i32) {
    %c0_i32 = arith.constant 0 : i32
    %c0_i32_0 = arith.constant 0 : i32
    return %arg0, %c0_i32 : i32, i32
  }
  func.func @transform_2(%arg0: i32) -> (i32, i32) {
    %c0_i32 = arith.constant 0 : i32
    %c0_i32_0 = arith.constant 0 : i32
    %c0_i32_1 = arith.constant 0 : i32
    return %c0_i32, %c0_i32_0 : i32, i32
  }
  func.func @transform_3(%arg0: i32) -> (i32, i32) {
    %c0_i32 = arith.constant 0 : i32
    %c0_i32_0 = arith.constant 0 : i32
    %c0_i32_1 = arith.constant 0 : i32
    return %c0_i32, %c0_i32_0 : i32, i32
  }
  func.func @transform_4(%arg0: i32) -> (i32, i32) {
    %c0_i32 = arith.constant 0 : i32
    %c0_i32_0 = arith.constant 0 : i32
    %c0_i32_1 = arith.constant 0 : i32
    return %c0_i32, %c0_i32_0 : i32, i32
  }
  func.func @transform_5(%arg0: i32) -> (i32, i32) {
    %add3A = arith.constant 12 : i32
    %add3A_0 = arith.addi %add3A, %arg0 : i32
    %c0_i32 = arith.constant 0 : i32
    %c0_i32_1 = arith.constant 0 : i32
    return %add3A_0, %c0_i32 : i32, i32
  }
  func.func @transform_6(%arg0: i32) -> (i32, i32) {
    %add3A = arith.constant 12 : i32
    %add3A_0 = arith.addi %add3A, %arg0 : i32
    %c0_i32 = arith.constant 0 : i32
    %c0_i32_1 = arith.constant 0 : i32
    return %add3A_0, %c0_i32 : i32, i32
  }
  func.func @transform_7(%arg0: i32) -> (i32, i32) {
    %c0_i32 = arith.constant 0 : i32
    %c0_i32_0 = arith.constant 0 : i32
    %c0_i32_1 = arith.constant 0 : i32
    return %c0_i32, %c0_i32_0 : i32, i32
  }
}

</mosaic_0001>

<sc_bundles>
// kernel: kernel.15.cloned.1.call-start
scs
__scs_entry_jumppad:
0x0: {  	(pc) =	sbr.rel $0x88, $3  }
0x1: {  	(tag) =	ssettag $0x0;
	lr =	simm.s32 $0x1  }
0x2: {  	[smem:$0x3F9F] =	sst lr;
	_ =	strace $0xD0000000  }
0x3: {  	_ = 	snop  }
0x4: {  	_ = 	snop  }
0x5: {  	_ = 	snop  }
0x6: {  	_ = 	snop  }
0x7: {  	_ = 	snop  }
__scs_overlays_trampoline_lowered:
0x8: {  	[smem:$0x3FAE] =	sst s0  }
0x9: {  	[smem:$0x3FAF] =	sst s1  }
0xa: {  	[smem:$0x3FB0] =	sst s2  }
0xb: {  	[smem:$0x3FB1] =	sst s3  }
0xc: {  	[smem:$0x3FB2] =	sst s4  }
0xd: {  	[smem:$0x3FB3] =	sst s5  }
0xe: {  	[smem:$0x3FB4] =	sst s6  }
0xf: {  	[smem:$0x3FB5] =	sst s7  }
0x10: {  	[smem:$0x3FB6] =	sst s8  }
0x11: {  	[smem:$0x3FB7] =	sst s9;
	s0 =	simm.s32 @!p0 $0x0  }
0x12: {  	s1 =	sld [smem:$0x3F9D];
	s0 =	simm.s32 @p0 $0x1  }
0x13: {  	[smem:$0x3FB8] =	sst s0;
	s0 =	simm.s32 @!p1 $0x0  }
0x14: {  	s2 =	sld [smem:$0x3F9C];
	s0 =	simm.s32 @p1 $0x1  }
0x15: {  	[smem:$0x3FB9] =	sst s0;
	s0 =	simm.s32 @!p2 $0x0  }
0x16: {  	s3 =	sld [smem:$0x3FDB];
	s0 =	simm.s32 @p2 $0x1  }
0x17: {  	s4 =	simm.s32 $0x1BF5;
	[smem:$0x3FBB] =	sst s0  }
0x18: {  	s0 =	sld [smem:$0x3F9E];
	_ =	swait.ge [sflag:s4], $0x0  }
0x19: {  	s7 =	sld [smem:$0x3F9F]  }
0x1a: {  	s8 =	sadd.s32 $0xFFFFE003, lr  }
0x1b: {  	s9 =	sadd.s32 $0xFFFFFEF7, lr;
	s5 =	simm.s32 $0xFFFFFFFF;
	p2 =	slt.u32 s8, $0xFFFFF086  }
0x1c: {  	p1 =	slt.u32 s9, $0xF7A;
	s5 =	simm.s32 @!p2 $0x0  }
0x1d: {  	s5 =	simm.s32 @p1 $0x1;
	p0 =	seq.s32 s7, s2  }
0x1e: {  	s7 =	smul.u32 @!p0 $0xF7A, s2;
	p2 =	seq.s32 @!p0 s5, $0x0  }
0x1f: {  	s9 =	smul.u32 $0xF7A, s1;
	s8 =	simm.s32 @!p0 $0x1BF5;
	p2 =	por !p2, p0  }
0x20: {  	[sflag:s8] =	ssyncset.s32 @!p0 $0xFFFFF086;
	s6 =	sadd.s32 @!p0 s3, s7;
	s7 =	simm.s32 @!p0 $0x108  }
0x21: {  	s3 =	sadd.s32 s3, s9;
	s6 =	sadd.s32 @!p0 $0x88, s6;
	s7 =	simm.s32 @p2 $0x1082  }
0x22: {  	[simem:s7], [sflag:s8] =	dma.local @!p0 [hbm:s6], $0xF7A  }
0x23: {  	s9 =	sor.u32 $0xD0000000, s2;
	s6 =	simm.s32 $0x108;
	_ =	swait.ge @!p0 [sflag:s8], $0x0  }
0x24: {  	s3 =	sadd.s32 $0x88, s3;
	s6 =	simm.s32 @!p1 $0x1082;
	[sflag:s4] =	ssyncset.s32 $0xFFFFF086  }
0x25: {  	[simem:s6], [sflag:s4] =	dma.local [hbm:s3], $0xF7A  }
0x26: {  	[smem:$0x3F9F] =	sst s1;
	(tag) =	ssettag s2;
	_ =	strace s9  }
0x27: {  	s1 =	sld [smem:$0x3FAF]  }
0x28: {  	s2 =	sld [smem:$0x3FB0]  }
0x29: {  	s4 =	sld [smem:$0x3FB2]  }
0x2a: {  	p0 =	seq.s32 s5, $0x0;
	s5 =	sld [smem:$0x3FB3]  }
0x2b: {  	s6 =	sld [smem:$0x3FB4]  }
0x2c: {  	s7 =	sld [smem:$0x3FB5]  }
0x2d: {  	s3 =	simm.s32 $0x108;
	s8 =	sld [smem:$0x3FB6]  }
0x2e: {  	s3 =	simm.s32 @!p0 $0x1082;
	s9 =	sld [smem:$0x3FB7]  }
0x2f: {  	lr =	sadd.s32 s0, s3;
	s0 =	sld [smem:$0x3FAE]  }
0x30: {  	s3 =	sld [smem:$0x3FB1]  }
0x31: {  	[smem:$0x3FBA] =	sst s10  }
0x32: {  	s10 =	sld [smem:$0x3FB8];
	_ =	sdelay $0x3  }
0x33: {  	p0 =	seq.s32 s10, $0x1;
	s10 =	sld [smem:$0x3FBA];
	_ =	sdelay $0x3  }
0x34: {  	[smem:$0x3FBA] =	sst s10  }
0x35: {  	s10 =	sld [smem:$0x3FB9];
	_ =	sdelay $0x3  }
0x36: {  	p1 =	seq.s32 s10, $0x1;
	s10 =	sld [smem:$0x3FBA];
	_ =	sdelay $0x3  }
0x37: {  	[smem:$0x3FBA] =	sst s10  }
0x38: {  	s10 =	sld [smem:$0x3FBB]  }
0x39: {  	_ = 	snop;
	(pc) =	sbr.ind lr, $3  }
0x3a: {  	_ = 	snop  }
0x3b: {  	_ = 	snop  }
0x3c: {  	p2 =	seq.s32 s10, $0x1;
	s10 =	sld [smem:$0x3FBA]  }
0x3d: {  	_ =	shalt  }
0x3e: {  	_ =	shalt  }
0x3f: {  	_ =	shalt  }
0x40: {  	_ =	shalt  }
0x41: {  	_ =	shalt  }
0x42: {  	_ =	shalt  }
0x43: {  	_ =	shalt  }
0x44: {  	_ =	shalt  }
0x45: {  	_ =	shalt  }
0x46: {  	_ =	shalt  }
0x47: {  	_ =	shalt  }
0x48: {  	_ =	shalt  }
0x49: {  	_ =	shalt  }
0x4a: {  	_ =	shalt  }
0x4b: {  	_ =	shalt  }
0x4c: {  	_ =	shalt  }
0x4d: {  	_ =	shalt  }
0x4e: {  	_ =	shalt  }
0x4f: {  	_ =	shalt  }
0x50: {  	_ =	shalt  }
0x51: {  	_ =	shalt  }
0x52: {  	_ =	shalt  }
0x53: {  	_ =	shalt  }
0x54: {  	_ =	shalt  }
0x55: {  	_ =	shalt  }
0x56: {  	_ =	shalt  }
0x57: {  	_ =	shalt  }
0x58: {  	_ =	shalt  }
0x59: {  	_ =	shalt  }
0x5a: {  	_ =	shalt  }
0x5b: {  	_ =	shalt  }
0x5c: {  	_ =	shalt  }
0x5d: {  	_ =	shalt  }
0x5e: {  	_ =	shalt  }
0x5f: {  	_ =	shalt  }
0x60: {  	_ =	shalt  }
0x61: {  	_ =	shalt  }
0x62: {  	_ =	shalt  }
0x63: {  	_ =	shalt  }
0x64: {  	_ =	shalt  }
0x65: {  	_ =	shalt  }
0x66: {  	_ =	shalt  }
0x67: {  	_ =	shalt  }
0x68: {  	_ =	shalt  }
0x69: {  	_ =	shalt  }
0x6a: {  	_ =	shalt  }
0x6b: {  	_ =	shalt  }
0x6c: {  	_ =	shalt  }
0x6d: {  	_ =	shalt  }
0x6e: {  	_ =	shalt  }
0x6f: {  	_ =	shalt  }
0x70: {  	_ =	shalt  }
0x71: {  	_ =	shalt  }
0x72: {  	_ =	shalt  }
0x73: {  	_ =	shalt  }
0x74: {  	_ =	shalt  }
0x75: {  	_ =	shalt  }
0x76: {  	_ =	shalt  }
0x77: {  	_ =	shalt  }
0x78: {  	_ =	shalt  }
0x79: {  	_ =	shalt  }
0x7a: {  	_ =	shalt  }
0x7b: {  	_ =	shalt  }
0x7c: {  	_ =	shalt  }
0x7d: {  	_ =	shalt  }
0x7e: {  	_ =	shalt  }
0x7f: {  	_ =	shalt  }
0x80: {  	_ =	shalt  }
0x81: {  	_ =	shalt  }
0x82: {  	_ =	shalt  }
0x83: {  	_ =	shalt  }
0x84: {  	_ =	shalt  }
0x85: {  	_ =	shalt  }
0x86: {  	_ =	shalt  }
0x87: {  	_ =	shalt  }
.Lfunc_end0:
.L_simem_size_0:
called_computation_lowered:
.L_overlay_start_0:
0x88: {  	s2 =	sld [smem:$0x3FD9]  }
0x89: {  	s3 =	sld [smem:$0x3FFE];
	_ =	sdelay $0x1  }
0x8a: {  	s1 =	srdreg.scid  }
0x8b: {  	s0 =	sand.u32 $0x1, s1  }
0x8c: {  	s15 =	sshll.u32 s0, $0xA;
	s2 =	sadd.s32 s3, s2  }
0x8d: {  	s2 =	sadd.s32 s2, s15  }
0x8e: {  	[smem:$0x3FC6] =	sst s2  }
0x8f: {  	_ = 	snop  }
0x90: {  	s2 =	sld [smem:$0x3FD0];
	_ =	sdelay $0x2  }
0x91: {  	s4 =	simm.s32 $0xD;
	s5 =	simm.s32 $0x10;
	s16 =	sld [smem:$0x3FC8]  }
0x92: {  	[smem:s5], [sflag:s4] =	dma.local [hbm:s2], $0x1  }
0x93: {  	_ =	swait.eq [sflag:s4], $0x1  }
0x94: {  	[sflag:s4] =	ssyncset.done $0x0  }
0x95: {  	s17 =	sld [smem:$0x10];
	[sflag:s4] =	ssyncadd.s32 $0xFFFFFFFF  }
0x96: {  	s18 =	sld [smem:$0x11];
	(tm) =	ssettm $0x1  }
0x97: {  	s19 =	sld [smem:$0x3FFB];
	_ =	sdelay $0x3  }
0x98: {  	_ =	strace s19  }
0x99: {  	s5 =	sld [smem:$0x3FFC];
	_ =	sdelay $0x3  }
0x9a: {  	_ =	strace s5  }
0x9b: {  	s5 =	sld [smem:$0x3FFD];
	_ =	sdelay $0x3  }
0x9c: {  	_ =	strace s5  }
0x9d: {  	_ =	strace $0x8FFFFFFF  }
0x9e: {  	s20 =	sld [smem:$0x3FDB];
	_ =	sdelay $0x1  }
0x9f: {  	s6 =	simm.s32 $_scs_section_size  }
0xa0: {  	s7 =	simm.s32 $_size__tile_overlayer_lowered;
	s8 =	simm.s32 $_tile_overlayer_lowered  }
0xa1: {  	s23 =	simm.s32 $0x1BFF;
	s22 =	sshll.u32 s8, $0x1;
	s5 =	sadd.s32 s6, s20  }
0xa2: {  	s9 =	simm.s32 $0x0;
	s21 =	sshll.u32 s7, $0x1;
	s7 =	sadd.s32 s22, s5  }
0xa3: {  	[timem:s9], [sflag:s23] =	dma.local [hbm:s7], s21  }
0xa4: {  	_ =	swait.ge [sflag:s23], s21  }
0xa5: {  	s6 =	ssub.s32 $0x0, s21;
	[sflag:s23] =	ssyncset.done $0x0  }
0xa6: {  	[sflag:s23] =	ssyncadd.s32 s6;
	_ =	sdelay $0x1  }
0xa7: {  	s24 =	simm.s32 $0x1B8B  }
0xa8: {  	_ =	swait.ge [sflag:s24], $0x1  }
0xa9: {  	[sflag:s24] =	ssyncset.done $0x0  }
0xaa: {  	s25 =	simm.s32 $0x1B8E;
	[sflag:s24] =	ssyncadd.s32 $0xFFFFFFFF  }
0xab: {  	s26 =	simm.s32 $execute0_lowered;
	[smem:$0x3FD2] =	sst s25  }
0xac: {  	s6 =	sshll.u32 s26, $0x1;
	_ =	strace $0x80000046;
	[dreg:$0x1] =	wrdreg $0xFFFFFFFF  }
0xad: {  	s28 =	simm.s32 $_size_execute0_lowered;
	s5 =	sadd.s32 s5, s6;
	[dreg:$0x0] =	wrdreg $0x0  }
0xae: {  	s6 =	sshll.u32 s28, $0x1;
	[dreg:$0x2] =	wrdreg s5  }
0xaf: {  	[dreg:$0x3] =	wrdreg s6  }
0xb0: {  	[dreg:$0x4] =	wrdreg $0xC0  }
0xb1: {  	_ =	task [dreg:s9], $0x5FFFF  }
0xb2: {  	[dreg:$0x1] =	wrdreg $0xFFFFFFFF  }
0xb3: {  	[dreg:$0x0] =	wrdreg $0x60  }
0xb4: {  	[dreg:$0x2] =	wrdreg s17  }
0xb5: {  	[dreg:$0x3] =	wrdreg s16  }
0xb6: {  	[dreg:$0x4] =	wrdreg s18  }
0xb7: {  	[dreg:$0x5] =	wrdreg $0x9  }
0xb8: {  	_ =	task.clear_ibuf [dreg:s9], $0x6FFFF;
	_ =	strace $0x90000046  }
0xb9: {  	s29 =	simm.s32 $0x9;
	_ =	strace $0x80000048  }
0xba: {  	_ =	swait.ge [sflag:s29], $0x1  }
0xbb: {  	[sflag:s29] =	ssyncadd.s32 $0xFFFFFFFF  }
0xbc: {  	_ =	strace $0x90000048  }
0xbd: {  	_ =	sfence  }
0xbe: {  	s30 =	sld [smem:$0x0];
	_ =	sdelay $0x2  }
0xbf: {  	s31 =	sshll.u32 s1, $0xD;
	s1 =	sshrl.u32 s1, $0x2  }
0xc0: {  	s3 =	sand.u32 $0x4000, s31;
	s1 =	sadd.s32 s1, s30  }
0xc1: {  	s0 =	sor.u32 s3, s0;
	s1 =	sshll.u32 s1, $0x11  }
0xc2: {  	s0 =	sor.u32 s1, s0  }
0xc3: {  	s0 =	sadd.s32 $0x8F2B, s0  }
0xc4: {  	[sflag:s0] =	ssyncadd.remote.s32 $0x1  }
0xc5: {  	_ =	sfence.sel $0xFFFF  }
0xc6: {  	[dreg:$0x0] =	wrdreg $0xFFFFFFFF;
	(pc) =	sbr.abs _section_cstart, $3  }
0xc7: {  	[dreg:$0x1] =	wrdreg $0xFFFFFFFF  }
0xc8: {  	_ =	task.clear_ibuf [dreg:s9], $0x2FFFF;
	_ =	strace $0x9FFFFFFF  }
0xc9: {  	(tm) =	ssettm $0x7FFFFFFF  }
tec
execute0_lowered:
.L_overlay_start_1:
0x0: {  	(tag) =	ssettag $0x1  }
0x1: {  	s8 =	rddreg [dreg:$0x0]  }
0x2: {  	s2 =	rddreg [dreg:$0x1];
	s1 =	srdreg.scid  }
0x3: {  	s0 =	stileid.u32;
	s9 =	rddreg [dreg:$0x2];
	s3 =	simm.s32 $0x0  }
0x4: {  	s14 =	simm.s32 $0x1080;
	s15 =	simm.s32 $0x1880;
	s16 =	simm.s32 $0x2080  }
0x5: {  	s17 =	simm.s32 $0x2880;
	s18 =	simm.s32 $0x3080;
	s19 =	simm.s32 $0x3880  }
0x6: {  	s20 =	simm.s32 $0x4080;
	s21 =	simm.s32 $0x4880;
	s22 =	simm.s32 $0x5080  }
0x7: {  	s23 =	simm.s32 $0x5880;
	s4 =	sand.u32 $0x1, s1;
	s5 =	sshll.u32 s0, $0x1  }
0x8: {  	s24 =	simm.s32 $0x1;
	s1 =	rddreg [dreg:$0x3];
	s5 =	sor.u32 s4, s5  }
0x9: {  	[smem:$0x7FF] =	sst s3;
	s4 =	ssub.s32 $0x2, s4;
	s7 =	smul.u32 $0x120, s5  }
0xa: {  	_ =	strace $0x80000047;
	s6 =	sshrl.u32 s4, $0x1;
	s5 =	smul.u32 $0x2400, s5  }
0xb: {  	s12 =	ssub.s32 s4, s6;
	s10 =	sshrl.u32 s7, $0x3;
	s11 =	sadd.s32 $0x60, s7  }
0xc: {  	s5 =	sadd.s32 s9, s5;
	s7 =	sadd.s32 $0xC0, s7;
	s4 =	sadd.s32 s8, s10  }
0xd: {  	s29 =	sshrl.u32 s11, $0x3;
	s30 =	sshll.u32 s11, $0x5;
	s31 =	sshrl.u32 s7, $0x3  }
0xe: {  	v2 =	vlaneseq.u32;
	s13 =	sshll.u32 s7, $0x5;
	s10 =	smax.u32 s12, $0x1;
	s11 =	simm.s32 $0x2  }
0xf: {  	vm0 =	vmmov $0xffff;
	v1 =	vshrl.u32 v2, $0x3;
	s12 =	simm.s32 $0x80;
	s6 =	sadd.s32 s8, s29;
	s7 =	sadd.s32 s9, s30  }
0x10: {  	v0 =	vand.u32 $0x7, v2;
	v2 =	vor.u32 $0x8, v2;
	v1 =	vmul.u32 $0x8, v1;
	s8 =	sadd.s32 s8, s31;
	s9 =	sadd.s32 s9, s13;
	s13 =	simm.s32 $0x880  }
.LBB2_1:
0x11: {  	[tilespmem:s3], [sflag:$0x2] =	stream.linear.gather [hbm4b:s4+s3], $0x60, $0x38;
	[tilespmem:$0x6080] =	vst v63  }
0x12: {  	_ =	swait.ge [sflag:s11], $0x60  }
0x13: {  	[sflag:s11] =	ssyncset.done $0x0  }
0x14: {  	[sflag:s11] =	ssyncadd.s32 $0xFFFFFFA0  }
0x15: {  	v3 =	vld [tilespmem:$0x0];
	_ =	sdelay $0x4  }
0x16: {  	v4 =	vshll.u32 v3, $0x1  }
0x17: {  	v3 =	vand.u32 $0x7, v3;
	v4 =	vand.u32 $0xFFFFFFF0, v4  }
0x18: {  	v3 =	vor.u32 v3, v4  }
0x19: {  	v4 =	vperm.xlane v3, v0;
	_ =	sdelay $0x1  }
0x1a: {  	v3 =	vperm.xlane v3, v2;
	v4 =	vadd.s32 v1, v4;
	_ =	sdelay $0x1  }
0x1b: {  	v3 =	vadd.s32 v1, v3;
	_ =	sdelay $0x2  }
0x1c: {  	[tilespmem:s12], [sflag:$0x1] =	stream.indirect_vreg.gather [hbm4b:s2+s3], $0x80, v4, vm0, $0xb8;
	[tilespmem:$0x6080] =	vst v63  }
0x1d: {  	_ = 	snop  }
0x1e: {  	[tilespmem:s13], [sflag:$0x1] =	stream.indirect_vreg.gather [hbm4b:s2+s3], $0x80, v3, vm0, $0xb8;
	[tilespmem:$0x6080] =	vst v63  }
0x1f: {  	v3 =	vld [tilespmem:$0x10];
	_ =	sdelay $0x4  }
0x20: {  	v47 =	vshll.u32 v3, $0x1  }
0x21: {  	v3 =	vand.u32 $0x7, v3;
	v4 =	vand.u32 $0xFFFFFFF0, v47  }
0x22: {  	v3 =	vor.u32 v3, v4  }
0x23: {  	v4 =	vperm.xlane v3, v0;
	_ =	sdelay $0x1  }
0x24: {  	v3 =	vperm.xlane v3, v2;
	v4 =	vadd.s32 v1, v4;
	_ =	sdelay $0x1  }
0x25: {  	v3 =	vadd.s32 v1, v3;
	_ =	sdelay $0x2  }
0x26: {  	[tilespmem:s14], [sflag:$0x1] =	stream.indirect_vreg.gather [hbm4b:s2+s3], $0x80, v4, vm0, $0xb8;
	[tilespmem:$0x6080] =	vst v63  }
0x27: {  	_ = 	snop  }
0x28: {  	[tilespmem:s15], [sflag:$0x1] =	stream.indirect_vreg.gather [hbm4b:s2+s3], $0x80, v3, vm0, $0xb8;
	[tilespmem:$0x6080] =	vst v63  }
0x29: {  	v3 =	vld [tilespmem:$0x20];
	_ =	sdelay $0x4  }
0x2a: {  	v48 =	vshll.u32 v3, $0x1  }
0x2b: {  	v3 =	vand.u32 $0x7, v3;
	v4 =	vand.u32 $0xFFFFFFF0, v48  }
0x2c: {  	v3 =	vor.u32 v3, v4  }
0x2d: {  	v4 =	vperm.xlane v3, v0;
	_ =	sdelay $0x1  }
0x2e: {  	v3 =	vperm.xlane v3, v2;
	v4 =	vadd.s32 v1, v4;
	_ =	sdelay $0x1  }
0x2f: {  	v3 =	vadd.s32 v1, v3;
	_ =	sdelay $0x2  }
0x30: {  	[tilespmem:s16], [sflag:$0x1] =	stream.indirect_vreg.gather [hbm4b:s2+s3], $0x80, v4, vm0, $0xb8;
	[tilespmem:$0x6080] =	vst v63  }
0x31: {  	_ = 	snop  }
0x32: {  	[tilespmem:s17], [sflag:$0x1] =	stream.indirect_vreg.gather [hbm4b:s2+s3], $0x80, v3, vm0, $0xb8;
	[tilespmem:$0x6080] =	vst v63  }
0x33: {  	v3 =	vld [tilespmem:$0x30];
	_ =	sdelay $0x4  }
0x34: {  	v49 =	vshll.u32 v3, $0x1  }
0x35: {  	v3 =	vand.u32 $0x7, v3;
	v4 =	vand.u32 $0xFFFFFFF0, v49  }
0x36: {  	v3 =	vor.u32 v3, v4  }
0x37: {  	v4 =	vperm.xlane v3, v0;
	_ =	sdelay $0x1  }
0x38: {  	v3 =	vperm.xlane v3, v2;
	v4 =	vadd.s32 v1, v4;
	_ =	sdelay $0x1  }
0x39: {  	v3 =	vadd.s32 v1, v3;
	_ =	sdelay $0x2  }
0x3a: {  	[tilespmem:s18], [sflag:$0x1] =	stream.indirect_vreg.gather [hbm4b:s2+s3], $0x80, v4, vm0, $0xb8;
	[tilespmem:$0x6080] =	vst v63  }
0x3b: {  	_ = 	snop  }
0x3c: {  	[tilespmem:s19], [sflag:$0x1] =	stream.indirect_vreg.gather [hbm4b:s2+s3], $0x80, v3, vm0, $0xb8;
	[tilespmem:$0x6080] =	vst v63  }
0x3d: {  	v3 =	vld [tilespmem:$0x40];
	_ =	sdelay $0x4  }
0x3e: {  	v50 =	vshll.u32 v3, $0x1  }
0x3f: {  	v3 =	vand.u32 $0x7, v3;
	v4 =	vand.u32 $0xFFFFFFF0, v50  }
0x40: {  	v3 =	vor.u32 v3, v4  }
0x41: {  	v4 =	vperm.xlane v3, v0;
	_ =	sdelay $0x1  }
0x42: {  	v3 =	vperm.xlane v3, v2;
	v4 =	vadd.s32 v1, v4;
	_ =	sdelay $0x1  }
0x43: {  	v3 =	vadd.s32 v1, v3;
	_ =	sdelay $0x2  }
0x44: {  	[tilespmem:s20], [sflag:$0x1] =	stream.indirect_vreg.gather [hbm4b:s2+s3], $0x80, v4, vm0, $0xb8;
	[tilespmem:$0x6080] =	vst v63  }
0x45: {  	_ = 	snop  }
0x46: {  	[tilespmem:s21], [sflag:$0x1] =	stream.indirect_vreg.gather [hbm4b:s2+s3], $0x80, v3, vm0, $0xb8;
	[tilespmem:$0x6080] =	vst v63  }
0x47: {  	v3 =	vld [tilespmem:$0x50];
	_ =	sdelay $0x4  }
0x48: {  	v51 =	vshll.u32 v3, $0x1  }
0x49: {  	v3 =	vand.u32 $0x7, v3;
	v4 =	vand.u32 $0xFFFFFFF0, v51  }
0x4a: {  	v3 =	vor.u32 v3, v4  }
0x4b: {  	v4 =	vperm.xlane v3, v0;
	_ =	sdelay $0x1  }
0x4c: {  	v3 =	vperm.xlane v3, v2;
	v4 =	vadd.s32 v1, v4;
	_ =	sdelay $0x1  }
0x4d: {  	v3 =	vadd.s32 v1, v3;
	_ =	sdelay $0x2  }
0x4e: {  	[tilespmem:s22], [sflag:$0x1] =	stream.indirect_vreg.gather [hbm4b:s2+s3], $0x80, v4, vm0, $0xb8;
	[tilespmem:$0x6080] =	vst v63  }
0x4f: {  	_ = 	snop  }
0x50: {  	[tilespmem:s23], [sflag:$0x1] =	stream.indirect_vreg.gather [hbm4b:s2+s3], $0x80, v3, vm0, $0xb8;
	[tilespmem:$0x6080] =	vst v63  }
0x51: {  	_ =	swait.ge [sflag:s24], $0x6000  }
0x52: {  	[sflag:s24] =	ssyncset.done $0x0  }
0x53: {  	[sflag:s24] =	ssyncadd.s32 $0xFFFFA000  }
0x54: {  	[hbm4b:s5+s3] =	stream.linear.scatter [tilespmem:s12], [sflag:$0x2], $0x6000, $0x38;
	[tilespmem:$0x6080] =	vst v63  }
0x55: {  	_ =	swait.ge [sflag:s11], $0x6000  }
0x56: {  	[sflag:s11] =	ssyncset.done $0x0  }
0x57: {  	[sflag:s11] =	ssyncadd.s32 $0xFFFFA000  }
0x58: {  	[tilespmem:s3], [sflag:$0x2] =	stream.linear.gather [hbm4b:s6+s3], $0x60, $0x38;
	[tilespmem:$0x6080] =	vst v63  }
0x59: {  	_ =	swait.ge [sflag:s11], $0x60  }
0x5a: {  	[sflag:s11] =	ssyncset.done $0x0  }
0x5b: {  	[sflag:s11] =	ssyncadd.s32 $0xFFFFFFA0  }
0x5c: {  	v3 =	vld [tilespmem:$0x0];
	_ =	sdelay $0x4  }
0x5d: {  	v52 =	vshll.u32 v3, $0x1  }
0x5e: {  	v3 =	vand.u32 $0x7, v3;
	v4 =	vand.u32 $0xFFFFFFF0, v52  }
0x5f: {  	v3 =	vor.u32 v3, v4  }
0x60: {  	v4 =	vperm.xlane v3, v0;
	_ =	sdelay $0x1  }
0x61: {  	v3 =	vperm.xlane v3, v2;
	v4 =	vadd.s32 v1, v4;
	_ =	sdelay $0x1  }
0x62: {  	v3 =	vadd.s32 v1, v3;
	_ =	sdelay $0x2  }
0x63: {  	[tilespmem:s12], [sflag:$0x1] =	stream.indirect_vreg.gather [hbm4b:s2+s3], $0x80, v4, vm0, $0xb8;
	[tilespmem:$0x6080] =	vst v63  }
0x64: {  	_ = 	snop  }
0x65: {  	[tilespmem:s13], [sflag:$0x1] =	stream.indirect_vreg.gather [hbm4b:s2+s3], $0x80, v3, vm0, $0xb8;
	[tilespmem:$0x6080] =	vst v63  }
0x66: {  	v3 =	vld [tilespmem:$0x10];
	_ =	sdelay $0x4  }
0x67: {  	v53 =	vshll.u32 v3, $0x1  }
0x68: {  	v3 =	vand.u32 $0x7, v3;
	v4 =	vand.u32 $0xFFFFFFF0, v53  }
0x69: {  	v3 =	vor.u32 v3, v4  }
0x6a: {  	v4 =	vperm.xlane v3, v0;
	_ =	sdelay $0x1  }
0x6b: {  	v3 =	vperm.xlane v3, v2;
	v4 =	vadd.s32 v1, v4;
	_ =	sdelay $0x1  }
0x6c: {  	v3 =	vadd.s32 v1, v3;
	_ =	sdelay $0x2  }
0x6d: {  	[tilespmem:s14], [sflag:$0x1] =	stream.indirect_vreg.gather [hbm4b:s2+s3], $0x80, v4, vm0, $0xb8;
	[tilespmem:$0x6080] =	vst v63  }
0x6e: {  	_ = 	snop  }
0x6f: {  	[tilespmem:s15], [sflag:$0x1] =	stream.indirect_vreg.gather [hbm4b:s2+s3], $0x80, v3, vm0, $0xb8;
	[tilespmem:$0x6080] =	vst v63  }
0x70: {  	v3 =	vld [tilespmem:$0x20];
	_ =	sdelay $0x4  }
0x71: {  	v54 =	vshll.u32 v3, $0x1  }
0x72: {  	v3 =	vand.u32 $0x7, v3;
	v4 =	vand.u32 $0xFFFFFFF0, v54  }
0x73: {  	v3 =	vor.u32 v3, v4  }
0x74: {  	v4 =	vperm.xlane v3, v0;
	_ =	sdelay $0x1  }
0x75: {  	v3 =	vperm.xlane v3, v2;
	v4 =	vadd.s32 v1, v4;
	_ =	sdelay $0x1  }
0x76: {  	v3 =	vadd.s32 v1, v3;
	_ =	sdelay $0x2  }
0x77: {  	[tilespmem:s16], [sflag:$0x1] =	stream.indirect_vreg.gather [hbm4b:s2+s3], $0x80, v4, vm0, $0xb8;
	[tilespmem:$0x6080] =	vst v63  }
0x78: {  	_ = 	snop  }
0x79: {  	[tilespmem:s17], [sflag:$0x1] =	stream.indirect_vreg.gather [hbm4b:s2+s3], $0x80, v3, vm0, $0xb8;
	[tilespmem:$0x6080] =	vst v63  }
0x7a: {  	v3 =	vld [tilespmem:$0x30];
	_ =	sdelay $0x4  }
0x7b: {  	v55 =	vshll.u32 v3, $0x1  }
0x7c: {  	v3 =	vand.u32 $0x7, v3;
	v4 =	vand.u32 $0xFFFFFFF0, v55  }
0x7d: {  	v3 =	vor.u32 v3, v4  }
0x7e: {  	v4 =	vperm.xlane v3, v0;
	_ =	sdelay $0x1  }
0x7f: {  	v3 =	vperm.xlane v3, v2;
	v4 =	vadd.s32 v1, v4;
	_ =	sdelay $0x1  }
0x80: {  	v3 =	vadd.s32 v1, v3;
	_ =	sdelay $0x2  }
0x81: {  	[tilespmem:s18], [sflag:$0x1] =	stream.indirect_vreg.gather [hbm4b:s2+s3], $0x80, v4, vm0, $0xb8;
	[tilespmem:$0x6080] =	vst v63  }
0x82: {  	_ = 	snop  }
0x83: {  	[tilespmem:s19], [sflag:$0x1] =	stream.indirect_vreg.gather [hbm4b:s2+s3], $0x80, v3, vm0, $0xb8;
	[tilespmem:$0x6080] =	vst v63  }
0x84: {  	v3 =	vld [tilespmem:$0x40];
	_ =	sdelay $0x4  }
0x85: {  	v56 =	vshll.u32 v3, $0x1  }
0x86: {  	v3 =	vand.u32 $0x7, v3;
	v4 =	vand.u32 $0xFFFFFFF0, v56  }
0x87: {  	v3 =	vor.u32 v3, v4  }
0x88: {  	v4 =	vperm.xlane v3, v0;
	_ =	sdelay $0x1  }
0x89: {  	v3 =	vperm.xlane v3, v2;
	v4 =	vadd.s32 v1, v4;
	_ =	sdelay $0x1  }
0x8a: {  	v3 =	vadd.s32 v1, v3;
	_ =	sdelay $0x2  }
0x8b: {  	[tilespmem:s20], [sflag:$0x1] =	stream.indirect_vreg.gather [hbm4b:s2+s3], $0x80, v4, vm0, $0xb8;
	[tilespmem:$0x6080] =	vst v63  }
0x8c: {  	_ = 	snop  }
0x8d: {  	[tilespmem:s21], [sflag:$0x1] =	stream.indirect_vreg.gather [hbm4b:s2+s3], $0x80, v3, vm0, $0xb8;
	[tilespmem:$0x6080] =	vst v63  }
0x8e: {  	v3 =	vld [tilespmem:$0x50];
	_ =	sdelay $0x4  }
0x8f: {  	v57 =	vshll.u32 v3, $0x1  }
0x90: {  	v3 =	vand.u32 $0x7, v3;
	v4 =	vand.u32 $0xFFFFFFF0, v57  }
0x91: {  	v3 =	vor.u32 v3, v4  }
0x92: {  	v4 =	vperm.xlane v3, v0;
	_ =	sdelay $0x1  }
0x93: {  	v3 =	vperm.xlane v3, v2;
	v4 =	vadd.s32 v1, v4;
	_ =	sdelay $0x1  }
0x94: {  	v3 =	vadd.s32 v1, v3;
	_ =	sdelay $0x2  }
0x95: {  	[tilespmem:s22], [sflag:$0x1] =	stream.indirect_vreg.gather [hbm4b:s2+s3], $0x80, v4, vm0, $0xb8;
	[tilespmem:$0x6080] =	vst v63  }
0x96: {  	_ = 	snop  }
0x97: {  	[tilespmem:s23], [sflag:$0x1] =	stream.indirect_vreg.gather [hbm4b:s2+s3], $0x80, v3, vm0, $0xb8;
	[tilespmem:$0x6080] =	vst v63  }
0x98: {  	_ =	swait.ge [sflag:s24], $0x6000  }
0x99: {  	[sflag:s24] =	ssyncset.done $0x0  }
0x9a: {  	[sflag:s24] =	ssyncadd.s32 $0xFFFFA000  }
0x9b: {  	[hbm4b:s7+s3] =	stream.linear.scatter [tilespmem:s12], [sflag:$0x2], $0x6000, $0x38;
	[tilespmem:$0x6080] =	vst v63  }
0x9c: {  	_ =	swait.ge [sflag:s11], $0x6000  }
0x9d: {  	[sflag:s11] =	ssyncset.done $0x0  }
0x9e: {  	[sflag:s11] =	ssyncadd.s32 $0xFFFFA000  }
0x9f: {  	[tilespmem:s3], [sflag:$0x2] =	stream.linear.gather [hbm4b:s8+s3], $0x60, $0x38;
	[tilespmem:$0x6080] =	vst v63  }
0xa0: {  	_ =	swait.ge [sflag:s11], $0x60  }
0xa1: {  	[sflag:s11] =	ssyncset.done $0x0  }
0xa2: {  	[sflag:s11] =	ssyncadd.s32 $0xFFFFFFA0  }
0xa3: {  	v3 =	vld [tilespmem:$0x0];
	_ =	sdelay $0x4  }
0xa4: {  	v58 =	vshll.u32 v3, $0x1  }
0xa5: {  	v3 =	vand.u32 $0x7, v3;
	v4 =	vand.u32 $0xFFFFFFF0, v58  }
0xa6: {  	v3 =	vor.u32 v3, v4  }
0xa7: {  	v4 =	vperm.xlane v3, v0;
	_ =	sdelay $0x1  }
0xa8: {  	v3 =	vperm.xlane v3, v2;
	v4 =	vadd.s32 v1, v4;
	_ =	sdelay $0x1  }
0xa9: {  	v3 =	vadd.s32 v1, v3;
	_ =	sdelay $0x2  }
0xaa: {  	[tilespmem:s12], [sflag:$0x1] =	stream.indirect_vreg.gather [hbm4b:s2+s3], $0x80, v4, vm0, $0xb8;
	[tilespmem:$0x6080] =	vst v63  }
0xab: {  	_ = 	snop  }
0xac: {  	[tilespmem:s13], [sflag:$0x1] =	stream.indirect_vreg.gather [hbm4b:s2+s3], $0x80, v3, vm0, $0xb8;
	[tilespmem:$0x6080] =	vst v63  }
0xad: {  	v3 =	vld [tilespmem:$0x10];
	_ =	sdelay $0x4  }
0xae: {  	v59 =	vshll.u32 v3, $0x1  }
0xaf: {  	v3 =	vand.u32 $0x7, v3;
	v4 =	vand.u32 $0xFFFFFFF0, v59  }
0xb0: {  	v3 =	vor.u32 v3, v4  }
0xb1: {  	v4 =	vperm.xlane v3, v0;
	_ =	sdelay $0x1  }
0xb2: {  	v3 =	vperm.xlane v3, v2;
	v4 =	vadd.s32 v1, v4;
	_ =	sdelay $0x1  }
0xb3: {  	v3 =	vadd.s32 v1, v3;
	_ =	sdelay $0x2  }
0xb4: {  	[tilespmem:s14], [sflag:$0x1] =	stream.indirect_vreg.gather [hbm4b:s2+s3], $0x80, v4, vm0, $0xb8;
	[tilespmem:$0x6080] =	vst v63  }
0xb5: {  	_ = 	snop  }
0xb6: {  	[tilespmem:s15], [sflag:$0x1] =	stream.indirect_vreg.gather [hbm4b:s2+s3], $0x80, v3, vm0, $0xb8;
	[tilespmem:$0x6080] =	vst v63  }
0xb7: {  	v3 =	vld [tilespmem:$0x20];
	_ =	sdelay $0x4  }
0xb8: {  	v60 =	vshll.u32 v3, $0x1  }
0xb9: {  	v3 =	vand.u32 $0x7, v3;
	v4 =	vand.u32 $0xFFFFFFF0, v60  }
0xba: {  	v3 =	vor.u32 v3, v4  }
0xbb: {  	v4 =	vperm.xlane v3, v0;
	_ =	sdelay $0x1  }
0xbc: {  	v3 =	vperm.xlane v3, v2;
	v4 =	vadd.s32 v1, v4;
	_ =	sdelay $0x1  }
0xbd: {  	v3 =	vadd.s32 v1, v3;
	_ =	sdelay $0x2  }
0xbe: {  	[tilespmem:s16], [sflag:$0x1] =	stream.indirect_vreg.gather [hbm4b:s2+s3], $0x80, v4, vm0, $0xb8;
	[tilespmem:$0x6080] =	vst v63  }
0xbf: {  	_ = 	snop  }
0xc0: {  	[tilespmem:s17], [sflag:$0x1] =	stream.indirect_vreg.gather [hbm4b:s2+s3], $0x80, v3, vm0, $0xb8;
	[tilespmem:$0x6080] =	vst v63  }
0xc1: {  	v3 =	vld [tilespmem:$0x30];
	_ =	sdelay $0x4  }
0xc2: {  	v61 =	vshll.u32 v3, $0x1  }
0xc3: {  	v3 =	vand.u32 $0x7, v3;
	v4 =	vand.u32 $0xFFFFFFF0, v61  }
0xc4: {  	v3 =	vor.u32 v3, v4  }
0xc5: {  	v4 =	vperm.xlane v3, v0;
	_ =	sdelay $0x1  }
0xc6: {  	v3 =	vperm.xlane v3, v2;
	v4 =	vadd.s32 v1, v4;
	_ =	sdelay $0x1  }
0xc7: {  	v3 =	vadd.s32 v1, v3;
	_ =	sdelay $0x2  }
0xc8: {  	[tilespmem:s18], [sflag:$0x1] =	stream.indirect_vreg.gather [hbm4b:s2+s3], $0x80, v4, vm0, $0xb8;
	[tilespmem:$0x6080] =	vst v63  }
0xc9: {  	_ = 	snop  }
0xca: {  	[tilespmem:s19], [sflag:$0x1] =	stream.indirect_vreg.gather [hbm4b:s2+s3], $0x80, v3, vm0, $0xb8;
	[tilespmem:$0x6080] =	vst v63  }
0xcb: {  	v3 =	vld [tilespmem:$0x40];
	_ =	sdelay $0x4  }
0xcc: {  	v62 =	vshll.u32 v3, $0x1  }
0xcd: {  	v3 =	vand.u32 $0x7, v3;
	v4 =	vand.u32 $0xFFFFFFF0, v62  }
0xce: {  	v3 =	vor.u32 v3, v4  }
0xcf: {  	v4 =	vperm.xlane v3, v0;
	_ =	sdelay $0x1  }
0xd0: {  	v3 =	vperm.xlane v3, v2;
	v4 =	vadd.s32 v1, v4;
	_ =	sdelay $0x1  }
0xd1: {  	v3 =	vadd.s32 v1, v3;
	_ =	sdelay $0x2  }
0xd2: {  	[tilespmem:s20], [sflag:$0x1] =	stream.indirect_vreg.gather [hbm4b:s2+s3], $0x80, v4, vm0, $0xb8;
	[tilespmem:$0x6080] =	vst v63  }
0xd3: {  	_ = 	snop  }
0xd4: {  	[tilespmem:s21], [sflag:$0x1] =	stream.indirect_vreg.gather [hbm4b:s2+s3], $0x80, v3, vm0, $0xb8;
	[tilespmem:$0x6080] =	vst v63  }
0xd5: {  	v3 =	vld [tilespmem:$0x50];
	_ =	sdelay $0x4  }
0xd6: {  	v63 =	vshll.u32 v3, $0x1  }
0xd7: {  	v3 =	vand.u32 $0x7, v3;
	v4 =	vand.u32 $0xFFFFFFF0, v63  }
0xd8: {  	v3 =	vor.u32 v3, v4  }
0xd9: {  	v4 =	vperm.xlane v3, v0;
	_ =	sdelay $0x1  }
0xda: {  	v3 =	vperm.xlane v3, v2;
	v4 =	vadd.s32 v1, v4;
	_ =	sdelay $0x1  }
0xdb: {  	v3 =	vadd.s32 v1, v3;
	_ =	sdelay $0x2  }
0xdc: {  	[tilespmem:s22], [sflag:$0x1] =	stream.indirect_vreg.gather [hbm4b:s2+s3], $0x80, v4, vm0, $0xb8;
	[tilespmem:$0x6080] =	vst v63  }
0xdd: {  	_ = 	snop  }
0xde: {  	[tilespmem:s23], [sflag:$0x1] =	stream.indirect_vreg.gather [hbm4b:s2+s3], $0x80, v3, vm0, $0xb8;
	[tilespmem:$0x6080] =	vst v63  }
0xdf: {  	_ =	swait.ge [sflag:s24], $0x6000  }
0xe0: {  	p0 =	sne.s32 s10, $0x1;
	[sflag:s24] =	ssyncset.done $0x0  }
.Ltmp0:
0xe1: {  	[sflag:s24] =	ssyncadd.s32 $0xFFFFA000;
	(pc) =	sbr.rel @p0 .LBB2_1-.Ltmp0, $4  }
0xe2: {  	[hbm4b:s9+s3] =	stream.linear.scatter [tilespmem:s12], [sflag:$0x2], $0x6000, $0x38;
	[tilespmem:$0x6080] =	vst v63  }
0xe3: {  	_ =	swait.ge [sflag:s11], $0x6000  }
0xe4: {  	[sflag:s11] =	ssyncset.done $0x0  }
0xe5: {  	s10 =	sadd.s32 $0xFFFFFFFF, s10;
	[sflag:s11] =	ssyncadd.s32 $0xFFFFA000  }
0xe6: {  	_ =	sfence.sel $0x180000  }
0xe7: {  	[bflag:$0x0] =	sbarrier.arrive $0xFFFF  }
0xe8: {  	p0 =	sne.s32 s0, $0x0;
	_ =	strace $0x90000047  }
0xe9: {  	s0 =	sadd.s32 @!p0 $0x100000, s1;
	[bflag:$0x2] =	sbarrier.arrive $0xFFFF  }
0xea: {  	[sflag:s0] =	ssyncadd.tile.s32 @!p0 $0x1;
	_ =	shalt  }
.Lfunc_end2:
_tile_overlayer_lowered:
.L_overlay_start_2:
0xeb: {  	(tag) =	ssettag $0x2  }
0xec: {  	s0 =	rddreg [dreg:$0x0];
	s2 =	stileid.u32  }
0xed: {  	s1 =	rddreg [dreg:$0x1];
	p0 =	sne.s32 s2, $0x0  }
0xee: {  	s3 =	rddreg [dreg:$0x2];
	[bflag:$0x3] =	sbarrier.arrive $0xFFFF;
	s2 =	simm.s32 @!p0 $0x1C02  }
0xef: {  	[timem:s3], [sflag:s2] =	dma.local @!p0 [hbm:s0], s1  }
0xf0: {  	s0 =	simm.s32 @!p0 $0x2  }
0xf1: {  	_ =	swait.ge @!p0 [sflag:s0], s1  }
0xf2: {  	s1 =	ssub.s32 @!p0 $0x0, s1;
	[sflag:s0] =	ssyncset.done @!p0 $0x0  }
0xf3: {  	[sflag:s0] =	ssyncadd.s32 @!p0 s1  }
0xf4: {  	[bflag:$0x3] =	sbarrier.arrive $0xFFFF  }
0xf5: {  	_ =	shalt  }

// kernel: kernel.18.cloned.1.call-start
scs
__scs_entry_jumppad:
0x0: {  	(pc) =	sbr.rel $0x88, $3  }
0x1: {  	(tag) =	ssettag $0x0;
	lr =	simm.s32 $0x1  }
0x2: {  	[smem:$0x3F9F] =	sst lr;
	_ =	strace $0xD0000000  }
0x3: {  	_ = 	snop  }
0x4: {  	_ = 	snop  }
0x5: {  	_ = 	snop  }
0x6: {  	_ = 	snop  }
0x7: {  	_ = 	snop  }
__scs_overlays_trampoline_lowered:
0x8: {  	[smem:$0x3FAE] =	sst s0  }
0x9: {  	[smem:$0x3FAF] =	sst s1  }
0xa: {  	[smem:$0x3FB0] =	sst s2  }
0xb: {  	[smem:$0x3FB1] =	sst s3  }
0xc: {  	[smem:$0x3FB2] =	sst s4  }
0xd: {  	[smem:$0x3FB3] =	sst s5  }
0xe: {  	[smem:$0x3FB4] =	sst s6  }
0xf: {  	[smem:$0x3FB5] =	sst s7  }
0x10: {  	[smem:$0x3FB6] =	sst s8  }
0x11: {  	[smem:$0x3FB7] =	sst s9;
	s0 =	simm.s32 @!p0 $0x0  }
0x12: {  	s1 =	sld [smem:$0x3F9D];
	s0 =	simm.s32 @p0 $0x1  }
0x13: {  	[smem:$0x3FB8] =	sst s0;
	s0 =	simm.s32 @!p1 $0x0  }
0x14: {  	s2 =	sld [smem:$0x3F9C];
	s0 =	simm.s32 @p1 $0x1  }
0x15: {  	[smem:$0x3FB9] =	sst s0;
	s0 =	simm.s32 @!p2 $0x0  }
0x16: {  	s3 =	sld [smem:$0x3FDB];
	s0 =	simm.s32 @p2 $0x1  }
0x17: {  	s4 =	simm.s32 $0x1BF5;
	[smem:$0x3FBB] =	sst s0  }
0x18: {  	s0 =	sld [smem:$0x3F9E];
	_ =	swait.ge [sflag:s4], $0x0  }
0x19: {  	s7 =	sld [smem:$0x3F9F]  }
0x1a: {  	s8 =	sadd.s32 $0xFFFFE003, lr  }
0x1b: {  	s9 =	sadd.s32 $0xFFFFFEF7, lr;
	s5 =	simm.s32 $0xFFFFFFFF;
	p2 =	slt.u32 s8, $0xFFFFF086  }
0x1c: {  	p1 =	slt.u32 s9, $0xF7A;
	s5 =	simm.s32 @!p2 $0x0  }
0x1d: {  	s5 =	simm.s32 @p1 $0x1;
	p0 =	seq.s32 s7, s2  }
0x1e: {  	s7 =	smul.u32 @!p0 $0xF7A, s2;
	p2 =	seq.s32 @!p0 s5, $0x0  }
0x1f: {  	s9 =	smul.u32 $0xF7A, s1;
	s8 =	simm.s32 @!p0 $0x1BF5;
	p2 =	por !p2, p0  }
0x20: {  	[sflag:s8] =	ssyncset.s32 @!p0 $0xFFFFF086;
	s6 =	sadd.s32 @!p0 s3, s7;
	s7 =	simm.s32 @!p0 $0x108  }
0x21: {  	s3 =	sadd.s32 s3, s9;
	s6 =	sadd.s32 @!p0 $0x88, s6;
	s7 =	simm.s32 @p2 $0x1082  }
0x22: {  	[simem:s7], [sflag:s8] =	dma.local @!p0 [hbm:s6], $0xF7A  }
0x23: {  	s9 =	sor.u32 $0xD0000000, s2;
	s6 =	simm.s32 $0x108;
	_ =	swait.ge @!p0 [sflag:s8], $0x0  }
0x24: {  	s3 =	sadd.s32 $0x88, s3;
	s6 =	simm.s32 @!p1 $0x1082;
	[sflag:s4] =	ssyncset.s32 $0xFFFFF086  }
0x25: {  	[simem:s6], [sflag:s4] =	dma.local [hbm:s3], $0xF7A  }
0x26: {  	[smem:$0x3F9F] =	sst s1;
	(tag) =	ssettag s2;
	_ =	strace s9  }
0x27: {  	s1 =	sld [smem:$0x3FAF]  }
0x28: {  	s2 =	sld [smem:$0x3FB0]  }
0x29: {  	s4 =	sld [smem:$0x3FB2]  }
0x2a: {  	p0 =	seq.s32 s5, $0x0;
	s5 =	sld [smem:$0x3FB3]  }
0x2b: {  	s6 =	sld [smem:$0x3FB4]  }
0x2c: {  	s7 =	sld [smem:$0x3FB5]  }
0x2d: {  	s3 =	simm.s32 $0x108;
	s8 =	sld [smem:$0x3FB6]  }
0x2e: {  	s3 =	simm.s32 @!p0 $0x1082;
	s9 =	sld [smem:$0x3FB7]  }
0x2f: {  	lr =	sadd.s32 s0, s3;
	s0 =	sld [smem:$0x3FAE]  }
0x30: {  	s3 =	sld [smem:$0x3FB1]  }
0x31: {  	[smem:$0x3FBA] =	sst s10  }
0x32: {  	s10 =	sld [smem:$0x3FB8];
	_ =	sdelay $0x3  }
0x33: {  	p0 =	seq.s32 s10, $0x1;
	s10 =	sld [smem:$0x3FBA];
	_ =	sdelay $0x3  }
0x34: {  	[smem:$0x3FBA] =	sst s10  }
0x35: {  	s10 =	sld [smem:$0x3FB9];
	_ =	sdelay $0x3  }
0x36: {  	p1 =	seq.s32 s10, $0x1;
	s10 =	sld [smem:$0x3FBA];
	_ =	sdelay $0x3  }
0x37: {  	[smem:$0x3FBA] =	sst s10  }
0x38: {  	s10 =	sld [smem:$0x3FBB]  }
0x39: {  	_ = 	snop;
	(pc) =	sbr.ind lr, $3  }
0x3a: {  	_ = 	snop  }
0x3b: {  	_ = 	snop  }
0x3c: {  	p2 =	seq.s32 s10, $0x1;
	s10 =	sld [smem:$0x3FBA]  }
0x3d: {  	_ =	shalt  }
0x3e: {  	_ =	shalt  }
0x3f: {  	_ =	shalt  }
0x40: {  	_ =	shalt  }
0x41: {  	_ =	shalt  }
0x42: {  	_ =	shalt  }
0x43: {  	_ =	shalt  }
0x44: {  	_ =	shalt  }
0x45: {  	_ =	shalt  }
0x46: {  	_ =	shalt  }
0x47: {  	_ =	shalt  }
0x48: {  	_ =	shalt  }
0x49: {  	_ =	shalt  }
0x4a: {  	_ =	shalt  }
0x4b: {  	_ =	shalt  }
0x4c: {  	_ =	shalt  }
0x4d: {  	_ =	shalt  }
0x4e: {  	_ =	shalt  }
0x4f: {  	_ =	shalt  }
0x50: {  	_ =	shalt  }
0x51: {  	_ =	shalt  }
0x52: {  	_ =	shalt  }
0x53: {  	_ =	shalt  }
0x54: {  	_ =	shalt  }
0x55: {  	_ =	shalt  }
0x56: {  	_ =	shalt  }
0x57: {  	_ =	shalt  }
0x58: {  	_ =	shalt  }
0x59: {  	_ =	shalt  }
0x5a: {  	_ =	shalt  }
0x5b: {  	_ =	shalt  }
0x5c: {  	_ =	shalt  }
0x5d: {  	_ =	shalt  }
0x5e: {  	_ =	shalt  }
0x5f: {  	_ =	shalt  }
0x60: {  	_ =	shalt  }
0x61: {  	_ =	shalt  }
0x62: {  	_ =	shalt  }
0x63: {  	_ =	shalt  }
0x64: {  	_ =	shalt  }
0x65: {  	_ =	shalt  }
0x66: {  	_ =	shalt  }
0x67: {  	_ =	shalt  }
0x68: {  	_ =	shalt  }
0x69: {  	_ =	shalt  }
0x6a: {  	_ =	shalt  }
0x6b: {  	_ =	shalt  }
0x6c: {  	_ =	shalt  }
0x6d: {  	_ =	shalt  }
0x6e: {  	_ =	shalt  }
0x6f: {  	_ =	shalt  }
0x70: {  	_ =	shalt  }
0x71: {  	_ =	shalt  }
0x72: {  	_ =	shalt  }
0x73: {  	_ =	shalt  }
0x74: {  	_ =	shalt  }
0x75: {  	_ =	shalt  }
0x76: {  	_ =	shalt  }
0x77: {  	_ =	shalt  }
0x78: {  	_ =	shalt  }
0x79: {  	_ =	shalt  }
0x7a: {  	_ =	shalt  }
0x7b: {  	_ =	shalt  }
0x7c: {  	_ =	shalt  }
0x7d: {  	_ =	shalt  }
0x7e: {  	_ =	shalt  }
0x7f: {  	_ =	shalt  }
0x80: {  	_ =	shalt  }
0x81: {  	_ =	shalt  }
0x82: {  	_ =	shalt  }
0x83: {  	_ =	shalt  }
0x84: {  	_ =	shalt  }
0x85: {  	_ =	shalt  }
0x86: {  	_ =	shalt  }
0x87: {  	_ =	shalt  }
.Lfunc_end0:
.L_simem_size_0:
called_computation.1_lowered:
.L_overlay_start_0:
0x88: {  	s2 =	sld [smem:$0x3FD9]  }
0x89: {  	s3 =	sld [smem:$0x3FFE];
	_ =	sdelay $0x1  }
0x8a: {  	s1 =	srdreg.scid  }
0x8b: {  	s0 =	sand.u32 $0x1, s1  }
0x8c: {  	s17 =	sshll.u32 s0, $0xA;
	s2 =	sadd.s32 s3, s2  }
0x8d: {  	s2 =	sadd.s32 s2, s17  }
0x8e: {  	[smem:$0x3FC6] =	sst s2  }
0x8f: {  	_ = 	snop  }
0x90: {  	s18 =	sld [smem:$0x3FC8];
	(tm) =	ssettm $0x1  }
0x91: {  	s19 =	sld [smem:$0x3FFB];
	_ =	sdelay $0x3  }
0x92: {  	_ =	strace s19  }
0x93: {  	s2 =	sld [smem:$0x3FFC];
	_ =	sdelay $0x3  }
0x94: {  	_ =	strace s2  }
0x95: {  	s2 =	sld [smem:$0x3FFD];
	_ =	sdelay $0x3  }
0x96: {  	_ =	strace s2  }
0x97: {  	_ =	strace $0x8FFFFFFF  }
0x98: {  	s20 =	sld [smem:$0x3FDB];
	_ =	sdelay $0x1  }
0x99: {  	s4 =	simm.s32 $_scs_section_size  }
0x9a: {  	s5 =	simm.s32 $_size__tile_overlayer_lowered;
	s6 =	simm.s32 $_tile_overlayer_lowered  }
0x9b: {  	s7 =	simm.s32 $0x1BFF;
	s21 =	sshll.u32 s6, $0x1;
	s4 =	sadd.s32 s4, s20  }
0x9c: {  	s22 =	simm.s32 $0x0;
	s5 =	sshll.u32 s5, $0x1;
	s6 =	sadd.s32 s21, s4  }
0x9d: {  	[timem:s22], [sflag:s7] =	dma.local [hbm:s6], s5  }
0x9e: {  	_ =	swait.ge [sflag:s7], s5  }
0x9f: {  	s5 =	ssub.s32 $0x0, s5;
	[sflag:s7] =	ssyncset.done $0x0  }
0xa0: {  	[sflag:s7] =	ssyncadd.s32 s5;
	_ =	sdelay $0x1  }
0xa1: {  	s23 =	simm.s32 $0x1B8B  }
0xa2: {  	_ =	swait.ge [sflag:s23], $0x1  }
0xa3: {  	[sflag:s23] =	ssyncset.done $0x0  }
0xa4: {  	[sflag:s23] =	ssyncadd.s32 $0xFFFFFFFF  }
0xa5: {  	s5 =	sld [smem:$0x0]  }
0xa6: {  	s6 =	sand.u32 $0xFFFFFFFE, s1  }
0xa7: {  	p0 =	sne.s32 s1, s6  }
0xa8: {  	s6 =	sshll.u32 @p0 s6, $0xE  }
0xa9: {  	s6 =	sadd.s32 @p0 $0x11B8D, s6;
	s7 =	sshll.u32 @p0 s5, $0x11  }
0xaa: {  	s6 =	sor.u32 @p0 s7, s6  }
0xab: {  	[sflag:s6] =	ssyncadd.remote.s32 @p0 $0x1;
	_ =	sdelay $0x1  }
0xac: {  	s6 =	simm.s32 @p0 $0x1B8D  }
0xad: {  	_ =	swait.eq @p0 [sflag:s6], $0x1  }
0xae: {  	[sflag:s6] =	ssyncadd.s32 @p0 $0xFFFFFFFF  }
0xaf: {  	s7 =	sshll.u32 @!p0 s1, $0xE  }
0xb0: {  	s7 =	sor.u32 @!p0 $0x4000, s7;
	s6 =	simm.s32 @!p0 $0x1B8D  }
0xb1: {  	s5 =	sshll.u32 @!p0 s5, $0x11;
	s7 =	sadd.s32 @!p0 $0x11B8D, s7;
	_ =	swait.eq @!p0 [sflag:s6], $0x1  }
0xb2: {  	s5 =	sor.u32 @!p0 s5, s7;
	[sflag:s6] =	ssyncadd.s32 @!p0 $0xFFFFFFFF  }
0xb3: {  	s25 =	simm.s32 $0x1B8E;
	s24 =	sld [smem:$0x3FFE];
	[sflag:s5] =	ssyncadd.remote.s32 @!p0 $0x1  }
0xb4: {  	s26 =	simm.s32 $execute0_lowered;
	[smem:$0x3FD2] =	sst s25  }
0xb5: {  	s6 =	sshll.u32 s26, $0x1;
	_ =	strace $0x80000049;
	[dreg:$0x1] =	wrdreg $0xFFFFFFFF  }
0xb6: {  	s28 =	simm.s32 $_size_execute0_lowered;
	s4 =	sadd.s32 s4, s6;
	[dreg:$0x0] =	wrdreg $0x0  }
0xb7: {  	s6 =	sshll.u32 s28, $0x1;
	[dreg:$0x2] =	wrdreg s4  }
0xb8: {  	[dreg:$0x3] =	wrdreg s6  }
0xb9: {  	[dreg:$0x4] =	wrdreg $0xC0  }
0xba: {  	_ =	task [dreg:s22], $0x5FFFF  }
0xbb: {  	[dreg:$0x1] =	wrdreg $0xFFFFFFFF  }
0xbc: {  	[dreg:$0x0] =	wrdreg $0x60  }
0xbd: {  	[dreg:$0x2] =	wrdreg s24  }
0xbe: {  	[dreg:$0x3] =	wrdreg s18  }
0xbf: {  	[dreg:$0x4] =	wrdreg $0xA  }
0xc0: {  	_ =	task.clear_ibuf [dreg:s22], $0x5FFFF;
	_ =	strace $0x90000049  }
0xc1: {  	s29 =	simm.s32 $0xA;
	_ =	strace $0x8000004B  }
0xc2: {  	_ =	swait.ge [sflag:s29], $0x1  }
0xc3: {  	[sflag:s29] =	ssyncadd.s32 $0xFFFFFFFF  }
0xc4: {  	_ =	strace $0x9000004B  }
0xc5: {  	_ =	sfence  }
0xc6: {  	s30 =	sld [smem:$0x0];
	_ =	sdelay $0x2  }
0xc7: {  	s31 =	sshll.u32 s1, $0xD;
	s1 =	sshrl.u32 s1, $0x2  }
0xc8: {  	s4 =	sand.u32 $0x4000, s31;
	s1 =	sadd.s32 s1, s30  }
0xc9: {  	s0 =	sor.u32 s4, s0;
	s1 =	sshll.u32 s1, $0x11  }
0xca: {  	s0 =	sor.u32 s1, s0  }
0xcb: {  	s0 =	sadd.s32 $0x8F2B, s0  }
0xcc: {  	[sflag:s0] =	ssyncadd.remote.s32 $0x1  }
0xcd: {  	_ =	sfence.sel $0xFFFF  }
0xce: {  	[dreg:$0x0] =	wrdreg $0xFFFFFFFF;
	(pc) =	sbr.abs _section_cstart, $3  }
0xcf: {  	[dreg:$0x1] =	wrdreg $0xFFFFFFFF  }
0xd0: {  	_ =	task.clear_ibuf [dreg:s22], $0x2FFFF;
	_ =	strace $0x9FFFFFFF  }
0xd1: {  	(tm) =	ssettm $0x7FFFFFFF  }
tec
execute0_lowered:
.L_overlay_start_1:
0x0: {  	(tag) =	ssettag $0x1  }
0x1: {  	s4 =	rddreg [dreg:$0x0]  }
0x2: {  	s2 =	rddreg [dreg:$0x1]  }
0x3: {  	s0 =	rddreg [dreg:$0x2];
	s5 =	srdreg.scid  }
0x4: {  	s1 =	stileid.u32;
	s3 =	simm.s32 $0x0;
	s14 =	simm.s32 $0x1080  }
0x5: {  	s15 =	simm.s32 $0x1880;
	s16 =	simm.s32 $0x2080;
	s17 =	simm.s32 $0x2880  }
0x6: {  	s18 =	simm.s32 $0x3080;
	s19 =	simm.s32 $0x3880;
	s20 =	simm.s32 $0x4080  }
0x7: {  	s21 =	simm.s32 $0x4880;
	s22 =	simm.s32 $0x5080;
	s23 =	simm.s32 $0x5880  }
0x8: {  	s24 =	simm.s32 $0x1;
	s5 =	sand.u32 $0x1, s5;
	s6 =	sshll.u32 s1, $0x1  }
0x9: {  	[smem:$0x7FF] =	sst s3;
	s8 =	sadd.s32 $0x4400, s4;
	s6 =	sor.u32 s5, s6  }
0xa: {  	s9 =	sadd.s32 $0x4A00, s4;
	s5 =	ssub.s32 $0x2, s5;
	s7 =	smul.u32 $0x120, s6  }
0xb: {  	_ =	strace $0x8000004A;
	s28 =	sshrl.u32 s5, $0x1;
	s6 =	smul.u32 $0x2400, s6  }
0xc: {  	s12 =	ssub.s32 s5, s28;
	s10 =	sshrl.u32 s7, $0x3;
	s11 =	sadd.s32 $0x60, s7  }
0xd: {  	s5 =	sadd.s32 s9, s6;
	s7 =	sadd.s32 $0xC0, s7;
	s4 =	sadd.s32 s8, s10  }
0xe: {  	s29 =	sshrl.u32 s11, $0x3;
	s30 =	sshll.u32 s11, $0x5;
	s31 =	sshrl.u32 s7, $0x3  }
0xf: {  	v2 =	vlaneseq.u32;
	s13 =	sshll.u32 s7, $0x5;
	s10 =	smax.u32 s12, $0x1;
	s11 =	simm.s32 $0x2  }
0x10: {  	vm0 =	vmmov $0xffff;
	v1 =	vshrl.u32 v2, $0x3;
	s12 =	simm.s32 $0x80;
	s6 =	sadd.s32 s8, s29;
	s7 =	sadd.s32 s9, s30  }
0x11: {  	v0 =	vand.u32 $0x7, v2;
	v2 =	vor.u32 $0x8, v2;
	v1 =	vmul.u32 $0x8, v1;
	s8 =	sadd.s32 s8, s31;
	s9 =	sadd.s32 s9, s13;
	s13 =	simm.s32 $0x880  }
.LBB2_1:
0x12: {  	[tilespmem:s3], [sflag:$0x2] =	stream.linear.gather [hbm4b:s4+s3], $0x60, $0x38;
	[tilespmem:$0x6080] =	vst v63  }
0x13: {  	_ =	swait.ge [sflag:s11], $0x60  }
0x14: {  	[sflag:s11] =	ssyncset.done $0x0  }
0x15: {  	[sflag:s11] =	ssyncadd.s32 $0xFFFFFFA0  }
0x16: {  	v3 =	vld [tilespmem:$0x0];
	_ =	sdelay $0x4  }
0x17: {  	v4 =	vshll.u32 v3, $0x1  }
0x18: {  	v3 =	vand.u32 $0x7, v3;
	v4 =	vand.u32 $0xFFFFFFF0, v4  }
0x19: {  	v3 =	vor.u32 v3, v4  }
0x1a: {  	v4 =	vperm.xlane v3, v0;
	_ =	sdelay $0x1  }
0x1b: {  	v3 =	vperm.xlane v3, v2;
	v4 =	vadd.s32 v1, v4;
	_ =	sdelay $0x1  }
0x1c: {  	v3 =	vadd.s32 v1, v3;
	_ =	sdelay $0x2  }
0x1d: {  	[tilespmem:s12], [sflag:$0x1] =	stream.indirect_vreg.gather [hbm4b:s2+s3], $0x80, v4, vm0, $0xb8;
	[tilespmem:$0x6080] =	vst v63  }
0x1e: {  	_ = 	snop  }
0x1f: {  	[tilespmem:s13], [sflag:$0x1] =	stream.indirect_vreg.gather [hbm4b:s2+s3], $0x80, v3, vm0, $0xb8;
	[tilespmem:$0x6080] =	vst v63  }
0x20: {  	v3 =	vld [tilespmem:$0x10];
	_ =	sdelay $0x4  }
0x21: {  	v47 =	vshll.u32 v3, $0x1  }
0x22: {  	v3 =	vand.u32 $0x7, v3;
	v4 =	vand.u32 $0xFFFFFFF0, v47  }
0x23: {  	v3 =	vor.u32 v3, v4  }
0x24: {  	v4 =	vperm.xlane v3, v0;
	_ =	sdelay $0x1  }
0x25: {  	v3 =	vperm.xlane v3, v2;
	v4 =	vadd.s32 v1, v4;
	_ =	sdelay $0x1  }
0x26: {  	v3 =	vadd.s32 v1, v3;
	_ =	sdelay $0x2  }
0x27: {  	[tilespmem:s14], [sflag:$0x1] =	stream.indirect_vreg.gather [hbm4b:s2+s3], $0x80, v4, vm0, $0xb8;
	[tilespmem:$0x6080] =	vst v63  }
0x28: {  	_ = 	snop  }
0x29: {  	[tilespmem:s15], [sflag:$0x1] =	stream.indirect_vreg.gather [hbm4b:s2+s3], $0x80, v3, vm0, $0xb8;
	[tilespmem:$0x6080] =	vst v63  }
0x2a: {  	v3 =	vld [tilespmem:$0x20];
	_ =	sdelay $0x4  }
0x2b: {  	v48 =	vshll.u32 v3, $0x1  }
0x2c: {  	v3 =	vand.u32 $0x7, v3;
	v4 =	vand.u32 $0xFFFFFFF0, v48  }
0x2d: {  	v3 =	vor.u32 v3, v4  }
0x2e: {  	v4 =	vperm.xlane v3, v0;
	_ =	sdelay $0x1  }
0x2f: {  	v3 =	vperm.xlane v3, v2;
	v4 =	vadd.s32 v1, v4;
	_ =	sdelay $0x1  }
0x30: {  	v3 =	vadd.s32 v1, v3;
	_ =	sdelay $0x2  }
0x31: {  	[tilespmem:s16], [sflag:$0x1] =	stream.indirect_vreg.gather [hbm4b:s2+s3], $0x80, v4, vm0, $0xb8;
	[tilespmem:$0x6080] =	vst v63  }
0x32: {  	_ = 	snop  }
0x33: {  	[tilespmem:s17], [sflag:$0x1] =	stream.indirect_vreg.gather [hbm4b:s2+s3], $0x80, v3, vm0, $0xb8;
	[tilespmem:$0x6080] =	vst v63  }
0x34: {  	v3 =	vld [tilespmem:$0x30];
	_ =	sdelay $0x4  }
0x35: {  	v49 =	vshll.u32 v3, $0x1  }
0x36: {  	v3 =	vand.u32 $0x7, v3;
	v4 =	vand.u32 $0xFFFFFFF0, v49  }
0x37: {  	v3 =	vor.u32 v3, v4  }
0x38: {  	v4 =	vperm.xlane v3, v0;
	_ =	sdelay $0x1  }
0x39: {  	v3 =	vperm.xlane v3, v2;
	v4 =	vadd.s32 v1, v4;
	_ =	sdelay $0x1  }
0x3a: {  	v3 =	vadd.s32 v1, v3;
	_ =	sdelay $0x2  }
0x3b: {  	[tilespmem:s18], [sflag:$0x1] =	stream.indirect_vreg.gather [hbm4b:s2+s3], $0x80, v4, vm0, $0xb8;
	[tilespmem:$0x6080] =	vst v63  }
0x3c: {  	_ = 	snop  }
0x3d: {  	[tilespmem:s19], [sflag:$0x1] =	stream.indirect_vreg.gather [hbm4b:s2+s3], $0x80, v3, vm0, $0xb8;
	[tilespmem:$0x6080] =	vst v63  }
0x3e: {  	v3 =	vld [tilespmem:$0x40];
	_ =	sdelay $0x4  }
0x3f: {  	v50 =	vshll.u32 v3, $0x1  }
0x40: {  	v3 =	vand.u32 $0x7, v3;
	v4 =	vand.u32 $0xFFFFFFF0, v50  }
0x41: {  	v3 =	vor.u32 v3, v4  }
0x42: {  	v4 =	vperm.xlane v3, v0;
	_ =	sdelay $0x1  }
0x43: {  	v3 =	vperm.xlane v3, v2;
	v4 =	vadd.s32 v1, v4;
	_ =	sdelay $0x1  }
0x44: {  	v3 =	vadd.s32 v1, v3;
	_ =	sdelay $0x2  }
0x45: {  	[tilespmem:s20], [sflag:$0x1] =	stream.indirect_vreg.gather [hbm4b:s2+s3], $0x80, v4, vm0, $0xb8;
	[tilespmem:$0x6080] =	vst v63  }
0x46: {  	_ = 	snop  }
0x47: {  	[tilespmem:s21], [sflag:$0x1] =	stream.indirect_vreg.gather [hbm4b:s2+s3], $0x80, v3, vm0, $0xb8;
	[tilespmem:$0x6080] =	vst v63  }
0x48: {  	v3 =	vld [tilespmem:$0x50];
	_ =	sdelay $0x4  }
0x49: {  	v51 =	vshll.u32 v3, $0x1  }
0x4a: {  	v3 =	vand.u32 $0x7, v3;
	v4 =	vand.u32 $0xFFFFFFF0, v51  }
0x4b: {  	v3 =	vor.u32 v3, v4  }
0x4c: {  	v4 =	vperm.xlane v3, v0;
	_ =	sdelay $0x1  }
0x4d: {  	v3 =	vperm.xlane v3, v2;
	v4 =	vadd.s32 v1, v4;
	_ =	sdelay $0x1  }
0x4e: {  	v3 =	vadd.s32 v1, v3;
	_ =	sdelay $0x2  }
0x4f: {  	[tilespmem:s22], [sflag:$0x1] =	stream.indirect_vreg.gather [hbm4b:s2+s3], $0x80, v4, vm0, $0xb8;
	[tilespmem:$0x6080] =	vst v63  }
0x50: {  	_ = 	snop  }
0x51: {  	[tilespmem:s23], [sflag:$0x1] =	stream.indirect_vreg.gather [hbm4b:s2+s3], $0x80, v3, vm0, $0xb8;
	[tilespmem:$0x6080] =	vst v63  }
0x52: {  	_ =	swait.ge [sflag:s24], $0x6000  }
0x53: {  	[sflag:s24] =	ssyncset.done $0x0  }
0x54: {  	[sflag:s24] =	ssyncadd.s32 $0xFFFFA000  }
0x55: {  	[hbm4b:s5+s3] =	stream.linear.scatter [tilespmem:s12], [sflag:$0x2], $0x6000, $0x38;
	[tilespmem:$0x6080] =	vst v63  }
0x56: {  	_ =	swait.ge [sflag:s11], $0x6000  }
0x57: {  	[sflag:s11] =	ssyncset.done $0x0  }
0x58: {  	[sflag:s11] =	ssyncadd.s32 $0xFFFFA000  }
0x59: {  	[tilespmem:s3], [sflag:$0x2] =	stream.linear.gather [hbm4b:s6+s3], $0x60, $0x38;
	[tilespmem:$0x6080] =	vst v63  }
0x5a: {  	_ =	swait.ge [sflag:s11], $0x60  }
0x5b: {  	[sflag:s11] =	ssyncset.done $0x0  }
0x5c: {  	[sflag:s11] =	ssyncadd.s32 $0xFFFFFFA0  }
0x5d: {  	v3 =	vld [tilespmem:$0x0];
	_ =	sdelay $0x4  }
0x5e: {  	v52 =	vshll.u32 v3, $0x1  }
0x5f: {  	v3 =	vand.u32 $0x7, v3;
	v4 =	vand.u32 $0xFFFFFFF0, v52  }
0x60: {  	v3 =	vor.u32 v3, v4  }
0x61: {  	v4 =	vperm.xlane v3, v0;
	_ =	sdelay $0x1  }
0x62: {  	v3 =	vperm.xlane v3, v2;
	v4 =	vadd.s32 v1, v4;
	_ =	sdelay $0x1  }
0x63: {  	v3 =	vadd.s32 v1, v3;
	_ =	sdelay $0x2  }
0x64: {  	[tilespmem:s12], [sflag:$0x1] =	stream.indirect_vreg.gather [hbm4b:s2+s3], $0x80, v4, vm0, $0xb8;
	[tilespmem:$0x6080] =	vst v63  }
0x65: {  	_ = 	snop  }
0x66: {  	[tilespmem:s13], [sflag:$0x1] =	stream.indirect_vreg.gather [hbm4b:s2+s3], $0x80, v3, vm0, $0xb8;
	[tilespmem:$0x6080] =	vst v63  }
0x67: {  	v3 =	vld [tilespmem:$0x10];
	_ =	sdelay $0x4  }
0x68: {  	v53 =	vshll.u32 v3, $0x1  }
0x69: {  	v3 =	vand.u32 $0x7, v3;
	v4 =	vand.u32 $0xFFFFFFF0, v53  }
0x6a: {  	v3 =	vor.u32 v3, v4  }
0x6b: {  	v4 =	vperm.xlane v3, v0;
	_ =	sdelay $0x1  }
0x6c: {  	v3 =	vperm.xlane v3, v2;
	v4 =	vadd.s32 v1, v4;
	_ =	sdelay $0x1  }
0x6d: {  	v3 =	vadd.s32 v1, v3;
	_ =	sdelay $0x2  }
0x6e: {  	[tilespmem:s14], [sflag:$0x1] =	stream.indirect_vreg.gather [hbm4b:s2+s3], $0x80, v4, vm0, $0xb8;
	[tilespmem:$0x6080] =	vst v63  }
0x6f: {  	_ = 	snop  }
0x70: {  	[tilespmem:s15], [sflag:$0x1] =	stream.indirect_vreg.gather [hbm4b:s2+s3], $0x80, v3, vm0, $0xb8;
	[tilespmem:$0x6080] =	vst v63  }
0x71: {  	v3 =	vld [tilespmem:$0x20];
	_ =	sdelay $0x4  }
0x72: {  	v54 =	vshll.u32 v3, $0x1  }
0x73: {  	v3 =	vand.u32 $0x7, v3;
	v4 =	vand.u32 $0xFFFFFFF0, v54  }
0x74: {  	v3 =	vor.u32 v3, v4  }
0x75: {  	v4 =	vperm.xlane v3, v0;
	_ =	sdelay $0x1  }
0x76: {  	v3 =	vperm.xlane v3, v2;
	v4 =	vadd.s32 v1, v4;
	_ =	sdelay $0x1  }
0x77: {  	v3 =	vadd.s32 v1, v3;
	_ =	sdelay $0x2  }
0x78: {  	[tilespmem:s16], [sflag:$0x1] =	stream.indirect_vreg.gather [hbm4b:s2+s3], $0x80, v4, vm0, $0xb8;
	[tilespmem:$0x6080] =	vst v63  }
0x79: {  	_ = 	snop  }
0x7a: {  	[tilespmem:s17], [sflag:$0x1] =	stream.indirect_vreg.gather [hbm4b:s2+s3], $0x80, v3, vm0, $0xb8;
	[tilespmem:$0x6080] =	vst v63  }
0x7b: {  	v3 =	vld [tilespmem:$0x30];
	_ =	sdelay $0x4  }
0x7c: {  	v55 =	vshll.u32 v3, $0x1  }
0x7d: {  	v3 =	vand.u32 $0x7, v3;
	v4 =	vand.u32 $0xFFFFFFF0, v55  }
0x7e: {  	v3 =	vor.u32 v3, v4  }
0x7f: {  	v4 =	vperm.xlane v3, v0;
	_ =	sdelay $0x1  }
0x80: {  	v3 =	vperm.xlane v3, v2;
	v4 =	vadd.s32 v1, v4;
	_ =	sdelay $0x1  }
0x81: {  	v3 =	vadd.s32 v1, v3;
	_ =	sdelay $0x2  }
0x82: {  	[tilespmem:s18], [sflag:$0x1] =	stream.indirect_vreg.gather [hbm4b:s2+s3], $0x80, v4, vm0, $0xb8;
	[tilespmem:$0x6080] =	vst v63  }
0x83: {  	_ = 	snop  }
0x84: {  	[tilespmem:s19], [sflag:$0x1] =	stream.indirect_vreg.gather [hbm4b:s2+s3], $0x80, v3, vm0, $0xb8;
	[tilespmem:$0x6080] =	vst v63  }
0x85: {  	v3 =	vld [tilespmem:$0x40];
	_ =	sdelay $0x4  }
0x86: {  	v56 =	vshll.u32 v3, $0x1  }
0x87: {  	v3 =	vand.u32 $0x7, v3;
	v4 =	vand.u32 $0xFFFFFFF0, v56  }
0x88: {  	v3 =	vor.u32 v3, v4  }
0x89: {  	v4 =	vperm.xlane v3, v0;
	_ =	sdelay $0x1  }
0x8a: {  	v3 =	vperm.xlane v3, v2;
	v4 =	vadd.s32 v1, v4;
	_ =	sdelay $0x1  }
0x8b: {  	v3 =	vadd.s32 v1, v3;
	_ =	sdelay $0x2  }
0x8c: {  	[tilespmem:s20], [sflag:$0x1] =	stream.indirect_vreg.gather [hbm4b:s2+s3], $0x80, v4, vm0, $0xb8;
	[tilespmem:$0x6080] =	vst v63  }
0x8d: {  	_ = 	snop  }
0x8e: {  	[tilespmem:s21], [sflag:$0x1] =	stream.indirect_vreg.gather [hbm4b:s2+s3], $0x80, v3, vm0, $0xb8;
	[tilespmem:$0x6080] =	vst v63  }
0x8f: {  	v3 =	vld [tilespmem:$0x50];
	_ =	sdelay $0x4  }
0x90: {  	v57 =	vshll.u32 v3, $0x1  }
0x91: {  	v3 =	vand.u32 $0x7, v3;
	v4 =	vand.u32 $0xFFFFFFF0, v57  }
0x92: {  	v3 =	vor.u32 v3, v4  }
0x93: {  	v4 =	vperm.xlane v3, v0;
	_ =	sdelay $0x1  }
0x94: {  	v3 =	vperm.xlane v3, v2;
	v4 =	vadd.s32 v1, v4;
	_ =	sdelay $0x1  }
0x95: {  	v3 =	vadd.s32 v1, v3;
	_ =	sdelay $0x2  }
0x96: {  	[tilespmem:s22], [sflag:$0x1] =	stream.indirect_vreg.gather [hbm4b:s2+s3], $0x80, v4, vm0, $0xb8;
	[tilespmem:$0x6080] =	vst v63  }
0x97: {  	_ = 	snop  }
0x98: {  	[tilespmem:s23], [sflag:$0x1] =	stream.indirect_vreg.gather [hbm4b:s2+s3], $0x80, v3, vm0, $0xb8;
	[tilespmem:$0x6080] =	vst v63  }
0x99: {  	_ =	swait.ge [sflag:s24], $0x6000  }
0x9a: {  	[sflag:s24] =	ssyncset.done $0x0  }
0x9b: {  	[sflag:s24] =	ssyncadd.s32 $0xFFFFA000  }
0x9c: {  	[hbm4b:s7+s3] =	stream.linear.scatter [tilespmem:s12], [sflag:$0x2], $0x6000, $0x38;
	[tilespmem:$0x6080] =	vst v63  }
0x9d: {  	_ =	swait.ge [sflag:s11], $0x6000  }
0x9e: {  	[sflag:s11] =	ssyncset.done $0x0  }
0x9f: {  	[sflag:s11] =	ssyncadd.s32 $0xFFFFA000  }
0xa0: {  	[tilespmem:s3], [sflag:$0x2] =	stream.linear.gather [hbm4b:s8+s3], $0x60, $0x38;
	[tilespmem:$0x6080] =	vst v63  }
0xa1: {  	_ =	swait.ge [sflag:s11], $0x60  }
0xa2: {  	[sflag:s11] =	ssyncset.done $0x0  }
0xa3: {  	[sflag:s11] =	ssyncadd.s32 $0xFFFFFFA0  }
0xa4: {  	v3 =	vld [tilespmem:$0x0];
	_ =	sdelay $0x4  }
0xa5: {  	v58 =	vshll.u32 v3, $0x1  }
0xa6: {  	v3 =	vand.u32 $0x7, v3;
	v4 =	vand.u32 $0xFFFFFFF0, v58  }
0xa7: {  	v3 =	vor.u32 v3, v4  }
0xa8: {  	v4 =	vperm.xlane v3, v0;
	_ =	sdelay $0x1  }
0xa9: {  	v3 =	vperm.xlane v3, v2;
	v4 =	vadd.s32 v1, v4;
	_ =	sdelay $0x1  }
0xaa: {  	v3 =	vadd.s32 v1, v3;
	_ =	sdelay $0x2  }
0xab: {  	[tilespmem:s12], [sflag:$0x1] =	stream.indirect_vreg.gather [hbm4b:s2+s3], $0x80, v4, vm0, $0xb8;
	[tilespmem:$0x6080] =	vst v63  }
0xac: {  	_ = 	snop  }
0xad: {  	[tilespmem:s13], [sflag:$0x1] =	stream.indirect_vreg.gather [hbm4b:s2+s3], $0x80, v3, vm0, $0xb8;
	[tilespmem:$0x6080] =	vst v63  }
0xae: {  	v3 =	vld [tilespmem:$0x10];
	_ =	sdelay $0x4  }
0xaf: {  	v59 =	vshll.u32 v3, $0x1  }
0xb0: {  	v3 =	vand.u32 $0x7, v3;
	v4 =	vand.u32 $0xFFFFFFF0, v59  }
0xb1: {  	v3 =	vor.u32 v3, v4  }
0xb2: {  	v4 =	vperm.xlane v3, v0;
	_ =	sdelay $0x1  }
0xb3: {  	v3 =	vperm.xlane v3, v2;
	v4 =	vadd.s32 v1, v4;
	_ =	sdelay $0x1  }
0xb4: {  	v3 =	vadd.s32 v1, v3;
	_ =	sdelay $0x2  }
0xb5: {  	[tilespmem:s14], [sflag:$0x1] =	stream.indirect_vreg.gather [hbm4b:s2+s3], $0x80, v4, vm0, $0xb8;
	[tilespmem:$0x6080] =	vst v63  }
0xb6: {  	_ = 	snop  }
0xb7: {  	[tilespmem:s15], [sflag:$0x1] =	stream.indirect_vreg.gather [hbm4b:s2+s3], $0x80, v3, vm0, $0xb8;
	[tilespmem:$0x6080] =	vst v63  }
0xb8: {  	v3 =	vld [tilespmem:$0x20];
	_ =	sdelay $0x4  }
0xb9: {  	v60 =	vshll.u32 v3, $0x1  }
0xba: {  	v3 =	vand.u32 $0x7, v3;
	v4 =	vand.u32 $0xFFFFFFF0, v60  }
0xbb: {  	v3 =	vor.u32 v3, v4  }
0xbc: {  	v4 =	vperm.xlane v3, v0;
	_ =	sdelay $0x1  }
0xbd: {  	v3 =	vperm.xlane v3, v2;
	v4 =	vadd.s32 v1, v4;
	_ =	sdelay $0x1  }
0xbe: {  	v3 =	vadd.s32 v1, v3;
	_ =	sdelay $0x2  }
0xbf: {  	[tilespmem:s16], [sflag:$0x1] =	stream.indirect_vreg.gather [hbm4b:s2+s3], $0x80, v4, vm0, $0xb8;
	[tilespmem:$0x6080] =	vst v63  }
0xc0: {  	_ = 	snop  }
0xc1: {  	[tilespmem:s17], [sflag:$0x1] =	stream.indirect_vreg.gather [hbm4b:s2+s3], $0x80, v3, vm0, $0xb8;
	[tilespmem:$0x6080] =	vst v63  }
0xc2: {  	v3 =	vld [tilespmem:$0x30];
	_ =	sdelay $0x4  }
0xc3: {  	v61 =	vshll.u32 v3, $0x1  }
0xc4: {  	v3 =	vand.u32 $0x7, v3;
	v4 =	vand.u32 $0xFFFFFFF0, v61  }
0xc5: {  	v3 =	vor.u32 v3, v4  }
0xc6: {  	v4 =	vperm.xlane v3, v0;
	_ =	sdelay $0x1  }
0xc7: {  	v3 =	vperm.xlane v3, v2;
	v4 =	vadd.s32 v1, v4;
	_ =	sdelay $0x1  }
0xc8: {  	v3 =	vadd.s32 v1, v3;
	_ =	sdelay $0x2  }
0xc9: {  	[tilespmem:s18], [sflag:$0x1] =	stream.indirect_vreg.gather [hbm4b:s2+s3], $0x80, v4, vm0, $0xb8;
	[tilespmem:$0x6080] =	vst v63  }
0xca: {  	_ = 	snop  }
0xcb: {  	[tilespmem:s19], [sflag:$0x1] =	stream.indirect_vreg.gather [hbm4b:s2+s3], $0x80, v3, vm0, $0xb8;
	[tilespmem:$0x6080] =	vst v63  }
0xcc: {  	v3 =	vld [tilespmem:$0x40];
	_ =	sdelay $0x4  }
0xcd: {  	v62 =	vshll.u32 v3, $0x1  }
0xce: {  	v3 =	vand.u32 $0x7, v3;
	v4 =	vand.u32 $0xFFFFFFF0, v62  }
0xcf: {  	v3 =	vor.u32 v3, v4  }
0xd0: {  	v4 =	vperm.xlane v3, v0;
	_ =	sdelay $0x1  }
0xd1: {  	v3 =	vperm.xlane v3, v2;
	v4 =	vadd.s32 v1, v4;
	_ =	sdelay $0x1  }
0xd2: {  	v3 =	vadd.s32 v1, v3;
	_ =	sdelay $0x2  }
0xd3: {  	[tilespmem:s20], [sflag:$0x1] =	stream.indirect_vreg.gather [hbm4b:s2+s3], $0x80, v4, vm0, $0xb8;
	[tilespmem:$0x6080] =	vst v63  }
0xd4: {  	_ = 	snop  }
0xd5: {  	[tilespmem:s21], [sflag:$0x1] =	stream.indirect_vreg.gather [hbm4b:s2+s3], $0x80, v3, vm0, $0xb8;
	[tilespmem:$0x6080] =	vst v63  }
0xd6: {  	v3 =	vld [tilespmem:$0x50];
	_ =	sdelay $0x4  }
0xd7: {  	v63 =	vshll.u32 v3, $0x1  }
0xd8: {  	v3 =	vand.u32 $0x7, v3;
	v4 =	vand.u32 $0xFFFFFFF0, v63  }
0xd9: {  	v3 =	vor.u32 v3, v4  }
0xda: {  	v4 =	vperm.xlane v3, v0;
	_ =	sdelay $0x1  }
0xdb: {  	v3 =	vperm.xlane v3, v2;
	v4 =	vadd.s32 v1, v4;
	_ =	sdelay $0x1  }
0xdc: {  	v3 =	vadd.s32 v1, v3;
	_ =	sdelay $0x2  }
0xdd: {  	[tilespmem:s22], [sflag:$0x1] =	stream.indirect_vreg.gather [hbm4b:s2+s3], $0x80, v4, vm0, $0xb8;
	[tilespmem:$0x6080] =	vst v63  }
0xde: {  	_ = 	snop  }
0xdf: {  	[tilespmem:s23], [sflag:$0x1] =	stream.indirect_vreg.gather [hbm4b:s2+s3], $0x80, v3, vm0, $0xb8;
	[tilespmem:$0x6080] =	vst v63  }
0xe0: {  	_ =	swait.ge [sflag:s24], $0x6000  }
0xe1: {  	p0 =	sne.s32 s10, $0x1;
	[sflag:s24] =	ssyncset.done $0x0  }
.Ltmp0:
0xe2: {  	[sflag:s24] =	ssyncadd.s32 $0xFFFFA000;
	(pc) =	sbr.rel @p0 .LBB2_1-.Ltmp0, $4  }
0xe3: {  	[hbm4b:s9+s3] =	stream.linear.scatter [tilespmem:s12], [sflag:$0x2], $0x6000, $0x38;
	[tilespmem:$0x6080] =	vst v63  }
0xe4: {  	_ =	swait.ge [sflag:s11], $0x6000  }
0xe5: {  	[sflag:s11] =	ssyncset.done $0x0  }
0xe6: {  	s10 =	sadd.s32 $0xFFFFFFFF, s10;
	[sflag:s11] =	ssyncadd.s32 $0xFFFFA000  }
0xe7: {  	_ =	sfence.sel $0x180000  }
0xe8: {  	[bflag:$0x0] =	sbarrier.arrive $0xFFFF  }
0xe9: {  	p0 =	sne.s32 s1, $0x0;
	_ =	strace $0x9000004A  }
0xea: {  	s0 =	sadd.s32 @!p0 $0x100000, s0;
	[bflag:$0x2] =	sbarrier.arrive $0xFFFF  }
0xeb: {  	[sflag:s0] =	ssyncadd.tile.s32 @!p0 $0x1;
	_ =	shalt  }
.Lfunc_end2:
_tile_overlayer_lowered:
.L_overlay_start_2:
0xec: {  	(tag) =	ssettag $0x2  }
0xed: {  	s0 =	rddreg [dreg:$0x0];
	s2 =	stileid.u32  }
0xee: {  	s1 =	rddreg [dreg:$0x1];
	p0 =	sne.s32 s2, $0x0  }
0xef: {  	s3 =	rddreg [dreg:$0x2];
	[bflag:$0x3] =	sbarrier.arrive $0xFFFF;
	s2 =	simm.s32 @!p0 $0x1C02  }
0xf0: {  	[timem:s3], [sflag:s2] =	dma.local @!p0 [hbm:s0], s1  }
0xf1: {  	s0 =	simm.s32 @!p0 $0x2  }
0xf2: {  	_ =	swait.ge @!p0 [sflag:s0], s1  }
0xf3: {  	s1 =	ssub.s32 @!p0 $0x0, s1;
	[sflag:s0] =	ssyncset.done @!p0 $0x0  }
0xf4: {  	[sflag:s0] =	ssyncadd.s32 @!p0 s1  }
0xf5: {  	[bflag:$0x3] =	sbarrier.arrive $0xFFFF  }
0xf6: {  	_ =	shalt  }

// kernel: kernel.21.cloned.1.call-start
scs
__scs_entry_jumppad:
0x0: {  	(pc) =	sbr.rel $0x88, $3  }
0x1: {  	(tag) =	ssettag $0x0;
	lr =	simm.s32 $0x1  }
0x2: {  	[smem:$0x3F9F] =	sst lr;
	_ =	strace $0xD0000000  }
0x3: {  	_ = 	snop  }
0x4: {  	_ = 	snop  }
0x5: {  	_ = 	snop  }
0x6: {  	_ = 	snop  }
0x7: {  	_ = 	snop  }
__scs_overlays_trampoline_lowered:
0x8: {  	[smem:$0x3FAE] =	sst s0  }
0x9: {  	[smem:$0x3FAF] =	sst s1  }
0xa: {  	[smem:$0x3FB0] =	sst s2  }
0xb: {  	[smem:$0x3FB1] =	sst s3  }
0xc: {  	[smem:$0x3FB2] =	sst s4  }
0xd: {  	[smem:$0x3FB3] =	sst s5  }
0xe: {  	[smem:$0x3FB4] =	sst s6  }
0xf: {  	[smem:$0x3FB5] =	sst s7  }
0x10: {  	[smem:$0x3FB6] =	sst s8  }
0x11: {  	[smem:$0x3FB7] =	sst s9;
	s0 =	simm.s32 @!p0 $0x0  }
0x12: {  	s1 =	sld [smem:$0x3F9D];
	s0 =	simm.s32 @p0 $0x1  }
0x13: {  	[smem:$0x3FB8] =	sst s0;
	s0 =	simm.s32 @!p1 $0x0  }
0x14: {  	s2 =	sld [smem:$0x3F9C];
	s0 =	simm.s32 @p1 $0x1  }
0x15: {  	[smem:$0x3FB9] =	sst s0;
	s0 =	simm.s32 @!p2 $0x0  }
0x16: {  	s3 =	sld [smem:$0x3FDB];
	s0 =	simm.s32 @p2 $0x1  }
0x17: {  	s4 =	simm.s32 $0x1BF5;
	[smem:$0x3FBB] =	sst s0  }
0x18: {  	s0 =	sld [smem:$0x3F9E];
	_ =	swait.ge [sflag:s4], $0x0  }
0x19: {  	s7 =	sld [smem:$0x3F9F]  }
0x1a: {  	s8 =	sadd.s32 $0xFFFFE003, lr  }
0x1b: {  	s9 =	sadd.s32 $0xFFFFFEF7, lr;
	s5 =	simm.s32 $0xFFFFFFFF;
	p2 =	slt.u32 s8, $0xFFFFF086  }
0x1c: {  	p1 =	slt.u32 s9, $0xF7A;
	s5 =	simm.s32 @!p2 $0x0  }
0x1d: {  	s5 =	simm.s32 @p1 $0x1;
	p0 =	seq.s32 s7, s2  }
0x1e: {  	s7 =	smul.u32 @!p0 $0xF7A, s2;
	p2 =	seq.s32 @!p0 s5, $0x0  }
0x1f: {  	s9 =	smul.u32 $0xF7A, s1;
	s8 =	simm.s32 @!p0 $0x1BF5;
	p2 =	por !p2, p0  }
0x20: {  	[sflag:s8] =	ssyncset.s32 @!p0 $0xFFFFF086;
	s6 =	sadd.s32 @!p0 s3, s7;
	s7 =	simm.s32 @!p0 $0x108  }
0x21: {  	s3 =	sadd.s32 s3, s9;
	s6 =	sadd.s32 @!p0 $0x88, s6;
	s7 =	simm.s32 @p2 $0x1082  }
0x22: {  	[simem:s7], [sflag:s8] =	dma.local @!p0 [hbm:s6], $0xF7A  }
0x23: {  	s9 =	sor.u32 $0xD0000000, s2;
	s6 =	simm.s32 $0x108;
	_ =	swait.ge @!p0 [sflag:s8], $0x0  }
0x24: {  	s3 =	sadd.s32 $0x88, s3;
	s6 =	simm.s32 @!p1 $0x1082;
	[sflag:s4] =	ssyncset.s32 $0xFFFFF086  }
0x25: {  	[simem:s6], [sflag:s4] =	dma.local [hbm:s3], $0xF7A  }
0x26: {  	[smem:$0x3F9F] =	sst s1;
	(tag) =	ssettag s2;
	_ =	strace s9  }
0x27: {  	s1 =	sld [smem:$0x3FAF]  }
0x28: {  	s2 =	sld [smem:$0x3FB0]  }
0x29: {  	s4 =	sld [smem:$0x3FB2]  }
0x2a: {  	p0 =	seq.s32 s5, $0x0;
	s5 =	sld [smem:$0x3FB3]  }
0x2b: {  	s6 =	sld [smem:$0x3FB4]  }
0x2c: {  	s7 =	sld [smem:$0x3FB5]  }
0x2d: {  	s3 =	simm.s32 $0x108;
	s8 =	sld [smem:$0x3FB6]  }
0x2e: {  	s3 =	simm.s32 @!p0 $0x1082;
	s9 =	sld [smem:$0x3FB7]  }
0x2f: {  	lr =	sadd.s32 s0, s3;
	s0 =	sld [smem:$0x3FAE]  }
0x30: {  	s3 =	sld [smem:$0x3FB1]  }
0x31: {  	[smem:$0x3FBA] =	sst s10  }
0x32: {  	s10 =	sld [smem:$0x3FB8];
	_ =	sdelay $0x3  }
0x33: {  	p0 =	seq.s32 s10, $0x1;
	s10 =	sld [smem:$0x3FBA];
	_ =	sdelay $0x3  }
0x34: {  	[smem:$0x3FBA] =	sst s10  }
0x35: {  	s10 =	sld [smem:$0x3FB9];
	_ =	sdelay $0x3  }
0x36: {  	p1 =	seq.s32 s10, $0x1;
	s10 =	sld [smem:$0x3FBA];
	_ =	sdelay $0x3  }
0x37: {  	[smem:$0x3FBA] =	sst s10  }
0x38: {  	s10 =	sld [smem:$0x3FBB]  }
0x39: {  	_ = 	snop;
	(pc) =	sbr.ind lr, $3  }
0x3a: {  	_ = 	snop  }
0x3b: {  	_ = 	snop  }
0x3c: {  	p2 =	seq.s32 s10, $0x1;
	s10 =	sld [smem:$0x3FBA]  }
0x3d: {  	_ =	shalt  }
0x3e: {  	_ =	shalt  }
0x3f: {  	_ =	shalt  }
0x40: {  	_ =	shalt  }
0x41: {  	_ =	shalt  }
0x42: {  	_ =	shalt  }
0x43: {  	_ =	shalt  }
0x44: {  	_ =	shalt  }
0x45: {  	_ =	shalt  }
0x46: {  	_ =	shalt  }
0x47: {  	_ =	shalt  }
0x48: {  	_ =	shalt  }
0x49: {  	_ =	shalt  }
0x4a: {  	_ =	shalt  }
0x4b: {  	_ =	shalt  }
0x4c: {  	_ =	shalt  }
0x4d: {  	_ =	shalt  }
0x4e: {  	_ =	shalt  }
0x4f: {  	_ =	shalt  }
0x50: {  	_ =	shalt  }
0x51: {  	_ =	shalt  }
0x52: {  	_ =	shalt  }
0x53: {  	_ =	shalt  }
0x54: {  	_ =	shalt  }
0x55: {  	_ =	shalt  }
0x56: {  	_ =	shalt  }
0x57: {  	_ =	shalt  }
0x58: {  	_ =	shalt  }
0x59: {  	_ =	shalt  }
0x5a: {  	_ =	shalt  }
0x5b: {  	_ =	shalt  }
0x5c: {  	_ =	shalt  }
0x5d: {  	_ =	shalt  }
0x5e: {  	_ =	shalt  }
0x5f: {  	_ =	shalt  }
0x60: {  	_ =	shalt  }
0x61: {  	_ =	shalt  }
0x62: {  	_ =	shalt  }
0x63: {  	_ =	shalt  }
0x64: {  	_ =	shalt  }
0x65: {  	_ =	shalt  }
0x66: {  	_ =	shalt  }
0x67: {  	_ =	shalt  }
0x68: {  	_ =	shalt  }
0x69: {  	_ =	shalt  }
0x6a: {  	_ =	shalt  }
0x6b: {  	_ =	shalt  }
0x6c: {  	_ =	shalt  }
0x6d: {  	_ =	shalt  }
0x6e: {  	_ =	shalt  }
0x6f: {  	_ =	shalt  }
0x70: {  	_ =	shalt  }
0x71: {  	_ =	shalt  }
0x72: {  	_ =	shalt  }
0x73: {  	_ =	shalt  }
0x74: {  	_ =	shalt  }
0x75: {  	_ =	shalt  }
0x76: {  	_ =	shalt  }
0x77: {  	_ =	shalt  }
0x78: {  	_ =	shalt  }
0x79: {  	_ =	shalt  }
0x7a: {  	_ =	shalt  }
0x7b: {  	_ =	shalt  }
0x7c: {  	_ =	shalt  }
0x7d: {  	_ =	shalt  }
0x7e: {  	_ =	shalt  }
0x7f: {  	_ =	shalt  }
0x80: {  	_ =	shalt  }
0x81: {  	_ =	shalt  }
0x82: {  	_ =	shalt  }
0x83: {  	_ =	shalt  }
0x84: {  	_ =	shalt  }
0x85: {  	_ =	shalt  }
0x86: {  	_ =	shalt  }
0x87: {  	_ =	shalt  }
.Lfunc_end0:
.L_simem_size_0:
called_computation.2_lowered:
.L_overlay_start_0:
0x88: {  	s2 =	sld [smem:$0x3FD9]  }
0x89: {  	s3 =	sld [smem:$0x3FFE];
	_ =	sdelay $0x1  }
0x8a: {  	s1 =	srdreg.scid  }
0x8b: {  	s0 =	sand.u32 $0x1, s1  }
0x8c: {  	s17 =	sshll.u32 s0, $0xA;
	s2 =	sadd.s32 s3, s2  }
0x8d: {  	s2 =	sadd.s32 s2, s17  }
0x8e: {  	[smem:$0x3FC6] =	sst s2  }
0x8f: {  	_ = 	snop  }
0x90: {  	s18 =	sld [smem:$0x3FC8];
	(tm) =	ssettm $0x1  }
0x91: {  	s19 =	sld [smem:$0x3FFB];
	_ =	sdelay $0x3  }
0x92: {  	_ =	strace s19  }
0x93: {  	s2 =	sld [smem:$0x3FFC];
	_ =	sdelay $0x3  }
0x94: {  	_ =	strace s2  }
0x95: {  	s2 =	sld [smem:$0x3FFD];
	_ =	sdelay $0x3  }
0x96: {  	_ =	strace s2  }
0x97: {  	_ =	strace $0x8FFFFFFF  }
0x98: {  	s20 =	sld [smem:$0x3FDB];
	_ =	sdelay $0x1  }
0x99: {  	s4 =	simm.s32 $_scs_section_size  }
0x9a: {  	s5 =	simm.s32 $_size__tile_overlayer_lowered;
	s6 =	simm.s32 $_tile_overlayer_lowered  }
0x9b: {  	s7 =	simm.s32 $0x1BFF;
	s21 =	sshll.u32 s6, $0x1;
	s4 =	sadd.s32 s4, s20  }
0x9c: {  	s22 =	simm.s32 $0x0;
	s5 =	sshll.u32 s5, $0x1;
	s6 =	sadd.s32 s21, s4  }
0x9d: {  	[timem:s22], [sflag:s7] =	dma.local [hbm:s6], s5  }
0x9e: {  	_ =	swait.ge [sflag:s7], s5  }
0x9f: {  	s5 =	ssub.s32 $0x0, s5;
	[sflag:s7] =	ssyncset.done $0x0  }
0xa0: {  	[sflag:s7] =	ssyncadd.s32 s5;
	_ =	sdelay $0x1  }
0xa1: {  	s23 =	simm.s32 $0x1B8B  }
0xa2: {  	_ =	swait.ge [sflag:s23], $0x1  }
0xa3: {  	[sflag:s23] =	ssyncset.done $0x0  }
0xa4: {  	[sflag:s23] =	ssyncadd.s32 $0xFFFFFFFF  }
0xa5: {  	s5 =	sld [smem:$0x0]  }
0xa6: {  	s6 =	sand.u32 $0xFFFFFFFE, s1  }
0xa7: {  	p0 =	sne.s32 s1, s6  }
0xa8: {  	s6 =	sshll.u32 @p0 s6, $0xE  }
0xa9: {  	s6 =	sadd.s32 @p0 $0x11B8D, s6;
	s7 =	sshll.u32 @p0 s5, $0x11  }
0xaa: {  	s6 =	sor.u32 @p0 s7, s6  }
0xab: {  	[sflag:s6] =	ssyncadd.remote.s32 @p0 $0x1;
	_ =	sdelay $0x1  }
0xac: {  	s6 =	simm.s32 @p0 $0x1B8D  }
0xad: {  	_ =	swait.eq @p0 [sflag:s6], $0x1  }
0xae: {  	[sflag:s6] =	ssyncadd.s32 @p0 $0xFFFFFFFF  }
0xaf: {  	s7 =	sshll.u32 @!p0 s1, $0xE  }
0xb0: {  	s7 =	sor.u32 @!p0 $0x4000, s7;
	s6 =	simm.s32 @!p0 $0x1B8D  }
0xb1: {  	s5 =	sshll.u32 @!p0 s5, $0x11;
	s7 =	sadd.s32 @!p0 $0x11B8D, s7;
	_ =	swait.eq @!p0 [sflag:s6], $0x1  }
0xb2: {  	s5 =	sor.u32 @!p0 s5, s7;
	[sflag:s6] =	ssyncadd.s32 @!p0 $0xFFFFFFFF  }
0xb3: {  	s25 =	simm.s32 $0x1B8E;
	s24 =	sld [smem:$0x3FFE];
	[sflag:s5] =	ssyncadd.remote.s32 @!p0 $0x1  }
0xb4: {  	s26 =	simm.s32 $execute0_lowered;
	[smem:$0x3FD2] =	sst s25  }
0xb5: {  	s6 =	sshll.u32 s26, $0x1;
	_ =	strace $0x8000004C;
	[dreg:$0x1] =	wrdreg $0xFFFFFFFF  }
0xb6: {  	s28 =	simm.s32 $_size_execute0_lowered;
	s4 =	sadd.s32 s4, s6;
	[dreg:$0x0] =	wrdreg $0x0  }
0xb7: {  	s6 =	sshll.u32 s28, $0x1;
	[dreg:$0x2] =	wrdreg s4  }
0xb8: {  	[dreg:$0x3] =	wrdreg s6  }
0xb9: {  	[dreg:$0x4] =	wrdreg $0xC0  }
0xba: {  	_ =	task [dreg:s22], $0x5FFFF  }
0xbb: {  	[dreg:$0x1] =	wrdreg $0xFFFFFFFF  }
0xbc: {  	[dreg:$0x0] =	wrdreg $0x60  }
0xbd: {  	[dreg:$0x2] =	wrdreg s24  }
0xbe: {  	[dreg:$0x3] =	wrdreg s18  }
0xbf: {  	[dreg:$0x4] =	wrdreg $0xB  }
0xc0: {  	_ =	task.clear_ibuf [dreg:s22], $0x5FFFF;
	_ =	strace $0x9000004C  }
0xc1: {  	s29 =	simm.s32 $0xB;
	_ =	strace $0x8000004E  }
0xc2: {  	_ =	swait.ge [sflag:s29], $0x1  }
0xc3: {  	[sflag:s29] =	ssyncadd.s32 $0xFFFFFFFF  }
0xc4: {  	_ =	strace $0x9000004E  }
0xc5: {  	_ =	sfence  }
0xc6: {  	s30 =	sld [smem:$0x0];
	_ =	sdelay $0x2  }
0xc7: {  	s31 =	sshll.u32 s1, $0xD;
	s1 =	sshrl.u32 s1, $0x2  }
0xc8: {  	s4 =	sand.u32 $0x4000, s31;
	s1 =	sadd.s32 s1, s30  }
0xc9: {  	s0 =	sor.u32 s4, s0;
	s1 =	sshll.u32 s1, $0x11  }
0xca: {  	s0 =	sor.u32 s1, s0  }
0xcb: {  	s0 =	sadd.s32 $0x8F2B, s0  }
0xcc: {  	[sflag:s0] =	ssyncadd.remote.s32 $0x1  }
0xcd: {  	_ =	sfence.sel $0xFFFF  }
0xce: {  	[dreg:$0x0] =	wrdreg $0xFFFFFFFF;
	(pc) =	sbr.abs _section_cstart, $3  }
0xcf: {  	[dreg:$0x1] =	wrdreg $0xFFFFFFFF  }
0xd0: {  	_ =	task.clear_ibuf [dreg:s22], $0x2FFFF;
	_ =	strace $0x9FFFFFFF  }
0xd1: {  	(tm) =	ssettm $0x7FFFFFFF  }
tec
execute0_lowered:
.L_overlay_start_1:
0x0: {  	(tag) =	ssettag $0x1  }
0x1: {  	s4 =	rddreg [dreg:$0x0]  }
0x2: {  	s2 =	rddreg [dreg:$0x1]  }
0x3: {  	s0 =	rddreg [dreg:$0x2];
	s5 =	srdreg.scid  }
0x4: {  	s1 =	stileid.u32;
	s3 =	simm.s32 $0x0;
	s14 =	simm.s32 $0x1080  }
0x5: {  	s15 =	simm.s32 $0x1880;
	s16 =	simm.s32 $0x2080;
	s17 =	simm.s32 $0x2880  }
0x6: {  	s18 =	simm.s32 $0x3080;
	s19 =	simm.s32 $0x3880;
	s20 =	simm.s32 $0x4080  }
0x7: {  	s21 =	simm.s32 $0x4880;
	s22 =	simm.s32 $0x5080;
	s23 =	simm.s32 $0x5880  }
0x8: {  	s24 =	simm.s32 $0x1;
	s5 =	sand.u32 $0x1, s5;
	s6 =	sshll.u32 s1, $0x1  }
0x9: {  	[smem:$0x7FF] =	sst s3;
	s8 =	sadd.s32 $0x4CA00, s4;
	s6 =	sor.u32 s5, s6  }
0xa: {  	s9 =	sadd.s32 $0x4D000, s4;
	s5 =	ssub.s32 $0x2, s5;
	s7 =	smul.u32 $0x120, s6  }
0xb: {  	_ =	strace $0x8000004D;
	s28 =	sshrl.u32 s5, $0x1;
	s6 =	smul.u32 $0x2400, s6  }
0xc: {  	s12 =	ssub.s32 s5, s28;
	s10 =	sshrl.u32 s7, $0x3;
	s11 =	sadd.s32 $0x60, s7  }
0xd: {  	s5 =	sadd.s32 s9, s6;
	s7 =	sadd.s32 $0xC0, s7;
	s4 =	sadd.s32 s8, s10  }
0xe: {  	s29 =	sshrl.u32 s11, $0x3;
	s30 =	sshll.u32 s11, $0x5;
	s31 =	sshrl.u32 s7, $0x3  }
0xf: {  	v2 =	vlaneseq.u32;
	s13 =	sshll.u32 s7, $0x5;
	s10 =	smax.u32 s12, $0x1;
	s11 =	simm.s32 $0x2  }
0x10: {  	vm0 =	vmmov $0xffff;
	v1 =	vshrl.u32 v2, $0x3;
	s12 =	simm.s32 $0x80;
	s6 =	sadd.s32 s8, s29;
	s7 =	sadd.s32 s9, s30  }
0x11: {  	v0 =	vand.u32 $0x7, v2;
	v2 =	vor.u32 $0x8, v2;
	v1 =	vmul.u32 $0x8, v1;
	s8 =	sadd.s32 s8, s31;
	s9 =	sadd.s32 s9, s13;
	s13 =	simm.s32 $0x880  }
.LBB2_1:
0x12: {  	[tilespmem:s3], [sflag:$0x2] =	stream.linear.gather [hbm4b:s4+s3], $0x60, $0x38;
	[tilespmem:$0x6080] =	vst v63  }
0x13: {  	_ =	swait.ge [sflag:s11], $0x60  }
0x14: {  	[sflag:s11] =	ssyncset.done $0x0  }
0x15: {  	[sflag:s11] =	ssyncadd.s32 $0xFFFFFFA0  }
0x16: {  	v3 =	vld [tilespmem:$0x0];
	_ =	sdelay $0x4  }
0x17: {  	v4 =	vshll.u32 v3, $0x1  }
0x18: {  	v3 =	vand.u32 $0x7, v3;
	v4 =	vand.u32 $0xFFFFFFF0, v4  }
0x19: {  	v3 =	vor.u32 v3, v4  }
0x1a: {  	v4 =	vperm.xlane v3, v0;
	_ =	sdelay $0x1  }
0x1b: {  	v3 =	vperm.xlane v3, v2;
	v4 =	vadd.s32 v1, v4;
	_ =	sdelay $0x1  }
0x1c: {  	v3 =	vadd.s32 v1, v3;
	_ =	sdelay $0x2  }
0x1d: {  	[tilespmem:s12], [sflag:$0x1] =	stream.indirect_vreg.gather [hbm4b:s2+s3], $0x80, v4, vm0, $0xb8;
	[tilespmem:$0x6080] =	vst v63  }
0x1e: {  	_ = 	snop  }
0x1f: {  	[tilespmem:s13], [sflag:$0x1] =	stream.indirect_vreg.gather [hbm4b:s2+s3], $0x80, v3, vm0, $0xb8;
	[tilespmem:$0x6080] =	vst v63  }
0x20: {  	v3 =	vld [tilespmem:$0x10];
	_ =	sdelay $0x4  }
0x21: {  	v47 =	vshll.u32 v3, $0x1  }
0x22: {  	v3 =	vand.u32 $0x7, v3;
	v4 =	vand.u32 $0xFFFFFFF0, v47  }
0x23: {  	v3 =	vor.u32 v3, v4  }
0x24: {  	v4 =	vperm.xlane v3, v0;
	_ =	sdelay $0x1  }
0x25: {  	v3 =	vperm.xlane v3, v2;
	v4 =	vadd.s32 v1, v4;
	_ =	sdelay $0x1  }
0x26: {  	v3 =	vadd.s32 v1, v3;
	_ =	sdelay $0x2  }
0x27: {  	[tilespmem:s14], [sflag:$0x1] =	stream.indirect_vreg.gather [hbm4b:s2+s3], $0x80, v4, vm0, $0xb8;
	[tilespmem:$0x6080] =	vst v63  }
0x28: {  	_ = 	snop  }
0x29: {  	[tilespmem:s15], [sflag:$0x1] =	stream.indirect_vreg.gather [hbm4b:s2+s3], $0x80, v3, vm0, $0xb8;
	[tilespmem:$0x6080] =	vst v63  }
0x2a: {  	v3 =	vld [tilespmem:$0x20];
	_ =	sdelay $0x4  }
0x2b: {  	v48 =	vshll.u32 v3, $0x1  }
0x2c: {  	v3 =	vand.u32 $0x7, v3;
	v4 =	vand.u32 $0xFFFFFFF0, v48  }
0x2d: {  	v3 =	vor.u32 v3, v4  }
0x2e: {  	v4 =	vperm.xlane v3, v0;
	_ =	sdelay $0x1  }
0x2f: {  	v3 =	vperm.xlane v3, v2;
	v4 =	vadd.s32 v1, v4;
	_ =	sdelay $0x1  }
0x30: {  	v3 =	vadd.s32 v1, v3;
	_ =	sdelay $0x2  }
0x31: {  	[tilespmem:s16], [sflag:$0x1] =	stream.indirect_vreg.gather [hbm4b:s2+s3], $0x80, v4, vm0, $0xb8;
	[tilespmem:$0x6080] =	vst v63  }
0x32: {  	_ = 	snop  }
0x33: {  	[tilespmem:s17], [sflag:$0x1] =	stream.indirect_vreg.gather [hbm4b:s2+s3], $0x80, v3, vm0, $0xb8;
	[tilespmem:$0x6080] =	vst v63  }
0x34: {  	v3 =	vld [tilespmem:$0x30];
	_ =	sdelay $0x4  }
0x35: {  	v49 =	vshll.u32 v3, $0x1  }
0x36: {  	v3 =	vand.u32 $0x7, v3;
	v4 =	vand.u32 $0xFFFFFFF0, v49  }
0x37: {  	v3 =	vor.u32 v3, v4  }
0x38: {  	v4 =	vperm.xlane v3, v0;
	_ =	sdelay $0x1  }
0x39: {  	v3 =	vperm.xlane v3, v2;
	v4 =	vadd.s32 v1, v4;
	_ =	sdelay $0x1  }
0x3a: {  	v3 =	vadd.s32 v1, v3;
	_ =	sdelay $0x2  }
0x3b: {  	[tilespmem:s18], [sflag:$0x1] =	stream.indirect_vreg.gather [hbm4b:s2+s3], $0x80, v4, vm0, $0xb8;
	[tilespmem:$0x6080] =	vst v63  }
0x3c: {  	_ = 	snop  }
0x3d: {  	[tilespmem:s19], [sflag:$0x1] =	stream.indirect_vreg.gather [hbm4b:s2+s3], $0x80, v3, vm0, $0xb8;
	[tilespmem:$0x6080] =	vst v63  }
0x3e: {  	v3 =	vld [tilespmem:$0x40];
	_ =	sdelay $0x4  }
0x3f: {  	v50 =	vshll.u32 v3, $0x1  }
0x40: {  	v3 =	vand.u32 $0x7, v3;
	v4 =	vand.u32 $0xFFFFFFF0, v50  }
0x41: {  	v3 =	vor.u32 v3, v4  }
0x42: {  	v4 =	vperm.xlane v3, v0;
	_ =	sdelay $0x1  }
0x43: {  	v3 =	vperm.xlane v3, v2;
	v4 =	vadd.s32 v1, v4;
	_ =	sdelay $0x1  }
0x44: {  	v3 =	vadd.s32 v1, v3;
	_ =	sdelay $0x2  }
0x45: {  	[tilespmem:s20], [sflag:$0x1] =	stream.indirect_vreg.gather [hbm4b:s2+s3], $0x80, v4, vm0, $0xb8;
	[tilespmem:$0x6080] =	vst v63  }
0x46: {  	_ = 	snop  }
0x47: {  	[tilespmem:s21], [sflag:$0x1] =	stream.indirect_vreg.gather [hbm4b:s2+s3], $0x80, v3, vm0, $0xb8;
	[tilespmem:$0x6080] =	vst v63  }
0x48: {  	v3 =	vld [tilespmem:$0x50];
	_ =	sdelay $0x4  }
0x49: {  	v51 =	vshll.u32 v3, $0x1  }
0x4a: {  	v3 =	vand.u32 $0x7, v3;
	v4 =	vand.u32 $0xFFFFFFF0, v51  }
0x4b: {  	v3 =	vor.u32 v3, v4  }
0x4c: {  	v4 =	vperm.xlane v3, v0;
	_ =	sdelay $0x1  }
0x4d: {  	v3 =	vperm.xlane v3, v2;
	v4 =	vadd.s32 v1, v4;
	_ =	sdelay $0x1  }
0x4e: {  	v3 =	vadd.s32 v1, v3;
	_ =	sdelay $0x2  }
0x4f: {  	[tilespmem:s22], [sflag:$0x1] =	stream.indirect_vreg.gather [hbm4b:s2+s3], $0x80, v4, vm0, $0xb8;
	[tilespmem:$0x6080] =	vst v63  }
0x50: {  	_ = 	snop  }
0x51: {  	[tilespmem:s23], [sflag:$0x1] =	stream.indirect_vreg.gather [hbm4b:s2+s3], $0x80, v3, vm0, $0xb8;
	[tilespmem:$0x6080] =	vst v63  }
0x52: {  	_ =	swait.ge [sflag:s24], $0x6000  }
0x53: {  	[sflag:s24] =	ssyncset.done $0x0  }
0x54: {  	[sflag:s24] =	ssyncadd.s32 $0xFFFFA000  }
0x55: {  	[hbm4b:s5+s3] =	stream.linear.scatter [tilespmem:s12], [sflag:$0x2], $0x6000, $0x38;
	[tilespmem:$0x6080] =	vst v63  }
0x56: {  	_ =	swait.ge [sflag:s11], $0x6000  }
0x57: {  	[sflag:s11] =	ssyncset.done $0x0  }
0x58: {  	[sflag:s11] =	ssyncadd.s32 $0xFFFFA000  }
0x59: {  	[tilespmem:s3], [sflag:$0x2] =	stream.linear.gather [hbm4b:s6+s3], $0x60, $0x38;
	[tilespmem:$0x6080] =	vst v63  }
0x5a: {  	_ =	swait.ge [sflag:s11], $0x60  }
0x5b: {  	[sflag:s11] =	ssyncset.done $0x0  }
0x5c: {  	[sflag:s11] =	ssyncadd.s32 $0xFFFFFFA0  }
0x5d: {  	v3 =	vld [tilespmem:$0x0];
	_ =	sdelay $0x4  }
0x5e: {  	v52 =	vshll.u32 v3, $0x1  }
0x5f: {  	v3 =	vand.u32 $0x7, v3;
	v4 =	vand.u32 $0xFFFFFFF0, v52  }
0x60: {  	v3 =	vor.u32 v3, v4  }
0x61: {  	v4 =	vperm.xlane v3, v0;
	_ =	sdelay $0x1  }
0x62: {  	v3 =	vperm.xlane v3, v2;
	v4 =	vadd.s32 v1, v4;
	_ =	sdelay $0x1  }
0x63: {  	v3 =	vadd.s32 v1, v3;
	_ =	sdelay $0x2  }
0x64: {  	[tilespmem:s12], [sflag:$0x1] =	stream.indirect_vreg.gather [hbm4b:s2+s3], $0x80, v4, vm0, $0xb8;
	[tilespmem:$0x6080] =	vst v63  }
0x65: {  	_ = 	snop  }
0x66: {  	[tilespmem:s13], [sflag:$0x1] =	stream.indirect_vreg.gather [hbm4b:s2+s3], $0x80, v3, vm0, $0xb8;
	[tilespmem:$0x6080] =	vst v63  }
0x67: {  	v3 =	vld [tilespmem:$0x10];
	_ =	sdelay $0x4  }
0x68: {  	v53 =	vshll.u32 v3, $0x1  }
0x69: {  	v3 =	vand.u32 $0x7, v3;
	v4 =	vand.u32 $0xFFFFFFF0, v53  }
0x6a: {  	v3 =	vor.u32 v3, v4  }
0x6b: {  	v4 =	vperm.xlane v3, v0;
	_ =	sdelay $0x1  }
0x6c: {  	v3 =	vperm.xlane v3, v2;
	v4 =	vadd.s32 v1, v4;
	_ =	sdelay $0x1  }
0x6d: {  	v3 =	vadd.s32 v1, v3;
	_ =	sdelay $0x2  }
0x6e: {  	[tilespmem:s14], [sflag:$0x1] =	stream.indirect_vreg.gather [hbm4b:s2+s3], $0x80, v4, vm0, $0xb8;
	[tilespmem:$0x6080] =	vst v63  }
0x6f: {  	_ = 	snop  }
0x70: {  	[tilespmem:s15], [sflag:$0x1] =	stream.indirect_vreg.gather [hbm4b:s2+s3], $0x80, v3, vm0, $0xb8;
	[tilespmem:$0x6080] =	vst v63  }
0x71: {  	v3 =	vld [tilespmem:$0x20];
	_ =	sdelay $0x4  }
0x72: {  	v54 =	vshll.u32 v3, $0x1  }
0x73: {  	v3 =	vand.u32 $0x7, v3;
	v4 =	vand.u32 $0xFFFFFFF0, v54  }
0x74: {  	v3 =	vor.u32 v3, v4  }
0x75: {  	v4 =	vperm.xlane v3, v0;
	_ =	sdelay $0x1  }
0x76: {  	v3 =	vperm.xlane v3, v2;
	v4 =	vadd.s32 v1, v4;
	_ =	sdelay $0x1  }
0x77: {  	v3 =	vadd.s32 v1, v3;
	_ =	sdelay $0x2  }
0x78: {  	[tilespmem:s16], [sflag:$0x1] =	stream.indirect_vreg.gather [hbm4b:s2+s3], $0x80, v4, vm0, $0xb8;
	[tilespmem:$0x6080] =	vst v63  }
0x79: {  	_ = 	snop  }
0x7a: {  	[tilespmem:s17], [sflag:$0x1] =	stream.indirect_vreg.gather [hbm4b:s2+s3], $0x80, v3, vm0, $0xb8;
	[tilespmem:$0x6080] =	vst v63  }
0x7b: {  	v3 =	vld [tilespmem:$0x30];
	_ =	sdelay $0x4  }
0x7c: {  	v55 =	vshll.u32 v3, $0x1  }
0x7d: {  	v3 =	vand.u32 $0x7, v3;
	v4 =	vand.u32 $0xFFFFFFF0, v55  }
0x7e: {  	v3 =	vor.u32 v3, v4  }
0x7f: {  	v4 =	vperm.xlane v3, v0;
	_ =	sdelay $0x1  }
0x80: {  	v3 =	vperm.xlane v3, v2;
	v4 =	vadd.s32 v1, v4;
	_ =	sdelay $0x1  }
0x81: {  	v3 =	vadd.s32 v1, v3;
	_ =	sdelay $0x2  }
0x82: {  	[tilespmem:s18], [sflag:$0x1] =	stream.indirect_vreg.gather [hbm4b:s2+s3], $0x80, v4, vm0, $0xb8;
	[tilespmem:$0x6080] =	vst v63  }
0x83: {  	_ = 	snop  }
0x84: {  	[tilespmem:s19], [sflag:$0x1] =	stream.indirect_vreg.gather [hbm4b:s2+s3], $0x80, v3, vm0, $0xb8;
	[tilespmem:$0x6080] =	vst v63  }
0x85: {  	v3 =	vld [tilespmem:$0x40];
	_ =	sdelay $0x4  }
0x86: {  	v56 =	vshll.u32 v3, $0x1  }
0x87: {  	v3 =	vand.u32 $0x7, v3;
	v4 =	vand.u32 $0xFFFFFFF0, v56  }
0x88: {  	v3 =	vor.u32 v3, v4  }
0x89: {  	v4 =	vperm.xlane v3, v0;
	_ =	sdelay $0x1  }
0x8a: {  	v3 =	vperm.xlane v3, v2;
	v4 =	vadd.s32 v1, v4;
	_ =	sdelay $0x1  }
0x8b: {  	v3 =	vadd.s32 v1, v3;
	_ =	sdelay $0x2  }
0x8c: {  	[tilespmem:s20], [sflag:$0x1] =	stream.indirect_vreg.gather [hbm4b:s2+s3], $0x80, v4, vm0, $0xb8;
	[tilespmem:$0x6080] =	vst v63  }
0x8d: {  	_ = 	snop  }
0x8e: {  	[tilespmem:s21], [sflag:$0x1] =	stream.indirect_vreg.gather [hbm4b:s2+s3], $0x80, v3, vm0, $0xb8;
	[tilespmem:$0x6080] =	vst v63  }
0x8f: {  	v3 =	vld [tilespmem:$0x50];
	_ =	sdelay $0x4  }
0x90: {  	v57 =	vshll.u32 v3, $0x1  }
0x91: {  	v3 =	vand.u32 $0x7, v3;
	v4 =	vand.u32 $0xFFFFFFF0, v57  }
0x92: {  	v3 =	vor.u32 v3, v4  }
0x93: {  	v4 =	vperm.xlane v3, v0;
	_ =	sdelay $0x1  }
0x94: {  	v3 =	vperm.xlane v3, v2;
	v4 =	vadd.s32 v1, v4;
	_ =	sdelay $0x1  }
0x95: {  	v3 =	vadd.s32 v1, v3;
	_ =	sdelay $0x2  }
0x96: {  	[tilespmem:s22], [sflag:$0x1] =	stream.indirect_vreg.gather [hbm4b:s2+s3], $0x80, v4, vm0, $0xb8;
	[tilespmem:$0x6080] =	vst v63  }
0x97: {  	_ = 	snop  }
0x98: {  	[tilespmem:s23], [sflag:$0x1] =	stream.indirect_vreg.gather [hbm4b:s2+s3], $0x80, v3, vm0, $0xb8;
	[tilespmem:$0x6080] =	vst v63  }
0x99: {  	_ =	swait.ge [sflag:s24], $0x6000  }
0x9a: {  	[sflag:s24] =	ssyncset.done $0x0  }
0x9b: {  	[sflag:s24] =	ssyncadd.s32 $0xFFFFA000  }
0x9c: {  	[hbm4b:s7+s3] =	stream.linear.scatter [tilespmem:s12], [sflag:$0x2], $0x6000, $0x38;
	[tilespmem:$0x6080] =	vst v63  }
0x9d: {  	_ =	swait.ge [sflag:s11], $0x6000  }
0x9e: {  	[sflag:s11] =	ssyncset.done $0x0  }
0x9f: {  	[sflag:s11] =	ssyncadd.s32 $0xFFFFA000  }
0xa0: {  	[tilespmem:s3], [sflag:$0x2] =	stream.linear.gather [hbm4b:s8+s3], $0x60, $0x38;
	[tilespmem:$0x6080] =	vst v63  }
0xa1: {  	_ =	swait.ge [sflag:s11], $0x60  }
0xa2: {  	[sflag:s11] =	ssyncset.done $0x0  }
0xa3: {  	[sflag:s11] =	ssyncadd.s32 $0xFFFFFFA0  }
0xa4: {  	v3 =	vld [tilespmem:$0x0];
	_ =	sdelay $0x4  }
0xa5: {  	v58 =	vshll.u32 v3, $0x1  }
0xa6: {  	v3 =	vand.u32 $0x7, v3;
	v4 =	vand.u32 $0xFFFFFFF0, v58  }
0xa7: {  	v3 =	vor.u32 v3, v4  }
0xa8: {  	v4 =	vperm.xlane v3, v0;
	_ =	sdelay $0x1  }
0xa9: {  	v3 =	vperm.xlane v3, v2;
	v4 =	vadd.s32 v1, v4;
	_ =	sdelay $0x1  }
0xaa: {  	v3 =	vadd.s32 v1, v3;
	_ =	sdelay $0x2  }
0xab: {  	[tilespmem:s12], [sflag:$0x1] =	stream.indirect_vreg.gather [hbm4b:s2+s3], $0x80, v4, vm0, $0xb8;
	[tilespmem:$0x6080] =	vst v63  }
0xac: {  	_ = 	snop  }
0xad: {  	[tilespmem:s13], [sflag:$0x1] =	stream.indirect_vreg.gather [hbm4b:s2+s3], $0x80, v3, vm0, $0xb8;
	[tilespmem:$0x6080] =	vst v63  }
0xae: {  	v3 =	vld [tilespmem:$0x10];
	_ =	sdelay $0x4  }
0xaf: {  	v59 =	vshll.u32 v3, $0x1  }
0xb0: {  	v3 =	vand.u32 $0x7, v3;
	v4 =	vand.u32 $0xFFFFFFF0, v59  }
0xb1: {  	v3 =	vor.u32 v3, v4  }
0xb2: {  	v4 =	vperm.xlane v3, v0;
	_ =	sdelay $0x1  }
0xb3: {  	v3 =	vperm.xlane v3, v2;
	v4 =	vadd.s32 v1, v4;
	_ =	sdelay $0x1  }
0xb4: {  	v3 =	vadd.s32 v1, v3;
	_ =	sdelay $0x2  }
0xb5: {  	[tilespmem:s14], [sflag:$0x1] =	stream.indirect_vreg.gather [hbm4b:s2+s3], $0x80, v4, vm0, $0xb8;
	[tilespmem:$0x6080] =	vst v63  }
0xb6: {  	_ = 	snop  }
0xb7: {  	[tilespmem:s15], [sflag:$0x1] =	stream.indirect_vreg.gather [hbm4b:s2+s3], $0x80, v3, vm0, $0xb8;
	[tilespmem:$0x6080] =	vst v63  }
0xb8: {  	v3 =	vld [tilespmem:$0x20];
	_ =	sdelay $0x4  }
0xb9: {  	v60 =	vshll.u32 v3, $0x1  }
0xba: {  	v3 =	vand.u32 $0x7, v3;
	v4 =	vand.u32 $0xFFFFFFF0, v60  }
0xbb: {  	v3 =	vor.u32 v3, v4  }
0xbc: {  	v4 =	vperm.xlane v3, v0;
	_ =	sdelay $0x1  }
0xbd: {  	v3 =	vperm.xlane v3, v2;
	v4 =	vadd.s32 v1, v4;
	_ =	sdelay $0x1  }
0xbe: {  	v3 =	vadd.s32 v1, v3;
	_ =	sdelay $0x2  }
0xbf: {  	[tilespmem:s16], [sflag:$0x1] =	stream.indirect_vreg.gather [hbm4b:s2+s3], $0x80, v4, vm0, $0xb8;
	[tilespmem:$0x6080] =	vst v63  }
0xc0: {  	_ = 	snop  }
0xc1: {  	[tilespmem:s17], [sflag:$0x1] =	stream.indirect_vreg.gather [hbm4b:s2+s3], $0x80, v3, vm0, $0xb8;
	[tilespmem:$0x6080] =	vst v63  }
0xc2: {  	v3 =	vld [tilespmem:$0x30];
	_ =	sdelay $0x4  }
0xc3: {  	v61 =	vshll.u32 v3, $0x1  }
0xc4: {  	v3 =	vand.u32 $0x7, v3;
	v4 =	vand.u32 $0xFFFFFFF0, v61  }
0xc5: {  	v3 =	vor.u32 v3, v4  }
0xc6: {  	v4 =	vperm.xlane v3, v0;
	_ =	sdelay $0x1  }
0xc7: {  	v3 =	vperm.xlane v3, v2;
	v4 =	vadd.s32 v1, v4;
	_ =	sdelay $0x1  }
0xc8: {  	v3 =	vadd.s32 v1, v3;
	_ =	sdelay $0x2  }
0xc9: {  	[tilespmem:s18], [sflag:$0x1] =	stream.indirect_vreg.gather [hbm4b:s2+s3], $0x80, v4, vm0, $0xb8;
	[tilespmem:$0x6080] =	vst v63  }
0xca: {  	_ = 	snop  }
0xcb: {  	[tilespmem:s19], [sflag:$0x1] =	stream.indirect_vreg.gather [hbm4b:s2+s3], $0x80, v3, vm0, $0xb8;
	[tilespmem:$0x6080] =	vst v63  }
0xcc: {  	v3 =	vld [tilespmem:$0x40];
	_ =	sdelay $0x4  }
0xcd: {  	v62 =	vshll.u32 v3, $0x1  }
0xce: {  	v3 =	vand.u32 $0x7, v3;
	v4 =	vand.u32 $0xFFFFFFF0, v62  }
0xcf: {  	v3 =	vor.u32 v3, v4  }
0xd0: {  	v4 =	vperm.xlane v3, v0;
	_ =	sdelay $0x1  }
0xd1: {  	v3 =	vperm.xlane v3, v2;
	v4 =	vadd.s32 v1, v4;
	_ =	sdelay $0x1  }
0xd2: {  	v3 =	vadd.s32 v1, v3;
	_ =	sdelay $0x2  }
0xd3: {  	[tilespmem:s20], [sflag:$0x1] =	stream.indirect_vreg.gather [hbm4b:s2+s3], $0x80, v4, vm0, $0xb8;
	[tilespmem:$0x6080] =	vst v63  }
0xd4: {  	_ = 	snop  }
0xd5: {  	[tilespmem:s21], [sflag:$0x1] =	stream.indirect_vreg.gather [hbm4b:s2+s3], $0x80, v3, vm0, $0xb8;
	[tilespmem:$0x6080] =	vst v63  }
0xd6: {  	v3 =	vld [tilespmem:$0x50];
	_ =	sdelay $0x4  }
0xd7: {  	v63 =	vshll.u32 v3, $0x1  }
0xd8: {  	v3 =	vand.u32 $0x7, v3;
	v4 =	vand.u32 $0xFFFFFFF0, v63  }
0xd9: {  	v3 =	vor.u32 v3, v4  }
0xda: {  	v4 =	vperm.xlane v3, v0;
	_ =	sdelay $0x1  }
0xdb: {  	v3 =	vperm.xlane v3, v2;
	v4 =	vadd.s32 v1, v4;
	_ =	sdelay $0x1  }
0xdc: {  	v3 =	vadd.s32 v1, v3;
	_ =	sdelay $0x2  }
0xdd: {  	[tilespmem:s22], [sflag:$0x1] =	stream.indirect_vreg.gather [hbm4b:s2+s3], $0x80, v4, vm0, $0xb8;
	[tilespmem:$0x6080] =	vst v63  }
0xde: {  	_ = 	snop  }
0xdf: {  	[tilespmem:s23], [sflag:$0x1] =	stream.indirect_vreg.gather [hbm4b:s2+s3], $0x80, v3, vm0, $0xb8;
	[tilespmem:$0x6080] =	vst v63  }
0xe0: {  	_ =	swait.ge [sflag:s24], $0x6000  }
0xe1: {  	p0 =	sne.s32 s10, $0x1;
	[sflag:s24] =	ssyncset.done $0x0  }
.Ltmp0:
0xe2: {  	[sflag:s24] =	ssyncadd.s32 $0xFFFFA000;
	(pc) =	sbr.rel @p0 .LBB2_1-.Ltmp0, $4  }
0xe3: {  	[hbm4b:s9+s3] =	stream.linear.scatter [tilespmem:s12], [sflag:$0x2], $0x6000, $0x38;
	[tilespmem:$0x6080] =	vst v63  }
0xe4: {  	_ =	swait.ge [sflag:s11], $0x6000  }
0xe5: {  	[sflag:s11] =	ssyncset.done $0x0  }
0xe6: {  	s10 =	sadd.s32 $0xFFFFFFFF, s10;
	[sflag:s11] =	ssyncadd.s32 $0xFFFFA000  }
0xe7: {  	_ =	sfence.sel $0x180000  }
0xe8: {  	[bflag:$0x0] =	sbarrier.arrive $0xFFFF  }
0xe9: {  	p0 =	sne.s32 s1, $0x0;
	_ =	strace $0x9000004D  }
0xea: {  	s0 =	sadd.s32 @!p0 $0x100000, s0;
	[bflag:$0x2] =	sbarrier.arrive $0xFFFF  }
0xeb: {  	[sflag:s0] =	ssyncadd.tile.s32 @!p0 $0x1;
	_ =	shalt  }
.Lfunc_end2:
_tile_overlayer_lowered:
.L_overlay_start_2:
0xec: {  	(tag) =	ssettag $0x2  }
0xed: {  	s0 =	rddreg [dreg:$0x0];
	s2 =	stileid.u32  }
0xee: {  	s1 =	rddreg [dreg:$0x1];
	p0 =	sne.s32 s2, $0x0  }
0xef: {  	s3 =	rddreg [dreg:$0x2];
	[bflag:$0x3] =	sbarrier.arrive $0xFFFF;
	s2 =	simm.s32 @!p0 $0x1C02  }
0xf0: {  	[timem:s3], [sflag:s2] =	dma.local @!p0 [hbm:s0], s1  }
0xf1: {  	s0 =	simm.s32 @!p0 $0x2  }
0xf2: {  	_ =	swait.ge @!p0 [sflag:s0], s1  }
0xf3: {  	s1 =	ssub.s32 @!p0 $0x0, s1;
	[sflag:s0] =	ssyncset.done @!p0 $0x0  }
0xf4: {  	[sflag:s0] =	ssyncadd.s32 @!p0 s1  }
0xf5: {  	[bflag:$0x3] =	sbarrier.arrive $0xFFFF  }
0xf6: {  	_ =	shalt  }

// kernel: kernel.24.cloned.1.call-start
scs
__scs_entry_jumppad:
0x0: {  	(pc) =	sbr.rel $0x88, $3  }
0x1: {  	(tag) =	ssettag $0x0;
	lr =	simm.s32 $0x1  }
0x2: {  	[smem:$0x3F9F] =	sst lr;
	_ =	strace $0xD0000000  }
0x3: {  	_ = 	snop  }
0x4: {  	_ = 	snop  }
0x5: {  	_ = 	snop  }
0x6: {  	_ = 	snop  }
0x7: {  	_ = 	snop  }
__scs_overlays_trampoline_lowered:
0x8: {  	[smem:$0x3FAE] =	sst s0  }
0x9: {  	[smem:$0x3FAF] =	sst s1  }
0xa: {  	[smem:$0x3FB0] =	sst s2  }
0xb: {  	[smem:$0x3FB1] =	sst s3  }
0xc: {  	[smem:$0x3FB2] =	sst s4  }
0xd: {  	[smem:$0x3FB3] =	sst s5  }
0xe: {  	[smem:$0x3FB4] =	sst s6  }
0xf: {  	[smem:$0x3FB5] =	sst s7  }
0x10: {  	[smem:$0x3FB6] =	sst s8  }
0x11: {  	[smem:$0x3FB7] =	sst s9;
	s0 =	simm.s32 @!p0 $0x0  }
0x12: {  	s1 =	sld [smem:$0x3F9D];
	s0 =	simm.s32 @p0 $0x1  }
0x13: {  	[smem:$0x3FB8] =	sst s0;
	s0 =	simm.s32 @!p1 $0x0  }
0x14: {  	s2 =	sld [smem:$0x3F9C];
	s0 =	simm.s32 @p1 $0x1  }
0x15: {  	[smem:$0x3FB9] =	sst s0;
	s0 =	simm.s32 @!p2 $0x0  }
0x16: {  	s3 =	sld [smem:$0x3FDB];
	s0 =	simm.s32 @p2 $0x1  }
0x17: {  	s4 =	simm.s32 $0x1BF5;
	[smem:$0x3FBB] =	sst s0  }
0x18: {  	s0 =	sld [smem:$0x3F9E];
	_ =	swait.ge [sflag:s4], $0x0  }
0x19: {  	s7 =	sld [smem:$0x3F9F]  }
0x1a: {  	s8 =	sadd.s32 $0xFFFFE003, lr  }
0x1b: {  	s9 =	sadd.s32 $0xFFFFFEF7, lr;
	s5 =	simm.s32 $0xFFFFFFFF;
	p2 =	slt.u32 s8, $0xFFFFF086  }
0x1c: {  	p1 =	slt.u32 s9, $0xF7A;
	s5 =	simm.s32 @!p2 $0x0  }
0x1d: {  	s5 =	simm.s32 @p1 $0x1;
	p0 =	seq.s32 s7, s2  }
0x1e: {  	s7 =	smul.u32 @!p0 $0xF7A, s2;
	p2 =	seq.s32 @!p0 s5, $0x0  }
0x1f: {  	s9 =	smul.u32 $0xF7A, s1;
	s8 =	simm.s32 @!p0 $0x1BF5;
	p2 =	por !p2, p0  }
0x20: {  	[sflag:s8] =	ssyncset.s32 @!p0 $0xFFFFF086;
	s6 =	sadd.s32 @!p0 s3, s7;
	s7 =	simm.s32 @!p0 $0x108  }
0x21: {  	s3 =	sadd.s32 s3, s9;
	s6 =	sadd.s32 @!p0 $0x88, s6;
	s7 =	simm.s32 @p2 $0x1082  }
0x22: {  	[simem:s7], [sflag:s8] =	dma.local @!p0 [hbm:s6], $0xF7A  }
0x23: {  	s9 =	sor.u32 $0xD0000000, s2;
	s6 =	simm.s32 $0x108;
	_ =	swait.ge @!p0 [sflag:s8], $0x0  }
0x24: {  	s3 =	sadd.s32 $0x88, s3;
	s6 =	simm.s32 @!p1 $0x1082;
	[sflag:s4] =	ssyncset.s32 $0xFFFFF086  }
0x25: {  	[simem:s6], [sflag:s4] =	dma.local [hbm:s3], $0xF7A  }
0x26: {  	[smem:$0x3F9F] =	sst s1;
	(tag) =	ssettag s2;
	_ =	strace s9  }
0x27: {  	s1 =	sld [smem:$0x3FAF]  }
0x28: {  	s2 =	sld [smem:$0x3FB0]  }
0x29: {  	s4 =	sld [smem:$0x3FB2]  }
0x2a: {  	p0 =	seq.s32 s5, $0x0;
	s5 =	sld [smem:$0x3FB3]  }
0x2b: {  	s6 =	sld [smem:$0x3FB4]  }
0x2c: {  	s7 =	sld [smem:$0x3FB5]  }
0x2d: {  	s3 =	simm.s32 $0x108;
	s8 =	sld [smem:$0x3FB6]  }
0x2e: {  	s3 =	simm.s32 @!p0 $0x1082;
	s9 =	sld [smem:$0x3FB7]  }
0x2f: {  	lr =	sadd.s32 s0, s3;
	s0 =	sld [smem:$0x3FAE]  }
0x30: {  	s3 =	sld [smem:$0x3FB1]  }
0x31: {  	[smem:$0x3FBA] =	sst s10  }
0x32: {  	s10 =	sld [smem:$0x3FB8];
	_ =	sdelay $0x3  }
0x33: {  	p0 =	seq.s32 s10, $0x1;
	s10 =	sld [smem:$0x3FBA];
	_ =	sdelay $0x3  }
0x34: {  	[smem:$0x3FBA] =	sst s10  }
0x35: {  	s10 =	sld [smem:$0x3FB9];
	_ =	sdelay $0x3  }
0x36: {  	p1 =	seq.s32 s10, $0x1;
	s10 =	sld [smem:$0x3FBA];
	_ =	sdelay $0x3  }
0x37: {  	[smem:$0x3FBA] =	sst s10  }
0x38: {  	s10 =	sld [smem:$0x3FBB]  }
0x39: {  	_ = 	snop;
	(pc) =	sbr.ind lr, $3  }
0x3a: {  	_ = 	snop  }
0x3b: {  	_ = 	snop  }
0x3c: {  	p2 =	seq.s32 s10, $0x1;
	s10 =	sld [smem:$0x3FBA]  }
0x3d: {  	_ =	shalt  }
0x3e: {  	_ =	shalt  }
0x3f: {  	_ =	shalt  }
0x40: {  	_ =	shalt  }
0x41: {  	_ =	shalt  }
0x42: {  	_ =	shalt  }
0x43: {  	_ =	shalt  }
0x44: {  	_ =	shalt  }
0x45: {  	_ =	shalt  }
0x46: {  	_ =	shalt  }
0x47: {  	_ =	shalt  }
0x48: {  	_ =	shalt  }
0x49: {  	_ =	shalt  }
0x4a: {  	_ =	shalt  }
0x4b: {  	_ =	shalt  }
0x4c: {  	_ =	shalt  }
0x4d: {  	_ =	shalt  }
0x4e: {  	_ =	shalt  }
0x4f: {  	_ =	shalt  }
0x50: {  	_ =	shalt  }
0x51: {  	_ =	shalt  }
0x52: {  	_ =	shalt  }
0x53: {  	_ =	shalt  }
0x54: {  	_ =	shalt  }
0x55: {  	_ =	shalt  }
0x56: {  	_ =	shalt  }
0x57: {  	_ =	shalt  }
0x58: {  	_ =	shalt  }
0x59: {  	_ =	shalt  }
0x5a: {  	_ =	shalt  }
0x5b: {  	_ =	shalt  }
0x5c: {  	_ =	shalt  }
0x5d: {  	_ =	shalt  }
0x5e: {  	_ =	shalt  }
0x5f: {  	_ =	shalt  }
0x60: {  	_ =	shalt  }
0x61: {  	_ =	shalt  }
0x62: {  	_ =	shalt  }
0x63: {  	_ =	shalt  }
0x64: {  	_ =	shalt  }
0x65: {  	_ =	shalt  }
0x66: {  	_ =	shalt  }
0x67: {  	_ =	shalt  }
0x68: {  	_ =	shalt  }
0x69: {  	_ =	shalt  }
0x6a: {  	_ =	shalt  }
0x6b: {  	_ =	shalt  }
0x6c: {  	_ =	shalt  }
0x6d: {  	_ =	shalt  }
0x6e: {  	_ =	shalt  }
0x6f: {  	_ =	shalt  }
0x70: {  	_ =	shalt  }
0x71: {  	_ =	shalt  }
0x72: {  	_ =	shalt  }
0x73: {  	_ =	shalt  }
0x74: {  	_ =	shalt  }
0x75: {  	_ =	shalt  }
0x76: {  	_ =	shalt  }
0x77: {  	_ =	shalt  }
0x78: {  	_ =	shalt  }
0x79: {  	_ =	shalt  }
0x7a: {  	_ =	shalt  }
0x7b: {  	_ =	shalt  }
0x7c: {  	_ =	shalt  }
0x7d: {  	_ =	shalt  }
0x7e: {  	_ =	shalt  }
0x7f: {  	_ =	shalt  }
0x80: {  	_ =	shalt  }
0x81: {  	_ =	shalt  }
0x82: {  	_ =	shalt  }
0x83: {  	_ =	shalt  }
0x84: {  	_ =	shalt  }
0x85: {  	_ =	shalt  }
0x86: {  	_ =	shalt  }
0x87: {  	_ =	shalt  }
.Lfunc_end0:
.L_simem_size_0:
called_computation.3_lowered:
.L_overlay_start_0:
0x88: {  	s2 =	sld [smem:$0x3FD9]  }
0x89: {  	s3 =	sld [smem:$0x3FFE];
	_ =	sdelay $0x1  }
0x8a: {  	s1 =	srdreg.scid  }
0x8b: {  	s0 =	sand.u32 $0x1, s1  }
0x8c: {  	s17 =	sshll.u32 s0, $0xA;
	s2 =	sadd.s32 s3, s2  }
0x8d: {  	s2 =	sadd.s32 s2, s17  }
0x8e: {  	[smem:$0x3FC6] =	sst s2  }
0x8f: {  	_ = 	snop  }
0x90: {  	s18 =	sld [smem:$0x3FC8];
	(tm) =	ssettm $0x1  }
0x91: {  	s19 =	sld [smem:$0x3FFB];
	_ =	sdelay $0x3  }
0x92: {  	_ =	strace s19  }
0x93: {  	s2 =	sld [smem:$0x3FFC];
	_ =	sdelay $0x3  }
0x94: {  	_ =	strace s2  }
0x95: {  	s2 =	sld [smem:$0x3FFD];
	_ =	sdelay $0x3  }
0x96: {  	_ =	strace s2  }
0x97: {  	_ =	strace $0x8FFFFFFF  }
0x98: {  	s20 =	sld [smem:$0x3FDB];
	_ =	sdelay $0x1  }
0x99: {  	s4 =	simm.s32 $_scs_section_size  }
0x9a: {  	s5 =	simm.s32 $_size__tile_overlayer_lowered;
	s6 =	simm.s32 $_tile_overlayer_lowered  }
0x9b: {  	s7 =	simm.s32 $0x1BFF;
	s21 =	sshll.u32 s6, $0x1;
	s4 =	sadd.s32 s4, s20  }
0x9c: {  	s22 =	simm.s32 $0x0;
	s5 =	sshll.u32 s5, $0x1;
	s6 =	sadd.s32 s21, s4  }
0x9d: {  	[timem:s22], [sflag:s7] =	dma.local [hbm:s6], s5  }
0x9e: {  	_ =	swait.ge [sflag:s7], s5  }
0x9f: {  	s5 =	ssub.s32 $0x0, s5;
	[sflag:s7] =	ssyncset.done $0x0  }
0xa0: {  	[sflag:s7] =	ssyncadd.s32 s5;
	_ =	sdelay $0x1  }
0xa1: {  	s23 =	simm.s32 $0x1B8B  }
0xa2: {  	_ =	swait.ge [sflag:s23], $0x1  }
0xa3: {  	[sflag:s23] =	ssyncset.done $0x0  }
0xa4: {  	[sflag:s23] =	ssyncadd.s32 $0xFFFFFFFF  }
0xa5: {  	s5 =	sld [smem:$0x0]  }
0xa6: {  	s6 =	sand.u32 $0xFFFFFFFE, s1  }
0xa7: {  	p0 =	sne.s32 s1, s6  }
0xa8: {  	s6 =	sshll.u32 @p0 s6, $0xE  }
0xa9: {  	s6 =	sadd.s32 @p0 $0x11B8D, s6;
	s7 =	sshll.u32 @p0 s5, $0x11  }
0xaa: {  	s6 =	sor.u32 @p0 s7, s6  }
0xab: {  	[sflag:s6] =	ssyncadd.remote.s32 @p0 $0x1;
	_ =	sdelay $0x1  }
0xac: {  	s6 =	simm.s32 @p0 $0x1B8D  }
0xad: {  	_ =	swait.eq @p0 [sflag:s6], $0x1  }
0xae: {  	[sflag:s6] =	ssyncadd.s32 @p0 $0xFFFFFFFF  }
0xaf: {  	s7 =	sshll.u32 @!p0 s1, $0xE  }
0xb0: {  	s7 =	sor.u32 @!p0 $0x4000, s7;
	s6 =	simm.s32 @!p0 $0x1B8D  }
0xb1: {  	s5 =	sshll.u32 @!p0 s5, $0x11;
	s7 =	sadd.s32 @!p0 $0x11B8D, s7;
	_ =	swait.eq @!p0 [sflag:s6], $0x1  }
0xb2: {  	s5 =	sor.u32 @!p0 s5, s7;
	[sflag:s6] =	ssyncadd.s32 @!p0 $0xFFFFFFFF  }
0xb3: {  	s25 =	simm.s32 $0x1B8E;
	s24 =	sld [smem:$0x3FFE];
	[sflag:s5] =	ssyncadd.remote.s32 @!p0 $0x1  }
0xb4: {  	s26 =	simm.s32 $execute0_lowered;
	[smem:$0x3FD2] =	sst s25  }
0xb5: {  	s6 =	sshll.u32 s26, $0x1;
	_ =	strace $0x8000004F;
	[dreg:$0x1] =	wrdreg $0xFFFFFFFF  }
0xb6: {  	s28 =	simm.s32 $_size_execute0_lowered;
	s4 =	sadd.s32 s4, s6;
	[dreg:$0x0] =	wrdreg $0x0  }
0xb7: {  	s6 =	sshll.u32 s28, $0x1;
	[dreg:$0x2] =	wrdreg s4  }
0xb8: {  	[dreg:$0x3] =	wrdreg s6  }
0xb9: {  	[dreg:$0x4] =	wrdreg $0xC0  }
0xba: {  	_ =	task [dreg:s22], $0x5FFFF  }
0xbb: {  	[dreg:$0x1] =	wrdreg $0xFFFFFFFF  }
0xbc: {  	[dreg:$0x0] =	wrdreg $0x60  }
0xbd: {  	[dreg:$0x2] =	wrdreg s24  }
0xbe: {  	[dreg:$0x3] =	wrdreg s18  }
0xbf: {  	[dreg:$0x4] =	wrdreg $0xC  }
0xc0: {  	_ =	task.clear_ibuf [dreg:s22], $0x5FFFF;
	_ =	strace $0x9000004F  }
0xc1: {  	s29 =	simm.s32 $0xC;
	_ =	strace $0x80000051  }
0xc2: {  	_ =	swait.ge [sflag:s29], $0x1  }
0xc3: {  	[sflag:s29] =	ssyncadd.s32 $0xFFFFFFFF  }
0xc4: {  	_ =	strace $0x90000051  }
0xc5: {  	_ =	sfence  }
0xc6: {  	s30 =	sld [smem:$0x0];
	_ =	sdelay $0x2  }
0xc7: {  	s31 =	sshll.u32 s1, $0xD;
	s1 =	sshrl.u32 s1, $0x2  }
0xc8: {  	s4 =	sand.u32 $0x4000, s31;
	s1 =	sadd.s32 s1, s30  }
0xc9: {  	s0 =	sor.u32 s4, s0;
	s1 =	sshll.u32 s1, $0x11  }
0xca: {  	s0 =	sor.u32 s1, s0  }
0xcb: {  	s0 =	sadd.s32 $0x8F2B, s0  }
0xcc: {  	[sflag:s0] =	ssyncadd.remote.s32 $0x1  }
0xcd: {  	_ =	sfence.sel $0xFFFF  }
0xce: {  	[dreg:$0x0] =	wrdreg $0xFFFFFFFF;
	(pc) =	sbr.abs _section_cstart, $3  }
0xcf: {  	[dreg:$0x1] =	wrdreg $0xFFFFFFFF  }
0xd0: {  	_ =	task.clear_ibuf [dreg:s22], $0x2FFFF;
	_ =	strace $0x9FFFFFFF  }
0xd1: {  	(tm) =	ssettm $0x7FFFFFFF  }
tec
execute0_lowered:
.L_overlay_start_1:
0x0: {  	(tag) =	ssettag $0x1  }
0x1: {  	s4 =	rddreg [dreg:$0x0]  }
0x2: {  	s2 =	rddreg [dreg:$0x1]  }
0x3: {  	s0 =	rddreg [dreg:$0x2];
	s5 =	srdreg.scid  }
0x4: {  	s1 =	stileid.u32;
	s3 =	simm.s32 $0x0;
	s14 =	simm.s32 $0x1080  }
0x5: {  	s15 =	simm.s32 $0x1880;
	s16 =	simm.s32 $0x2080;
	s17 =	simm.s32 $0x2880  }
0x6: {  	s18 =	simm.s32 $0x3080;
	s19 =	simm.s32 $0x3880;
	s20 =	simm.s32 $0x4080  }
0x7: {  	s21 =	simm.s32 $0x4880;
	s22 =	simm.s32 $0x5080;
	s23 =	simm.s32 $0x5880  }
0x8: {  	s24 =	simm.s32 $0x1;
	s5 =	sand.u32 $0x1, s5;
	s6 =	sshll.u32 s1, $0x1  }
0x9: {  	[smem:$0x7FF] =	sst s3;
	s8 =	sadd.s32 $0x95000, s4;
	s6 =	sor.u32 s5, s6  }
0xa: {  	s9 =	sadd.s32 $0x95600, s4;
	s5 =	ssub.s32 $0x2, s5;
	s7 =	smul.u32 $0x120, s6  }
0xb: {  	_ =	strace $0x80000050;
	s28 =	sshrl.u32 s5, $0x1;
	s6 =	smul.u32 $0x2400, s6  }
0xc: {  	s12 =	ssub.s32 s5, s28;
	s10 =	sshrl.u32 s7, $0x3;
	s11 =	sadd.s32 $0x60, s7  }
0xd: {  	s5 =	sadd.s32 s9, s6;
	s7 =	sadd.s32 $0xC0, s7;
	s4 =	sadd.s32 s8, s10  }
0xe: {  	s29 =	sshrl.u32 s11, $0x3;
	s30 =	sshll.u32 s11, $0x5;
	s31 =	sshrl.u32 s7, $0x3  }
0xf: {  	v2 =	vlaneseq.u32;
	s13 =	sshll.u32 s7, $0x5;
	s10 =	smax.u32 s12, $0x1;
	s11 =	simm.s32 $0x2  }
0x10: {  	vm0 =	vmmov $0xffff;
	v1 =	vshrl.u32 v2, $0x3;
	s12 =	simm.s32 $0x80;
	s6 =	sadd.s32 s8, s29;
	s7 =	sadd.s32 s9, s30  }
0x11: {  	v0 =	vand.u32 $0x7, v2;
	v2 =	vor.u32 $0x8, v2;
	v1 =	vmul.u32 $0x8, v1;
	s8 =	sadd.s32 s8, s31;
	s9 =	sadd.s32 s9, s13;
	s13 =	simm.s32 $0x880  }
.LBB2_1:
0x12: {  	[tilespmem:s3], [sflag:$0x2] =	stream.linear.gather [hbm4b:s4+s3], $0x60, $0x38;
	[tilespmem:$0x6080] =	vst v63  }
0x13: {  	_ =	swait.ge [sflag:s11], $0x60  }
0x14: {  	[sflag:s11] =	ssyncset.done $0x0  }
0x15: {  	[sflag:s11] =	ssyncadd.s32 $0xFFFFFFA0  }
0x16: {  	v3 =	vld [tilespmem:$0x0];
	_ =	sdelay $0x4  }
0x17: {  	v4 =	vshll.u32 v3, $0x1  }
0x18: {  	v3 =	vand.u32 $0x7, v3;
	v4 =	vand.u32 $0xFFFFFFF0, v4  }
0x19: {  	v3 =	vor.u32 v3, v4  }
0x1a: {  	v4 =	vperm.xlane v3, v0;
	_ =	sdelay $0x1  }
0x1b: {  	v3 =	vperm.xlane v3, v2;
	v4 =	vadd.s32 v1, v4;
	_ =	sdelay $0x1  }
0x1c: {  	v3 =	vadd.s32 v1, v3;
	_ =	sdelay $0x2  }
0x1d: {  	[tilespmem:s12], [sflag:$0x1] =	stream.indirect_vreg.gather [hbm4b:s2+s3], $0x80, v4, vm0, $0xb8;
	[tilespmem:$0x6080] =	vst v63  }
0x1e: {  	_ = 	snop  }
0x1f: {  	[tilespmem:s13], [sflag:$0x1] =	stream.indirect_vreg.gather [hbm4b:s2+s3], $0x80, v3, vm0, $0xb8;
	[tilespmem:$0x6080] =	vst v63  }
0x20: {  	v3 =	vld [tilespmem:$0x10];
	_ =	sdelay $0x4  }
0x21: {  	v47 =	vshll.u32 v3, $0x1  }
0x22: {  	v3 =	vand.u32 $0x7, v3;
	v4 =	vand.u32 $0xFFFFFFF0, v47  }
0x23: {  	v3 =	vor.u32 v3, v4  }
0x24: {  	v4 =	vperm.xlane v3, v0;
	_ =	sdelay $0x1  }
0x25: {  	v3 =	vperm.xlane v3, v2;
	v4 =	vadd.s32 v1, v4;
	_ =	sdelay $0x1  }
0x26: {  	v3 =	vadd.s32 v1, v3;
	_ =	sdelay $0x2  }
0x27: {  	[tilespmem:s14], [sflag:$0x1] =	stream.indirect_vreg.gather [hbm4b:s2+s3], $0x80, v4, vm0, $0xb8;
	[tilespmem:$0x6080] =	vst v63  }
0x28: {  	_ = 	snop  }
0x29: {  	[tilespmem:s15], [sflag:$0x1] =	stream.indirect_vreg.gather [hbm4b:s2+s3], $0x80, v3, vm0, $0xb8;
	[tilespmem:$0x6080] =	vst v63  }
0x2a: {  	v3 =	vld [tilespmem:$0x20];
	_ =	sdelay $0x4  }
0x2b: {  	v48 =	vshll.u32 v3, $0x1  }
0x2c: {  	v3 =	vand.u32 $0x7, v3;
	v4 =	vand.u32 $0xFFFFFFF0, v48  }
0x2d: {  	v3 =	vor.u32 v3, v4  }
0x2e: {  	v4 =	vperm.xlane v3, v0;
	_ =	sdelay $0x1  }
0x2f: {  	v3 =	vperm.xlane v3, v2;
	v4 =	vadd.s32 v1, v4;
	_ =	sdelay $0x1  }
0x30: {  	v3 =	vadd.s32 v1, v3;
	_ =	sdelay $0x2  }
0x31: {  	[tilespmem:s16], [sflag:$0x1] =	stream.indirect_vreg.gather [hbm4b:s2+s3], $0x80, v4, vm0, $0xb8;
	[tilespmem:$0x6080] =	vst v63  }
0x32: {  	_ = 	snop  }
0x33: {  	[tilespmem:s17], [sflag:$0x1] =	stream.indirect_vreg.gather [hbm4b:s2+s3], $0x80, v3, vm0, $0xb8;
	[tilespmem:$0x6080] =	vst v63  }
0x34: {  	v3 =	vld [tilespmem:$0x30];
	_ =	sdelay $0x4  }
0x35: {  	v49 =	vshll.u32 v3, $0x1  }
0x36: {  	v3 =	vand.u32 $0x7, v3;
	v4 =	vand.u32 $0xFFFFFFF0, v49  }
0x37: {  	v3 =	vor.u32 v3, v4  }
0x38: {  	v4 =	vperm.xlane v3, v0;
	_ =	sdelay $0x1  }
0x39: {  	v3 =	vperm.xlane v3, v2;
	v4 =	vadd.s32 v1, v4;
	_ =	sdelay $0x1  }
0x3a: {  	v3 =	vadd.s32 v1, v3;
	_ =	sdelay $0x2  }
0x3b: {  	[tilespmem:s18], [sflag:$0x1] =	stream.indirect_vreg.gather [hbm4b:s2+s3], $0x80, v4, vm0, $0xb8;
	[tilespmem:$0x6080] =	vst v63  }
0x3c: {  	_ = 	snop  }
0x3d: {  	[tilespmem:s19], [sflag:$0x1] =	stream.indirect_vreg.gather [hbm4b:s2+s3], $0x80, v3, vm0, $0xb8;
	[tilespmem:$0x6080] =	vst v63  }
0x3e: {  	v3 =	vld [tilespmem:$0x40];
	_ =	sdelay $0x4  }
0x3f: {  	v50 =	vshll.u32 v3, $0x1  }
0x40: {  	v3 =	vand.u32 $0x7, v3;
	v4 =	vand.u32 $0xFFFFFFF0, v50  }
0x41: {  	v3 =	vor.u32 v3, v4  }
0x42: {  	v4 =	vperm.xlane v3, v0;
	_ =	sdelay $0x1  }
0x43: {  	v3 =	vperm.xlane v3, v2;
	v4 =	vadd.s32 v1, v4;
	_ =	sdelay $0x1  }
0x44: {  	v3 =	vadd.s32 v1, v3;
	_ =	sdelay $0x2  }
0x45: {  	[tilespmem:s20], [sflag:$0x1] =	stream.indirect_vreg.gather [hbm4b:s2+s3], $0x80, v4, vm0, $0xb8;
	[tilespmem:$0x6080] =	vst v63  }
0x46: {  	_ = 	snop  }
0x47: {  	[tilespmem:s21], [sflag:$0x1] =	stream.indirect_vreg.gather [hbm4b:s2+s3], $0x80, v3, vm0, $0xb8;
	[tilespmem:$0x6080] =	vst v63  }
0x48: {  	v3 =	vld [tilespmem:$0x50];
	_ =	sdelay $0x4  }
0x49: {  	v51 =	vshll.u32 v3, $0x1  }
0x4a: {  	v3 =	vand.u32 $0x7, v3;
	v4 =	vand.u32 $0xFFFFFFF0, v51  }
0x4b: {  	v3 =	vor.u32 v3, v4  }
0x4c: {  	v4 =	vperm.xlane v3, v0;
	_ =	sdelay $0x1  }
0x4d: {  	v3 =	vperm.xlane v3, v2;
	v4 =	vadd.s32 v1, v4;
	_ =	sdelay $0x1  }
0x4e: {  	v3 =	vadd.s32 v1, v3;
	_ =	sdelay $0x2  }
0x4f: {  	[tilespmem:s22], [sflag:$0x1] =	stream.indirect_vreg.gather [hbm4b:s2+s3], $0x80, v4, vm0, $0xb8;
	[tilespmem:$0x6080] =	vst v63  }
0x50: {  	_ = 	snop  }
0x51: {  	[tilespmem:s23], [sflag:$0x1] =	stream.indirect_vreg.gather [hbm4b:s2+s3], $0x80, v3, vm0, $0xb8;
	[tilespmem:$0x6080] =	vst v63  }
0x52: {  	_ =	swait.ge [sflag:s24], $0x6000  }
0x53: {  	[sflag:s24] =	ssyncset.done $0x0  }
0x54: {  	[sflag:s24] =	ssyncadd.s32 $0xFFFFA000  }
0x55: {  	[hbm4b:s5+s3] =	stream.linear.scatter [tilespmem:s12], [sflag:$0x2], $0x6000, $0x38;
	[tilespmem:$0x6080] =	vst v63  }
0x56: {  	_ =	swait.ge [sflag:s11], $0x6000  }
0x57: {  	[sflag:s11] =	ssyncset.done $0x0  }
0x58: {  	[sflag:s11] =	ssyncadd.s32 $0xFFFFA000  }
0x59: {  	[tilespmem:s3], [sflag:$0x2] =	stream.linear.gather [hbm4b:s6+s3], $0x60, $0x38;
	[tilespmem:$0x6080] =	vst v63  }
0x5a: {  	_ =	swait.ge [sflag:s11], $0x60  }
0x5b: {  	[sflag:s11] =	ssyncset.done $0x0  }
0x5c: {  	[sflag:s11] =	ssyncadd.s32 $0xFFFFFFA0  }
0x5d: {  	v3 =	vld [tilespmem:$0x0];
	_ =	sdelay $0x4  }
0x5e: {  	v52 =	vshll.u32 v3, $0x1  }
0x5f: {  	v3 =	vand.u32 $0x7, v3;
	v4 =	vand.u32 $0xFFFFFFF0, v52  }
0x60: {  	v3 =	vor.u32 v3, v4  }
0x61: {  	v4 =	vperm.xlane v3, v0;
	_ =	sdelay $0x1  }
0x62: {  	v3 =	vperm.xlane v3, v2;
	v4 =	vadd.s32 v1, v4;
	_ =	sdelay $0x1  }
0x63: {  	v3 =	vadd.s32 v1, v3;
	_ =	sdelay $0x2  }
0x64: {  	[tilespmem:s12], [sflag:$0x1] =	stream.indirect_vreg.gather [hbm4b:s2+s3], $0x80, v4, vm0, $0xb8;
	[tilespmem:$0x6080] =	vst v63  }
0x65: {  	_ = 	snop  }
0x66: {  	[tilespmem:s13], [sflag:$0x1] =	stream.indirect_vreg.gather [hbm4b:s2+s3], $0x80, v3, vm0, $0xb8;
	[tilespmem:$0x6080] =	vst v63  }
0x67: {  	v3 =	vld [tilespmem:$0x10];
	_ =	sdelay $0x4  }
0x68: {  	v53 =	vshll.u32 v3, $0x1  }
0x69: {  	v3 =	vand.u32 $0x7, v3;
	v4 =	vand.u32 $0xFFFFFFF0, v53  }
0x6a: {  	v3 =	vor.u32 v3, v4  }
0x6b: {  	v4 =	vperm.xlane v3, v0;
	_ =	sdelay $0x1  }
0x6c: {  	v3 =	vperm.xlane v3, v2;
	v4 =	vadd.s32 v1, v4;
	_ =	sdelay $0x1  }
0x6d: {  	v3 =	vadd.s32 v1, v3;
	_ =	sdelay $0x2  }
0x6e: {  	[tilespmem:s14], [sflag:$0x1] =	stream.indirect_vreg.gather [hbm4b:s2+s3], $0x80, v4, vm0, $0xb8;
	[tilespmem:$0x6080] =	vst v63  }
0x6f: {  	_ = 	snop  }
0x70: {  	[tilespmem:s15], [sflag:$0x1] =	stream.indirect_vreg.gather [hbm4b:s2+s3], $0x80, v3, vm0, $0xb8;
	[tilespmem:$0x6080] =	vst v63  }
0x71: {  	v3 =	vld [tilespmem:$0x20];
	_ =	sdelay $0x4  }
0x72: {  	v54 =	vshll.u32 v3, $0x1  }
0x73: {  	v3 =	vand.u32 $0x7, v3;
	v4 =	vand.u32 $0xFFFFFFF0, v54  }
0x74: {  	v3 =	vor.u32 v3, v4  }
0x75: {  	v4 =	vperm.xlane v3, v0;
	_ =	sdelay $0x1  }
0x76: {  	v3 =	vperm.xlane v3, v2;
	v4 =	vadd.s32 v1, v4;
	_ =	sdelay $0x1  }
0x77: {  	v3 =	vadd.s32 v1, v3;
	_ =	sdelay $0x2  }
0x78: {  	[tilespmem:s16], [sflag:$0x1] =	stream.indirect_vreg.gather [hbm4b:s2+s3], $0x80, v4, vm0, $0xb8;
	[tilespmem:$0x6080] =	vst v63  }
0x79: {  	_ = 	snop  }
0x7a: {  	[tilespmem:s17], [sflag:$0x1] =	stream.indirect_vreg.gather [hbm4b:s2+s3], $0x80, v3, vm0, $0xb8;
	[tilespmem:$0x6080] =	vst v63  }
0x7b: {  	v3 =	vld [tilespmem:$0x30];
	_ =	sdelay $0x4  }
0x7c: {  	v55 =	vshll.u32 v3, $0x1  }
0x7d: {  	v3 =	vand.u32 $0x7, v3;
	v4 =	vand.u32 $0xFFFFFFF0, v55  }
0x7e: {  	v3 =	vor.u32 v3, v4  }
0x7f: {  	v4 =	vperm.xlane v3, v0;
	_ =	sdelay $0x1  }
0x80: {  	v3 =	vperm.xlane v3, v2;
	v4 =	vadd.s32 v1, v4;
	_ =	sdelay $0x1  }
0x81: {  	v3 =	vadd.s32 v1, v3;
	_ =	sdelay $0x2  }
0x82: {  	[tilespmem:s18], [sflag:$0x1] =	stream.indirect_vreg.gather [hbm4b:s2+s3], $0x80, v4, vm0, $0xb8;
	[tilespmem:$0x6080] =	vst v63  }
0x83: {  	_ = 	snop  }
0x84: {  	[tilespmem:s19], [sflag:$0x1] =	stream.indirect_vreg.gather [hbm4b:s2+s3], $0x80, v3, vm0, $0xb8;
	[tilespmem:$0x6080] =	vst v63  }
0x85: {  	v3 =	vld [tilespmem:$0x40];
	_ =	sdelay $0x4  }
0x86: {  	v56 =	vshll.u32 v3, $0x1  }
0x87: {  	v3 =	vand.u32 $0x7, v3;
	v4 =	vand.u32 $0xFFFFFFF0, v56  }
0x88: {  	v3 =	vor.u32 v3, v4  }
0x89: {  	v4 =	vperm.xlane v3, v0;
	_ =	sdelay $0x1  }
0x8a: {  	v3 =	vperm.xlane v3, v2;
	v4 =	vadd.s32 v1, v4;
	_ =	sdelay $0x1  }
0x8b: {  	v3 =	vadd.s32 v1, v3;
	_ =	sdelay $0x2  }
0x8c: {  	[tilespmem:s20], [sflag:$0x1] =	stream.indirect_vreg.gather [hbm4b:s2+s3], $0x80, v4, vm0, $0xb8;
	[tilespmem:$0x6080] =	vst v63  }
0x8d: {  	_ = 	snop  }
0x8e: {  	[tilespmem:s21], [sflag:$0x1] =	stream.indirect_vreg.gather [hbm4b:s2+s3], $0x80, v3, vm0, $0xb8;
	[tilespmem:$0x6080] =	vst v63  }
0x8f: {  	v3 =	vld [tilespmem:$0x50];
	_ =	sdelay $0x4  }
0x90: {  	v57 =	vshll.u32 v3, $0x1  }
0x91: {  	v3 =	vand.u32 $0x7, v3;
	v4 =	vand.u32 $0xFFFFFFF0, v57  }
0x92: {  	v3 =	vor.u32 v3, v4  }
0x93: {  	v4 =	vperm.xlane v3, v0;
	_ =	sdelay $0x1  }
0x94: {  	v3 =	vperm.xlane v3, v2;
	v4 =	vadd.s32 v1, v4;
	_ =	sdelay $0x1  }
0x95: {  	v3 =	vadd.s32 v1, v3;
	_ =	sdelay $0x2  }
0x96: {  	[tilespmem:s22], [sflag:$0x1] =	stream.indirect_vreg.gather [hbm4b:s2+s3], $0x80, v4, vm0, $0xb8;
	[tilespmem:$0x6080] =	vst v63  }
0x97: {  	_ = 	snop  }
0x98: {  	[tilespmem:s23], [sflag:$0x1] =	stream.indirect_vreg.gather [hbm4b:s2+s3], $0x80, v3, vm0, $0xb8;
	[tilespmem:$0x6080] =	vst v63  }
0x99: {  	_ =	swait.ge [sflag:s24], $0x6000  }
0x9a: {  	[sflag:s24] =	ssyncset.done $0x0  }
0x9b: {  	[sflag:s24] =	ssyncadd.s32 $0xFFFFA000  }
0x9c: {  	[hbm4b:s7+s3] =	stream.linear.scatter [tilespmem:s12], [sflag:$0x2], $0x6000, $0x38;
	[tilespmem:$0x6080] =	vst v63  }
0x9d: {  	_ =	swait.ge [sflag:s11], $0x6000  }
0x9e: {  	[sflag:s11] =	ssyncset.done $0x0  }
0x9f: {  	[sflag:s11] =	ssyncadd.s32 $0xFFFFA000  }
0xa0: {  	[tilespmem:s3], [sflag:$0x2] =	stream.linear.gather [hbm4b:s8+s3], $0x60, $0x38;
	[tilespmem:$0x6080] =	vst v63  }
0xa1: {  	_ =	swait.ge [sflag:s11], $0x60  }
0xa2: {  	[sflag:s11] =	ssyncset.done $0x0  }
0xa3: {  	[sflag:s11] =	ssyncadd.s32 $0xFFFFFFA0  }
0xa4: {  	v3 =	vld [tilespmem:$0x0];
	_ =	sdelay $0x4  }
0xa5: {  	v58 =	vshll.u32 v3, $0x1  }
0xa6: {  	v3 =	vand.u32 $0x7, v3;
	v4 =	vand.u32 $0xFFFFFFF0, v58  }
0xa7: {  	v3 =	vor.u32 v3, v4  }
0xa8: {  	v4 =	vperm.xlane v3, v0;
	_ =	sdelay $0x1  }
0xa9: {  	v3 =	vperm.xlane v3, v2;
	v4 =	vadd.s32 v1, v4;
	_ =	sdelay $0x1  }
0xaa: {  	v3 =	vadd.s32 v1, v3;
	_ =	sdelay $0x2  }
0xab: {  	[tilespmem:s12], [sflag:$0x1] =	stream.indirect_vreg.gather [hbm4b:s2+s3], $0x80, v4, vm0, $0xb8;
	[tilespmem:$0x6080] =	vst v63  }
0xac: {  	_ = 	snop  }
0xad: {  	[tilespmem:s13], [sflag:$0x1] =	stream.indirect_vreg.gather [hbm4b:s2+s3], $0x80, v3, vm0, $0xb8;
	[tilespmem:$0x6080] =	vst v63  }
0xae: {  	v3 =	vld [tilespmem:$0x10];
	_ =	sdelay $0x4  }
0xaf: {  	v59 =	vshll.u32 v3, $0x1  }
0xb0: {  	v3 =	vand.u32 $0x7, v3;
	v4 =	vand.u32 $0xFFFFFFF0, v59  }
0xb1: {  	v3 =	vor.u32 v3, v4  }
0xb2: {  	v4 =	vperm.xlane v3, v0;
	_ =	sdelay $0x1  }
0xb3: {  	v3 =	vperm.xlane v3, v2;
	v4 =	vadd.s32 v1, v4;
	_ =	sdelay $0x1  }
0xb4: {  	v3 =	vadd.s32 v1, v3;
	_ =	sdelay $0x2  }
0xb5: {  	[tilespmem:s14], [sflag:$0x1] =	stream.indirect_vreg.gather [hbm4b:s2+s3], $0x80, v4, vm0, $0xb8;
	[tilespmem:$0x6080] =	vst v63  }
0xb6: {  	_ = 	snop  }
0xb7: {  	[tilespmem:s15], [sflag:$0x1] =	stream.indirect_vreg.gather [hbm4b:s2+s3], $0x80, v3, vm0, $0xb8;
	[tilespmem:$0x6080] =	vst v63  }
0xb8: {  	v3 =	vld [tilespmem:$0x20];
	_ =	sdelay $0x4  }
0xb9: {  	v60 =	vshll.u32 v3, $0x1  }
0xba: {  	v3 =	vand.u32 $0x7, v3;
	v4 =	vand.u32 $0xFFFFFFF0, v60  }
0xbb: {  	v3 =	vor.u32 v3, v4  }
0xbc: {  	v4 =	vperm.xlane v3, v0;
	_ =	sdelay $0x1  }
0xbd: {  	v3 =	vperm.xlane v3, v2;
	v4 =	vadd.s32 v1, v4;
	_ =	sdelay $0x1  }
0xbe: {  	v3 =	vadd.s32 v1, v3;
	_ =	sdelay $0x2  }
0xbf: {  	[tilespmem:s16], [sflag:$0x1] =	stream.indirect_vreg.gather [hbm4b:s2+s3], $0x80, v4, vm0, $0xb8;
	[tilespmem:$0x6080] =	vst v63  }
0xc0: {  	_ = 	snop  }
0xc1: {  	[tilespmem:s17], [sflag:$0x1] =	stream.indirect_vreg.gather [hbm4b:s2+s3], $0x80, v3, vm0, $0xb8;
	[tilespmem:$0x6080] =	vst v63  }
0xc2: {  	v3 =	vld [tilespmem:$0x30];
	_ =	sdelay $0x4  }
0xc3: {  	v61 =	vshll.u32 v3, $0x1  }
0xc4: {  	v3 =	vand.u32 $0x7, v3;
	v4 =	vand.u32 $0xFFFFFFF0, v61  }
0xc5: {  	v3 =	vor.u32 v3, v4  }
0xc6: {  	v4 =	vperm.xlane v3, v0;
	_ =	sdelay $0x1  }
0xc7: {  	v3 =	vperm.xlane v3, v2;
	v4 =	vadd.s32 v1, v4;
	_ =	sdelay $0x1  }
0xc8: {  	v3 =	vadd.s32 v1, v3;
	_ =	sdelay $0x2  }
0xc9: {  	[tilespmem:s18], [sflag:$0x1] =	stream.indirect_vreg.gather [hbm4b:s2+s3], $0x80, v4, vm0, $0xb8;
	[tilespmem:$0x6080] =	vst v63  }
0xca: {  	_ = 	snop  }
0xcb: {  	[tilespmem:s19], [sflag:$0x1] =	stream.indirect_vreg.gather [hbm4b:s2+s3], $0x80, v3, vm0, $0xb8;
	[tilespmem:$0x6080] =	vst v63  }
0xcc: {  	v3 =	vld [tilespmem:$0x40];
	_ =	sdelay $0x4  }
0xcd: {  	v62 =	vshll.u32 v3, $0x1  }
0xce: {  	v3 =	vand.u32 $0x7, v3;
	v4 =	vand.u32 $0xFFFFFFF0, v62  }
0xcf: {  	v3 =	vor.u32 v3, v4  }
0xd0: {  	v4 =	vperm.xlane v3, v0;
	_ =	sdelay $0x1  }
0xd1: {  	v3 =	vperm.xlane v3, v2;
	v4 =	vadd.s32 v1, v4;
	_ =	sdelay $0x1  }
0xd2: {  	v3 =	vadd.s32 v1, v3;
	_ =	sdelay $0x2  }
0xd3: {  	[tilespmem:s20], [sflag:$0x1] =	stream.indirect_vreg.gather [hbm4b:s2+s3], $0x80, v4, vm0, $0xb8;
	[tilespmem:$0x6080] =	vst v63  }
0xd4: {  	_ = 	snop  }
0xd5: {  	[tilespmem:s21], [sflag:$0x1] =	stream.indirect_vreg.gather [hbm4b:s2+s3], $0x80, v3, vm0, $0xb8;
	[tilespmem:$0x6080] =	vst v63  }
0xd6: {  	v3 =	vld [tilespmem:$0x50];
	_ =	sdelay $0x4  }
0xd7: {  	v63 =	vshll.u32 v3, $0x1  }
0xd8: {  	v3 =	vand.u32 $0x7, v3;
	v4 =	vand.u32 $0xFFFFFFF0, v63  }
0xd9: {  	v3 =	vor.u32 v3, v4  }
0xda: {  	v4 =	vperm.xlane v3, v0;
	_ =	sdelay $0x1  }
0xdb: {  	v3 =	vperm.xlane v3, v2;
	v4 =	vadd.s32 v1, v4;
	_ =	sdelay $0x1  }
0xdc: {  	v3 =	vadd.s32 v1, v3;
	_ =	sdelay $0x2  }
0xdd: {  	[tilespmem:s22], [sflag:$0x1] =	stream.indirect_vreg.gather [hbm4b:s2+s3], $0x80, v4, vm0, $0xb8;
	[tilespmem:$0x6080] =	vst v63  }
0xde: {  	_ = 	snop  }
0xdf: {  	[tilespmem:s23], [sflag:$0x1] =	stream.indirect_vreg.gather [hbm4b:s2+s3], $0x80, v3, vm0, $0xb8;
	[tilespmem:$0x6080] =	vst v63  }
0xe0: {  	_ =	swait.ge [sflag:s24], $0x6000  }
0xe1: {  	p0 =	sne.s32 s10, $0x1;
	[sflag:s24] =	ssyncset.done $0x0  }
.Ltmp0:
0xe2: {  	[sflag:s24] =	ssyncadd.s32 $0xFFFFA000;
	(pc) =	sbr.rel @p0 .LBB2_1-.Ltmp0, $4  }
0xe3: {  	[hbm4b:s9+s3] =	stream.linear.scatter [tilespmem:s12], [sflag:$0x2], $0x6000, $0x38;
	[tilespmem:$0x6080] =	vst v63  }
0xe4: {  	_ =	swait.ge [sflag:s11], $0x6000  }
0xe5: {  	[sflag:s11] =	ssyncset.done $0x0  }
0xe6: {  	s10 =	sadd.s32 $0xFFFFFFFF, s10;
	[sflag:s11] =	ssyncadd.s32 $0xFFFFA000  }
0xe7: {  	_ =	sfence.sel $0x180000  }
0xe8: {  	[bflag:$0x0] =	sbarrier.arrive $0xFFFF  }
0xe9: {  	p0 =	sne.s32 s1, $0x0;
	_ =	strace $0x90000050  }
0xea: {  	s0 =	sadd.s32 @!p0 $0x100000, s0;
	[bflag:$0x2] =	sbarrier.arrive $0xFFFF  }
0xeb: {  	[sflag:s0] =	ssyncadd.tile.s32 @!p0 $0x1;
	_ =	shalt  }
.Lfunc_end2:
_tile_overlayer_lowered:
.L_overlay_start_2:
0xec: {  	(tag) =	ssettag $0x2  }
0xed: {  	s0 =	rddreg [dreg:$0x0];
	s2 =	stileid.u32  }
0xee: {  	s1 =	rddreg [dreg:$0x1];
	p0 =	sne.s32 s2, $0x0  }
0xef: {  	s3 =	rddreg [dreg:$0x2];
	[bflag:$0x3] =	sbarrier.arrive $0xFFFF;
	s2 =	simm.s32 @!p0 $0x1C02  }
0xf0: {  	[timem:s3], [sflag:s2] =	dma.local @!p0 [hbm:s0], s1  }
0xf1: {  	s0 =	simm.s32 @!p0 $0x2  }
0xf2: {  	_ =	swait.ge @!p0 [sflag:s0], s1  }
0xf3: {  	s1 =	ssub.s32 @!p0 $0x0, s1;
	[sflag:s0] =	ssyncset.done @!p0 $0x0  }
0xf4: {  	[sflag:s0] =	ssyncadd.s32 @!p0 s1  }
0xf5: {  	[bflag:$0x3] =	sbarrier.arrive $0xFFFF  }
0xf6: {  	_ =	shalt  }

</sc_bundles>
